<compile_context>
chip_gen: v7x
topology: tpu7x:2x2x1
jax: 0.10.2.dev20260603
libtpu: 0.0.44.dev20260713+nightly
codegen_flags: <defaults>
</compile_context>

<pallas_src>
import functools

import jax
import jax.numpy as jnp
from jax import lax
from jax.experimental import pallas as pl
from jax.experimental.pallas import tpu as pltpu
from jax.experimental.pallas import tpu_sc as plsc

B = 16384
K = 32
NC = 2
NS = 16
NW = NC * NS
BPW = B // NW
NCHUNK = 4
CH = BPW // NCHUNK
GROUPS = BPW // 16
GPC = CH // 16

@functools.cache
def _build_mf_sc():
    mesh = plsc.VectorSubcoreMesh(core_axis_name="c", subcore_axis_name="s")
    return functools.partial(
        pl.kernel,
        mesh=mesh,
        compiler_params=pltpu.CompilerParams(use_tc_tiling_on_sc=False),
        out_type=jax.ShapeDtypeStruct((B,), jnp.float32),
        scratch_types=[
            pltpu.VMEM((NCHUNK, CH), jnp.int32),
            pltpu.VMEM((NCHUNK, CH), jnp.int32),
            pltpu.VMEM((NCHUNK, CH, K // 2), jnp.int32),
            pltpu.VMEM((NCHUNK, CH, K // 2), jnp.int32),
            pltpu.VMEM((NCHUNK, CH), jnp.float32),
            pltpu.VMEM((NCHUNK, CH), jnp.float32),
            pltpu.VMEM((NCHUNK, CH), jnp.float32),
            pltpu.SemaphoreType.DMA,
        ],
    )(_mf_sc)


def _mf_sc(w_hbm, u_hbm, W_hbm, U_hbm, Bb_hbm, Cb_hbm, out_hbm,
           idxw, idxu, we, ue, bb, cb, outv, sem):
    wid = lax.axis_index("s") * NC + lax.axis_index("c")
    base = wid * BPW

    for j in range(NCHUNK):
        pltpu.sync_copy(w_hbm.at[pl.ds(base + j * CH, CH)], idxw.at[j])
        pltpu.sync_copy(u_hbm.at[pl.ds(base + j * CH, CH)], idxu.at[j])

    copies = []
    for j in range(NCHUNK):
        copies.append(pltpu.async_copy(W_hbm.at[idxw.at[j]], we.at[j], sem))
        copies.append(pltpu.async_copy(U_hbm.at[idxu.at[j]], ue.at[j], sem))
        copies.append(pltpu.async_copy(Bb_hbm.at[idxw.at[j]], bb.at[j], sem))
        copies.append(pltpu.async_copy(Cb_hbm.at[idxu.at[j]], cb.at[j], sem))
    for cp in copies:
        cp.wait()

    lane = lax.iota(jnp.int32, 16)

    def hsum(x):
        for sh in (8, 4, 2, 1):
            x = x + jnp.take_along_axis(x, lane ^ sh, axis=0)
        return x

    def dot_body(g, carry):
        c = g // GPC
        r0 = (g % GPC) * 16
        acc = jnp.zeros((16,), jnp.float32)
        for j in range(16):
            r = r0 + j
            rw = we[c, r, :]
            ru = ue[c, r, :]
            hi = jnp.int32(-65536)
            s = (lax.bitcast_convert_type(rw << 16, jnp.float32)
                 * lax.bitcast_convert_type(ru << 16, jnp.float32)
                 + lax.bitcast_convert_type(rw & hi, jnp.float32)
                 * lax.bitcast_convert_type(ru & hi, jnp.float32))
            acc = jnp.where(lane == j, hsum(s), acc)
        outv[c, pl.ds(r0, 16)] = (acc + bb[c, pl.ds(r0, 16)]
                                  + cb[c, pl.ds(r0, 16)])
        return carry

    lax.fori_loop(0, GROUPS, dot_body, 0)

    for j in range(NCHUNK):
        pltpu.sync_copy(outv.at[j], out_hbm.at[pl.ds(base + j * CH, CH)])


def kernel(w, u, W_emb, U_emb, B_emb, C_emb):
    wf = w.reshape(B).astype(jnp.int32)
    uf = u.reshape(B).astype(jnp.int32)
    wp = lax.bitcast_convert_type(
        W_emb.astype(jnp.bfloat16).reshape(-1, K // 2, 2), jnp.int32)
    up = lax.bitcast_convert_type(
        U_emb.astype(jnp.bfloat16).reshape(-1, K // 2, 2), jnp.int32)
    out = _build_mf_sc()(wf, uf, wp, up,
                         B_emb.reshape(-1), C_emb.reshape(-1))
    return out.reshape(B, 1, 1)

# --- scband reference (transcript-rebuilt; emitter-appended) ---
"""Pipeline reference for scband-mfmodel-26757646254098 (READ-ONLY COPY).

The authoritative reference and input builder live on the scoring server;
editing this copy changes nothing except your own understanding.
"""

import jax, jax.numpy as jnp
import numpy as np

N = 1000000  # item vocab (n)
M = 1000000  # user vocab (m)
K = 32       # embedding dim (k)
B = 16384    # batch

def setup_inputs(seed: int = 0) -> dict:
    key = jax.random.key(seed)
    k1, k2, k3, k4, k5, k6 = jax.random.split(key, 6)
    w = jax.random.randint(k1, (B, 1), 0, N)
    u = jax.random.randint(k2, (B, 1), 0, M)
    W_emb = jax.random.normal(k3, (N, K), dtype=jnp.float32) * 0.01
    U_emb = jax.random.normal(k4, (M, K), dtype=jnp.float32) * 0.01
    B_emb = jax.random.normal(k5, (N, 1), dtype=jnp.float32) * 0.01
    C_emb = jax.random.normal(k6, (M, 1), dtype=jnp.float32) * 0.01
    return {"w": w, "u": u, "W_emb": W_emb, "U_emb": U_emb, "B_emb": B_emb, "C_emb": C_emb}

def reference(w, u, W_emb, U_emb, B_emb, C_emb):
    # Embedding lookups: [B, 1] indices -> [B, 1, K]
    we = jnp.take(W_emb, w, axis=0)          # [B, 1, K]
    ue = jnp.take(U_emb, u, axis=0)          # [B, 1, K]
    # Dot(axes=2): contract over the embedding dim -> [B, 1, 1]
    dot = jnp.einsum('bik,bjk->bij', we, ue)  # [B, 1, 1]
    # Bias embeddings: [B, 1] -> [B, 1, 1]
    b = jnp.take(B_emb, w, axis=0)           # [B, 1, 1]
    c = jnp.take(C_emb, u, axis=0)           # [B, 1, 1]
    # Add layer: dot + item bias + user bias
    out = dot + b + c                        # [B, 1, 1]
    return out

if __name__ == "__main__":
    import jax
    _d = setup_inputs()
    print(jax.jit(kernel)(*tuple(_d.values())))

</pallas_src>

<mosaic_0001>
#map = affine_map<(d0, d1) -> (0)>
#map1 = affine_map<(d0, d1) -> (0, 0)>
module attributes {stable_mosaic.version = 14 : i64} {
  func.func @_mf_sc(%arg0: i32, %arg1: i32, %arg2: memref<16384xi32, #tpu.memory_space<hbm>>, %arg3: memref<16384xi32, #tpu.memory_space<hbm>>, %arg4: memref<1000000x16xi32, #tpu.memory_space<hbm>>, %arg5: memref<1000000x16xi32, #tpu.memory_space<hbm>>, %arg6: memref<1000000xf32, #tpu.memory_space<hbm>>, %arg7: memref<1000000xf32, #tpu.memory_space<hbm>>, %arg8: memref<16384xf32, #tpu.memory_space<hbm>>, %arg9: memref<4x128xi32, #tpu.memory_space<vmem>>, %arg10: memref<4x128xi32, #tpu.memory_space<vmem>>, %arg11: memref<4x128x16xi32, #tpu.memory_space<vmem>>, %arg12: memref<4x128x16xi32, #tpu.memory_space<vmem>>, %arg13: memref<4x128xf32, #tpu.memory_space<vmem>>, %arg14: memref<4x128xf32, #tpu.memory_space<vmem>>, %arg15: memref<4x128xf32, #tpu.memory_space<vmem>>, %arg16: memref<!tpu.dma_semaphore, #tpu.memory_space<semaphore_mem>>) attributes {dimension_semantics = [#tpu.dimension_semantics<core_parallel>, #tpu.dimension_semantics<subcore_parallel>], iteration_bounds = array<i64: 2, 16>, scalar_prefetch = 0 : i64, scratch_operands = 8 : i64, tpu.core_type = #tpu.core_type<sc_vector_subcore>, window_params = [{transform_indices = #map}, {transform_indices = #map}, {transform_indices = #map1}, {transform_indices = #map1}, {transform_indices = #map}, {transform_indices = #map}, {transform_indices = #map}]} {
    %mul3A = arith.constant 2 : i32
    %mul3A_0 = arith.muli %arg1, %mul3A : i32
    %add3A = arith.addi %mul3A_0, %arg0 : i32
    %mul3A_1 = arith.constant 512 : i32
    %mul3A_2 = arith.muli %add3A, %mul3A_1 : i32
    %add3A_3 = arith.constant 0 : i32
    %add3A_4 = arith.addi %mul3A_2, %add3A_3 : i32
    %run_scoped3A = arith.constant 0 : i32
    "tpu.region"() ({
      %run_scoped3A_393 = tpu.sem_alloc : memref<!tpu.dma_semaphore, #tpu.memory_space<semaphore_mem>>
      %dma_start3A_394 = arith.constant 0 : i32
      %dma_start3A_395 = tpu.memref_slice %arg9[%run_scoped3A, %dma_start3A_394] : memref<4x128xi32, #tpu.memory_space<vmem>> -> memref<1x128xi32, #tpu.memory_space<vmem>>
      %dma_start3A_396 = tpu.memref_squeeze %dma_start3A_395 : memref<1x128xi32, #tpu.memory_space<vmem>> -> memref<128xi32, #tpu.memory_space<vmem>>
      %dma_start3A_397 = tpu.memref_slice %arg2[%add3A_4] : memref<16384xi32, #tpu.memory_space<hbm>> -> memref<128xi32, #tpu.memory_space<hbm>>
      %dma_start3A_398 = arith.constant 0 : i32
      %dma_start3A_399 = tpu.memref_slice %arg9[%run_scoped3A, %dma_start3A_398] : memref<4x128xi32, #tpu.memory_space<vmem>> -> memref<1x128xi32, #tpu.memory_space<vmem>>
      %dma_start3A_400 = tpu.memref_squeeze %dma_start3A_399 : memref<1x128xi32, #tpu.memory_space<vmem>> -> memref<128xi32, #tpu.memory_space<vmem>>
      %dma_start3A_401 = tpu.memref_slice %arg2[%add3A_4] : memref<16384xi32, #tpu.memory_space<hbm>> -> memref<128xi32, #tpu.memory_space<hbm>>
      tpu.enqueue_dma source(%dma_start3A_401 : memref<128xi32, #tpu.memory_space<hbm>>) target(%dma_start3A_400 : memref<128xi32, #tpu.memory_space<vmem>>) target_semaphore(%run_scoped3A_393 : memref<!tpu.dma_semaphore, #tpu.memory_space<semaphore_mem>>)
      %dma_wait3A_402 = arith.constant 0 : i32
      %dma_wait3A_403 = tpu.memref_slice %arg9[%run_scoped3A, %dma_wait3A_402] : memref<4x128xi32, #tpu.memory_space<vmem>> -> memref<1x128xi32, #tpu.memory_space<vmem>>
      %dma_wait3A_404 = tpu.memref_squeeze %dma_wait3A_403 : memref<1x128xi32, #tpu.memory_space<vmem>> -> memref<128xi32, #tpu.memory_space<vmem>>
      %dma_wait3A_405 = tpu.memref_slice %arg2[%add3A_4] : memref<16384xi32, #tpu.memory_space<hbm>> -> memref<128xi32, #tpu.memory_space<hbm>>
      %dma_wait3A_406 = arith.constant 0 : i32
      %dma_wait3A_407 = tpu.memref_slice %arg9[%run_scoped3A, %dma_wait3A_406] : memref<4x128xi32, #tpu.memory_space<vmem>> -> memref<1x128xi32, #tpu.memory_space<vmem>>
      %dma_wait3A_408 = tpu.memref_squeeze %dma_wait3A_407 : memref<1x128xi32, #tpu.memory_space<vmem>> -> memref<128xi32, #tpu.memory_space<vmem>>
      %dma_wait3A_409 = tpu.memref_slice %arg2[%add3A_4] : memref<16384xi32, #tpu.memory_space<hbm>> -> memref<128xi32, #tpu.memory_space<hbm>>
      tpu.wait_dma2 semaphore(%run_scoped3A_393 : memref<!tpu.dma_semaphore, #tpu.memory_space<semaphore_mem>>) src(%dma_wait3A_409 : memref<128xi32, #tpu.memory_space<hbm>>) dst(%dma_wait3A_408 : memref<128xi32, #tpu.memory_space<vmem>>)
      tpu.yield
    }) : () -> ()
    %add3A_5 = arith.constant 0 : i32
    %add3A_6 = arith.addi %mul3A_2, %add3A_5 : i32
    %run_scoped3A_7 = arith.constant 0 : i32
    "tpu.region"() ({
      %run_scoped3A_393 = tpu.sem_alloc : memref<!tpu.dma_semaphore, #tpu.memory_space<semaphore_mem>>
      %dma_start3A_394 = arith.constant 0 : i32
      %dma_start3A_395 = tpu.memref_slice %arg10[%run_scoped3A_7, %dma_start3A_394] : memref<4x128xi32, #tpu.memory_space<vmem>> -> memref<1x128xi32, #tpu.memory_space<vmem>>
      %dma_start3A_396 = tpu.memref_squeeze %dma_start3A_395 : memref<1x128xi32, #tpu.memory_space<vmem>> -> memref<128xi32, #tpu.memory_space<vmem>>
      %dma_start3A_397 = tpu.memref_slice %arg3[%add3A_6] : memref<16384xi32, #tpu.memory_space<hbm>> -> memref<128xi32, #tpu.memory_space<hbm>>
      %dma_start3A_398 = arith.constant 0 : i32
      %dma_start3A_399 = tpu.memref_slice %arg10[%run_scoped3A_7, %dma_start3A_398] : memref<4x128xi32, #tpu.memory_space<vmem>> -> memref<1x128xi32, #tpu.memory_space<vmem>>
      %dma_start3A_400 = tpu.memref_squeeze %dma_start3A_399 : memref<1x128xi32, #tpu.memory_space<vmem>> -> memref<128xi32, #tpu.memory_space<vmem>>
      %dma_start3A_401 = tpu.memref_slice %arg3[%add3A_6] : memref<16384xi32, #tpu.memory_space<hbm>> -> memref<128xi32, #tpu.memory_space<hbm>>
      tpu.enqueue_dma source(%dma_start3A_401 : memref<128xi32, #tpu.memory_space<hbm>>) target(%dma_start3A_400 : memref<128xi32, #tpu.memory_space<vmem>>) target_semaphore(%run_scoped3A_393 : memref<!tpu.dma_semaphore, #tpu.memory_space<semaphore_mem>>)
      %dma_wait3A_402 = arith.constant 0 : i32
      %dma_wait3A_403 = tpu.memref_slice %arg10[%run_scoped3A_7, %dma_wait3A_402] : memref<4x128xi32, #tpu.memory_space<vmem>> -> memref<1x128xi32, #tpu.memory_space<vmem>>
      %dma_wait3A_404 = tpu.memref_squeeze %dma_wait3A_403 : memref<1x128xi32, #tpu.memory_space<vmem>> -> memref<128xi32, #tpu.memory_space<vmem>>
      %dma_wait3A_405 = tpu.memref_slice %arg3[%add3A_6] : memref<16384xi32, #tpu.memory_space<hbm>> -> memref<128xi32, #tpu.memory_space<hbm>>
      %dma_wait3A_406 = arith.constant 0 : i32
      %dma_wait3A_407 = tpu.memref_slice %arg10[%run_scoped3A_7, %dma_wait3A_406] : memref<4x128xi32, #tpu.memory_space<vmem>> -> memref<1x128xi32, #tpu.memory_space<vmem>>
      %dma_wait3A_408 = tpu.memref_squeeze %dma_wait3A_407 : memref<1x128xi32, #tpu.memory_space<vmem>> -> memref<128xi32, #tpu.memory_space<vmem>>
      %dma_wait3A_409 = tpu.memref_slice %arg3[%add3A_6] : memref<16384xi32, #tpu.memory_space<hbm>> -> memref<128xi32, #tpu.memory_space<hbm>>
      tpu.wait_dma2 semaphore(%run_scoped3A_393 : memref<!tpu.dma_semaphore, #tpu.memory_space<semaphore_mem>>) src(%dma_wait3A_409 : memref<128xi32, #tpu.memory_space<hbm>>) dst(%dma_wait3A_408 : memref<128xi32, #tpu.memory_space<vmem>>)
      tpu.yield
    }) : () -> ()
    %add3A_8 = arith.constant 128 : i32
    %add3A_9 = arith.addi %mul3A_2, %add3A_8 : i32
    %run_scoped3A_10 = arith.constant 1 : i32
    "tpu.region"() ({
      %run_scoped3A_393 = tpu.sem_alloc : memref<!tpu.dma_semaphore, #tpu.memory_space<semaphore_mem>>
      %dma_start3A_394 = arith.constant 0 : i32
      %dma_start3A_395 = tpu.memref_slice %arg9[%run_scoped3A_10, %dma_start3A_394] : memref<4x128xi32, #tpu.memory_space<vmem>> -> memref<1x128xi32, #tpu.memory_space<vmem>>
      %dma_start3A_396 = tpu.memref_squeeze %dma_start3A_395 : memref<1x128xi32, #tpu.memory_space<vmem>> -> memref<128xi32, #tpu.memory_space<vmem>>
      %dma_start3A_397 = tpu.memref_slice %arg2[%add3A_9] : memref<16384xi32, #tpu.memory_space<hbm>> -> memref<128xi32, #tpu.memory_space<hbm>>
      %dma_start3A_398 = arith.constant 0 : i32
      %dma_start3A_399 = tpu.memref_slice %arg9[%run_scoped3A_10, %dma_start3A_398] : memref<4x128xi32, #tpu.memory_space<vmem>> -> memref<1x128xi32, #tpu.memory_space<vmem>>
      %dma_start3A_400 = tpu.memref_squeeze %dma_start3A_399 : memref<1x128xi32, #tpu.memory_space<vmem>> -> memref<128xi32, #tpu.memory_space<vmem>>
      %dma_start3A_401 = tpu.memref_slice %arg2[%add3A_9] : memref<16384xi32, #tpu.memory_space<hbm>> -> memref<128xi32, #tpu.memory_space<hbm>>
      tpu.enqueue_dma source(%dma_start3A_401 : memref<128xi32, #tpu.memory_space<hbm>>) target(%dma_start3A_400 : memref<128xi32, #tpu.memory_space<vmem>>) target_semaphore(%run_scoped3A_393 : memref<!tpu.dma_semaphore, #tpu.memory_space<semaphore_mem>>)
      %dma_wait3A_402 = arith.constant 0 : i32
      %dma_wait3A_403 = tpu.memref_slice %arg9[%run_scoped3A_10, %dma_wait3A_402] : memref<4x128xi32, #tpu.memory_space<vmem>> -> memref<1x128xi32, #tpu.memory_space<vmem>>
      %dma_wait3A_404 = tpu.memref_squeeze %dma_wait3A_403 : memref<1x128xi32, #tpu.memory_space<vmem>> -> memref<128xi32, #tpu.memory_space<vmem>>
      %dma_wait3A_405 = tpu.memref_slice %arg2[%add3A_9] : memref<16384xi32, #tpu.memory_space<hbm>> -> memref<128xi32, #tpu.memory_space<hbm>>
      %dma_wait3A_406 = arith.constant 0 : i32
      %dma_wait3A_407 = tpu.memref_slice %arg9[%run_scoped3A_10, %dma_wait3A_406] : memref<4x128xi32, #tpu.memory_space<vmem>> -> memref<1x128xi32, #tpu.memory_space<vmem>>
      %dma_wait3A_408 = tpu.memref_squeeze %dma_wait3A_407 : memref<1x128xi32, #tpu.memory_space<vmem>> -> memref<128xi32, #tpu.memory_space<vmem>>
      %dma_wait3A_409 = tpu.memref_slice %arg2[%add3A_9] : memref<16384xi32, #tpu.memory_space<hbm>> -> memref<128xi32, #tpu.memory_space<hbm>>
      tpu.wait_dma2 semaphore(%run_scoped3A_393 : memref<!tpu.dma_semaphore, #tpu.memory_space<semaphore_mem>>) src(%dma_wait3A_409 : memref<128xi32, #tpu.memory_space<hbm>>) dst(%dma_wait3A_408 : memref<128xi32, #tpu.memory_space<vmem>>)
      tpu.yield
    }) : () -> ()
    %add3A_11 = arith.constant 128 : i32
    %add3A_12 = arith.addi %mul3A_2, %add3A_11 : i32
    %run_scoped3A_13 = arith.constant 1 : i32
    "tpu.region"() ({
      %run_scoped3A_393 = tpu.sem_alloc : memref<!tpu.dma_semaphore, #tpu.memory_space<semaphore_mem>>
      %dma_start3A_394 = arith.constant 0 : i32
      %dma_start3A_395 = tpu.memref_slice %arg10[%run_scoped3A_13, %dma_start3A_394] : memref<4x128xi32, #tpu.memory_space<vmem>> -> memref<1x128xi32, #tpu.memory_space<vmem>>
      %dma_start3A_396 = tpu.memref_squeeze %dma_start3A_395 : memref<1x128xi32, #tpu.memory_space<vmem>> -> memref<128xi32, #tpu.memory_space<vmem>>
      %dma_start3A_397 = tpu.memref_slice %arg3[%add3A_12] : memref<16384xi32, #tpu.memory_space<hbm>> -> memref<128xi32, #tpu.memory_space<hbm>>
      %dma_start3A_398 = arith.constant 0 : i32
      %dma_start3A_399 = tpu.memref_slice %arg10[%run_scoped3A_13, %dma_start3A_398] : memref<4x128xi32, #tpu.memory_space<vmem>> -> memref<1x128xi32, #tpu.memory_space<vmem>>
      %dma_start3A_400 = tpu.memref_squeeze %dma_start3A_399 : memref<1x128xi32, #tpu.memory_space<vmem>> -> memref<128xi32, #tpu.memory_space<vmem>>
      %dma_start3A_401 = tpu.memref_slice %arg3[%add3A_12] : memref<16384xi32, #tpu.memory_space<hbm>> -> memref<128xi32, #tpu.memory_space<hbm>>
      tpu.enqueue_dma source(%dma_start3A_401 : memref<128xi32, #tpu.memory_space<hbm>>) target(%dma_start3A_400 : memref<128xi32, #tpu.memory_space<vmem>>) target_semaphore(%run_scoped3A_393 : memref<!tpu.dma_semaphore, #tpu.memory_space<semaphore_mem>>)
      %dma_wait3A_402 = arith.constant 0 : i32
      %dma_wait3A_403 = tpu.memref_slice %arg10[%run_scoped3A_13, %dma_wait3A_402] : memref<4x128xi32, #tpu.memory_space<vmem>> -> memref<1x128xi32, #tpu.memory_space<vmem>>
      %dma_wait3A_404 = tpu.memref_squeeze %dma_wait3A_403 : memref<1x128xi32, #tpu.memory_space<vmem>> -> memref<128xi32, #tpu.memory_space<vmem>>
      %dma_wait3A_405 = tpu.memref_slice %arg3[%add3A_12] : memref<16384xi32, #tpu.memory_space<hbm>> -> memref<128xi32, #tpu.memory_space<hbm>>
      %dma_wait3A_406 = arith.constant 0 : i32
      %dma_wait3A_407 = tpu.memref_slice %arg10[%run_scoped3A_13, %dma_wait3A_406] : memref<4x128xi32, #tpu.memory_space<vmem>> -> memref<1x128xi32, #tpu.memory_space<vmem>>
      %dma_wait3A_408 = tpu.memref_squeeze %dma_wait3A_407 : memref<1x128xi32, #tpu.memory_space<vmem>> -> memref<128xi32, #tpu.memory_space<vmem>>
      %dma_wait3A_409 = tpu.memref_slice %arg3[%add3A_12] : memref<16384xi32, #tpu.memory_space<hbm>> -> memref<128xi32, #tpu.memory_space<hbm>>
      tpu.wait_dma2 semaphore(%run_scoped3A_393 : memref<!tpu.dma_semaphore, #tpu.memory_space<semaphore_mem>>) src(%dma_wait3A_409 : memref<128xi32, #tpu.memory_space<hbm>>) dst(%dma_wait3A_408 : memref<128xi32, #tpu.memory_space<vmem>>)
      tpu.yield
    }) : () -> ()
    %add3A_14 = arith.constant 256 : i32
    %add3A_15 = arith.addi %mul3A_2, %add3A_14 : i32
    %run_scoped3A_16 = arith.constant 2 : i32
    "tpu.region"() ({
      %run_scoped3A_393 = tpu.sem_alloc : memref<!tpu.dma_semaphore, #tpu.memory_space<semaphore_mem>>
      %dma_start3A_394 = arith.constant 0 : i32
      %dma_start3A_395 = tpu.memref_slice %arg9[%run_scoped3A_16, %dma_start3A_394] : memref<4x128xi32, #tpu.memory_space<vmem>> -> memref<1x128xi32, #tpu.memory_space<vmem>>
      %dma_start3A_396 = tpu.memref_squeeze %dma_start3A_395 : memref<1x128xi32, #tpu.memory_space<vmem>> -> memref<128xi32, #tpu.memory_space<vmem>>
      %dma_start3A_397 = tpu.memref_slice %arg2[%add3A_15] : memref<16384xi32, #tpu.memory_space<hbm>> -> memref<128xi32, #tpu.memory_space<hbm>>
      %dma_start3A_398 = arith.constant 0 : i32
      %dma_start3A_399 = tpu.memref_slice %arg9[%run_scoped3A_16, %dma_start3A_398] : memref<4x128xi32, #tpu.memory_space<vmem>> -> memref<1x128xi32, #tpu.memory_space<vmem>>
      %dma_start3A_400 = tpu.memref_squeeze %dma_start3A_399 : memref<1x128xi32, #tpu.memory_space<vmem>> -> memref<128xi32, #tpu.memory_space<vmem>>
      %dma_start3A_401 = tpu.memref_slice %arg2[%add3A_15] : memref<16384xi32, #tpu.memory_space<hbm>> -> memref<128xi32, #tpu.memory_space<hbm>>
      tpu.enqueue_dma source(%dma_start3A_401 : memref<128xi32, #tpu.memory_space<hbm>>) target(%dma_start3A_400 : memref<128xi32, #tpu.memory_space<vmem>>) target_semaphore(%run_scoped3A_393 : memref<!tpu.dma_semaphore, #tpu.memory_space<semaphore_mem>>)
      %dma_wait3A_402 = arith.constant 0 : i32
      %dma_wait3A_403 = tpu.memref_slice %arg9[%run_scoped3A_16, %dma_wait3A_402] : memref<4x128xi32, #tpu.memory_space<vmem>> -> memref<1x128xi32, #tpu.memory_space<vmem>>
      %dma_wait3A_404 = tpu.memref_squeeze %dma_wait3A_403 : memref<1x128xi32, #tpu.memory_space<vmem>> -> memref<128xi32, #tpu.memory_space<vmem>>
      %dma_wait3A_405 = tpu.memref_slice %arg2[%add3A_15] : memref<16384xi32, #tpu.memory_space<hbm>> -> memref<128xi32, #tpu.memory_space<hbm>>
      %dma_wait3A_406 = arith.constant 0 : i32
      %dma_wait3A_407 = tpu.memref_slice %arg9[%run_scoped3A_16, %dma_wait3A_406] : memref<4x128xi32, #tpu.memory_space<vmem>> -> memref<1x128xi32, #tpu.memory_space<vmem>>
      %dma_wait3A_408 = tpu.memref_squeeze %dma_wait3A_407 : memref<1x128xi32, #tpu.memory_space<vmem>> -> memref<128xi32, #tpu.memory_space<vmem>>
      %dma_wait3A_409 = tpu.memref_slice %arg2[%add3A_15] : memref<16384xi32, #tpu.memory_space<hbm>> -> memref<128xi32, #tpu.memory_space<hbm>>
      tpu.wait_dma2 semaphore(%run_scoped3A_393 : memref<!tpu.dma_semaphore, #tpu.memory_space<semaphore_mem>>) src(%dma_wait3A_409 : memref<128xi32, #tpu.memory_space<hbm>>) dst(%dma_wait3A_408 : memref<128xi32, #tpu.memory_space<vmem>>)
      tpu.yield
    }) : () -> ()
    %add3A_17 = arith.constant 256 : i32
    %add3A_18 = arith.addi %mul3A_2, %add3A_17 : i32
    %run_scoped3A_19 = arith.constant 2 : i32
    "tpu.region"() ({
      %run_scoped3A_393 = tpu.sem_alloc : memref<!tpu.dma_semaphore, #tpu.memory_space<semaphore_mem>>
      %dma_start3A_394 = arith.constant 0 : i32
      %dma_start3A_395 = tpu.memref_slice %arg10[%run_scoped3A_19, %dma_start3A_394] : memref<4x128xi32, #tpu.memory_space<vmem>> -> memref<1x128xi32, #tpu.memory_space<vmem>>
      %dma_start3A_396 = tpu.memref_squeeze %dma_start3A_395 : memref<1x128xi32, #tpu.memory_space<vmem>> -> memref<128xi32, #tpu.memory_space<vmem>>
      %dma_start3A_397 = tpu.memref_slice %arg3[%add3A_18] : memref<16384xi32, #tpu.memory_space<hbm>> -> memref<128xi32, #tpu.memory_space<hbm>>
      %dma_start3A_398 = arith.constant 0 : i32
      %dma_start3A_399 = tpu.memref_slice %arg10[%run_scoped3A_19, %dma_start3A_398] : memref<4x128xi32, #tpu.memory_space<vmem>> -> memref<1x128xi32, #tpu.memory_space<vmem>>
      %dma_start3A_400 = tpu.memref_squeeze %dma_start3A_399 : memref<1x128xi32, #tpu.memory_space<vmem>> -> memref<128xi32, #tpu.memory_space<vmem>>
      %dma_start3A_401 = tpu.memref_slice %arg3[%add3A_18] : memref<16384xi32, #tpu.memory_space<hbm>> -> memref<128xi32, #tpu.memory_space<hbm>>
      tpu.enqueue_dma source(%dma_start3A_401 : memref<128xi32, #tpu.memory_space<hbm>>) target(%dma_start3A_400 : memref<128xi32, #tpu.memory_space<vmem>>) target_semaphore(%run_scoped3A_393 : memref<!tpu.dma_semaphore, #tpu.memory_space<semaphore_mem>>)
      %dma_wait3A_402 = arith.constant 0 : i32
      %dma_wait3A_403 = tpu.memref_slice %arg10[%run_scoped3A_19, %dma_wait3A_402] : memref<4x128xi32, #tpu.memory_space<vmem>> -> memref<1x128xi32, #tpu.memory_space<vmem>>
      %dma_wait3A_404 = tpu.memref_squeeze %dma_wait3A_403 : memref<1x128xi32, #tpu.memory_space<vmem>> -> memref<128xi32, #tpu.memory_space<vmem>>
      %dma_wait3A_405 = tpu.memref_slice %arg3[%add3A_18] : memref<16384xi32, #tpu.memory_space<hbm>> -> memref<128xi32, #tpu.memory_space<hbm>>
      %dma_wait3A_406 = arith.constant 0 : i32
      %dma_wait3A_407 = tpu.memref_slice %arg10[%run_scoped3A_19, %dma_wait3A_406] : memref<4x128xi32, #tpu.memory_space<vmem>> -> memref<1x128xi32, #tpu.memory_space<vmem>>
      %dma_wait3A_408 = tpu.memref_squeeze %dma_wait3A_407 : memref<1x128xi32, #tpu.memory_space<vmem>> -> memref<128xi32, #tpu.memory_space<vmem>>
      %dma_wait3A_409 = tpu.memref_slice %arg3[%add3A_18] : memref<16384xi32, #tpu.memory_space<hbm>> -> memref<128xi32, #tpu.memory_space<hbm>>
      tpu.wait_dma2 semaphore(%run_scoped3A_393 : memref<!tpu.dma_semaphore, #tpu.memory_space<semaphore_mem>>) src(%dma_wait3A_409 : memref<128xi32, #tpu.memory_space<hbm>>) dst(%dma_wait3A_408 : memref<128xi32, #tpu.memory_space<vmem>>)
      tpu.yield
    }) : () -> ()
    %add3A_20 = arith.constant 384 : i32
    %add3A_21 = arith.addi %mul3A_2, %add3A_20 : i32
    %run_scoped3A_22 = arith.constant 3 : i32
    "tpu.region"() ({
      %run_scoped3A_393 = tpu.sem_alloc : memref<!tpu.dma_semaphore, #tpu.memory_space<semaphore_mem>>
      %dma_start3A_394 = arith.constant 0 : i32
      %dma_start3A_395 = tpu.memref_slice %arg9[%run_scoped3A_22, %dma_start3A_394] : memref<4x128xi32, #tpu.memory_space<vmem>> -> memref<1x128xi32, #tpu.memory_space<vmem>>
      %dma_start3A_396 = tpu.memref_squeeze %dma_start3A_395 : memref<1x128xi32, #tpu.memory_space<vmem>> -> memref<128xi32, #tpu.memory_space<vmem>>
      %dma_start3A_397 = tpu.memref_slice %arg2[%add3A_21] : memref<16384xi32, #tpu.memory_space<hbm>> -> memref<128xi32, #tpu.memory_space<hbm>>
      %dma_start3A_398 = arith.constant 0 : i32
      %dma_start3A_399 = tpu.memref_slice %arg9[%run_scoped3A_22, %dma_start3A_398] : memref<4x128xi32, #tpu.memory_space<vmem>> -> memref<1x128xi32, #tpu.memory_space<vmem>>
      %dma_start3A_400 = tpu.memref_squeeze %dma_start3A_399 : memref<1x128xi32, #tpu.memory_space<vmem>> -> memref<128xi32, #tpu.memory_space<vmem>>
      %dma_start3A_401 = tpu.memref_slice %arg2[%add3A_21] : memref<16384xi32, #tpu.memory_space<hbm>> -> memref<128xi32, #tpu.memory_space<hbm>>
      tpu.enqueue_dma source(%dma_start3A_401 : memref<128xi32, #tpu.memory_space<hbm>>) target(%dma_start3A_400 : memref<128xi32, #tpu.memory_space<vmem>>) target_semaphore(%run_scoped3A_393 : memref<!tpu.dma_semaphore, #tpu.memory_space<semaphore_mem>>)
      %dma_wait3A_402 = arith.constant 0 : i32
      %dma_wait3A_403 = tpu.memref_slice %arg9[%run_scoped3A_22, %dma_wait3A_402] : memref<4x128xi32, #tpu.memory_space<vmem>> -> memref<1x128xi32, #tpu.memory_space<vmem>>
      %dma_wait3A_404 = tpu.memref_squeeze %dma_wait3A_403 : memref<1x128xi32, #tpu.memory_space<vmem>> -> memref<128xi32, #tpu.memory_space<vmem>>
      %dma_wait3A_405 = tpu.memref_slice %arg2[%add3A_21] : memref<16384xi32, #tpu.memory_space<hbm>> -> memref<128xi32, #tpu.memory_space<hbm>>
      %dma_wait3A_406 = arith.constant 0 : i32
      %dma_wait3A_407 = tpu.memref_slice %arg9[%run_scoped3A_22, %dma_wait3A_406] : memref<4x128xi32, #tpu.memory_space<vmem>> -> memref<1x128xi32, #tpu.memory_space<vmem>>
      %dma_wait3A_408 = tpu.memref_squeeze %dma_wait3A_407 : memref<1x128xi32, #tpu.memory_space<vmem>> -> memref<128xi32, #tpu.memory_space<vmem>>
      %dma_wait3A_409 = tpu.memref_slice %arg2[%add3A_21] : memref<16384xi32, #tpu.memory_space<hbm>> -> memref<128xi32, #tpu.memory_space<hbm>>
      tpu.wait_dma2 semaphore(%run_scoped3A_393 : memref<!tpu.dma_semaphore, #tpu.memory_space<semaphore_mem>>) src(%dma_wait3A_409 : memref<128xi32, #tpu.memory_space<hbm>>) dst(%dma_wait3A_408 : memref<128xi32, #tpu.memory_space<vmem>>)
      tpu.yield
    }) : () -> ()
    %add3A_23 = arith.constant 384 : i32
    %add3A_24 = arith.addi %mul3A_2, %add3A_23 : i32
    %run_scoped3A_25 = arith.constant 3 : i32
    "tpu.region"() ({
      %run_scoped3A_393 = tpu.sem_alloc : memref<!tpu.dma_semaphore, #tpu.memory_space<semaphore_mem>>
      %dma_start3A_394 = arith.constant 0 : i32
      %dma_start3A_395 = tpu.memref_slice %arg10[%run_scoped3A_25, %dma_start3A_394] : memref<4x128xi32, #tpu.memory_space<vmem>> -> memref<1x128xi32, #tpu.memory_space<vmem>>
      %dma_start3A_396 = tpu.memref_squeeze %dma_start3A_395 : memref<1x128xi32, #tpu.memory_space<vmem>> -> memref<128xi32, #tpu.memory_space<vmem>>
      %dma_start3A_397 = tpu.memref_slice %arg3[%add3A_24] : memref<16384xi32, #tpu.memory_space<hbm>> -> memref<128xi32, #tpu.memory_space<hbm>>
      %dma_start3A_398 = arith.constant 0 : i32
      %dma_start3A_399 = tpu.memref_slice %arg10[%run_scoped3A_25, %dma_start3A_398] : memref<4x128xi32, #tpu.memory_space<vmem>> -> memref<1x128xi32, #tpu.memory_space<vmem>>
      %dma_start3A_400 = tpu.memref_squeeze %dma_start3A_399 : memref<1x128xi32, #tpu.memory_space<vmem>> -> memref<128xi32, #tpu.memory_space<vmem>>
      %dma_start3A_401 = tpu.memref_slice %arg3[%add3A_24] : memref<16384xi32, #tpu.memory_space<hbm>> -> memref<128xi32, #tpu.memory_space<hbm>>
      tpu.enqueue_dma source(%dma_start3A_401 : memref<128xi32, #tpu.memory_space<hbm>>) target(%dma_start3A_400 : memref<128xi32, #tpu.memory_space<vmem>>) target_semaphore(%run_scoped3A_393 : memref<!tpu.dma_semaphore, #tpu.memory_space<semaphore_mem>>)
      %dma_wait3A_402 = arith.constant 0 : i32
      %dma_wait3A_403 = tpu.memref_slice %arg10[%run_scoped3A_25, %dma_wait3A_402] : memref<4x128xi32, #tpu.memory_space<vmem>> -> memref<1x128xi32, #tpu.memory_space<vmem>>
      %dma_wait3A_404 = tpu.memref_squeeze %dma_wait3A_403 : memref<1x128xi32, #tpu.memory_space<vmem>> -> memref<128xi32, #tpu.memory_space<vmem>>
      %dma_wait3A_405 = tpu.memref_slice %arg3[%add3A_24] : memref<16384xi32, #tpu.memory_space<hbm>> -> memref<128xi32, #tpu.memory_space<hbm>>
      %dma_wait3A_406 = arith.constant 0 : i32
      %dma_wait3A_407 = tpu.memref_slice %arg10[%run_scoped3A_25, %dma_wait3A_406] : memref<4x128xi32, #tpu.memory_space<vmem>> -> memref<1x128xi32, #tpu.memory_space<vmem>>
      %dma_wait3A_408 = tpu.memref_squeeze %dma_wait3A_407 : memref<1x128xi32, #tpu.memory_space<vmem>> -> memref<128xi32, #tpu.memory_space<vmem>>
      %dma_wait3A_409 = tpu.memref_slice %arg3[%add3A_24] : memref<16384xi32, #tpu.memory_space<hbm>> -> memref<128xi32, #tpu.memory_space<hbm>>
      tpu.wait_dma2 semaphore(%run_scoped3A_393 : memref<!tpu.dma_semaphore, #tpu.memory_space<semaphore_mem>>) src(%dma_wait3A_409 : memref<128xi32, #tpu.memory_space<hbm>>) dst(%dma_wait3A_408 : memref<128xi32, #tpu.memory_space<vmem>>)
      tpu.yield
    }) : () -> ()
    %dma_start3A = arith.constant 0 : i32
    %dma_start3A_26 = arith.constant 0 : i32
    %dma_start3A_27 = arith.constant 0 : i32
    %dma_start3A_28 = arith.constant 0 : i32
    %dma_start3A_29 = tpu.memref_slice %arg11[%dma_start3A_26, %dma_start3A_27, %dma_start3A_28] : memref<4x128x16xi32, #tpu.memory_space<vmem>> -> memref<1x128x16xi32, #tpu.memory_space<vmem>>
    %dma_start3A_30 = tpu.memref_squeeze %dma_start3A_29 : memref<1x128x16xi32, #tpu.memory_space<vmem>> -> memref<128x16xi32, #tpu.memory_space<vmem>>
    %dma_start3A_31 = arith.constant 0 : i32
    %dma_start3A_32 = tpu.memref_slice %arg9[%dma_start3A, %dma_start3A_31] : memref<4x128xi32, #tpu.memory_space<vmem>> -> memref<1x128xi32, #tpu.memory_space<vmem>>
    %dma_start3A_33 = tpu.memref_squeeze %dma_start3A_32 : memref<1x128xi32, #tpu.memory_space<vmem>> -> memref<128xi32, #tpu.memory_space<vmem>>
    %dma_start3A_34 = arith.constant 0 : i32
    %dma_start3A_35 = arith.constant 0 : i32
    %dma_start3A_36 = tpu.memref_slice %arg4[%dma_start3A_34, %dma_start3A_35] : memref<1000000x16xi32, #tpu.memory_space<hbm>> -> memref<1000000x16xi32, #tpu.memory_space<hbm>>
    tpu.enqueue_indirect_dma source(%dma_start3A_36 : memref<1000000x16xi32, #tpu.memory_space<hbm>>) target(%dma_start3A_30 : memref<128x16xi32, #tpu.memory_space<vmem>>) offsets(%dma_start3A_33 : memref<128xi32, #tpu.memory_space<vmem>>) semaphore(%arg16 : memref<!tpu.dma_semaphore, #tpu.memory_space<semaphore_mem>>)
    %dma_start3A_37 = arith.constant 0 : i32
    %dma_start3A_38 = arith.constant 0 : i32
    %dma_start3A_39 = arith.constant 0 : i32
    %dma_start3A_40 = arith.constant 0 : i32
    %dma_start3A_41 = tpu.memref_slice %arg12[%dma_start3A_38, %dma_start3A_39, %dma_start3A_40] : memref<4x128x16xi32, #tpu.memory_space<vmem>> -> memref<1x128x16xi32, #tpu.memory_space<vmem>>
    %dma_start3A_42 = tpu.memref_squeeze %dma_start3A_41 : memref<1x128x16xi32, #tpu.memory_space<vmem>> -> memref<128x16xi32, #tpu.memory_space<vmem>>
    %dma_start3A_43 = arith.constant 0 : i32
    %dma_start3A_44 = tpu.memref_slice %arg10[%dma_start3A_37, %dma_start3A_43] : memref<4x128xi32, #tpu.memory_space<vmem>> -> memref<1x128xi32, #tpu.memory_space<vmem>>
    %dma_start3A_45 = tpu.memref_squeeze %dma_start3A_44 : memref<1x128xi32, #tpu.memory_space<vmem>> -> memref<128xi32, #tpu.memory_space<vmem>>
    %dma_start3A_46 = arith.constant 0 : i32
    %dma_start3A_47 = arith.constant 0 : i32
    %dma_start3A_48 = tpu.memref_slice %arg5[%dma_start3A_46, %dma_start3A_47] : memref<1000000x16xi32, #tpu.memory_space<hbm>> -> memref<1000000x16xi32, #tpu.memory_space<hbm>>
    tpu.enqueue_indirect_dma source(%dma_start3A_48 : memref<1000000x16xi32, #tpu.memory_space<hbm>>) target(%dma_start3A_42 : memref<128x16xi32, #tpu.memory_space<vmem>>) offsets(%dma_start3A_45 : memref<128xi32, #tpu.memory_space<vmem>>) semaphore(%arg16 : memref<!tpu.dma_semaphore, #tpu.memory_space<semaphore_mem>>)
    %dma_start3A_49 = arith.constant 0 : i32
    %dma_start3A_50 = arith.constant 0 : i32
    %dma_start3A_51 = arith.constant 0 : i32
    %dma_start3A_52 = tpu.memref_slice %arg13[%dma_start3A_50, %dma_start3A_51] : memref<4x128xf32, #tpu.memory_space<vmem>> -> memref<1x128xf32, #tpu.memory_space<vmem>>
    %dma_start3A_53 = tpu.memref_squeeze %dma_start3A_52 : memref<1x128xf32, #tpu.memory_space<vmem>> -> memref<128xf32, #tpu.memory_space<vmem>>
    %dma_start3A_54 = arith.constant 0 : i32
    %dma_start3A_55 = tpu.memref_slice %arg9[%dma_start3A_49, %dma_start3A_54] : memref<4x128xi32, #tpu.memory_space<vmem>> -> memref<1x128xi32, #tpu.memory_space<vmem>>
    %dma_start3A_56 = tpu.memref_squeeze %dma_start3A_55 : memref<1x128xi32, #tpu.memory_space<vmem>> -> memref<128xi32, #tpu.memory_space<vmem>>
    %dma_start3A_57 = arith.constant 0 : i32
    %dma_start3A_58 = tpu.memref_slice %arg6[%dma_start3A_57] : memref<1000000xf32, #tpu.memory_space<hbm>> -> memref<1000000xf32, #tpu.memory_space<hbm>>
    tpu.enqueue_indirect_dma source(%dma_start3A_58 : memref<1000000xf32, #tpu.memory_space<hbm>>) target(%dma_start3A_53 : memref<128xf32, #tpu.memory_space<vmem>>) offsets(%dma_start3A_56 : memref<128xi32, #tpu.memory_space<vmem>>) semaphore(%arg16 : memref<!tpu.dma_semaphore, #tpu.memory_space<semaphore_mem>>)
    %dma_start3A_59 = arith.constant 0 : i32
    %dma_start3A_60 = arith.constant 0 : i32
    %dma_start3A_61 = arith.constant 0 : i32
    %dma_start3A_62 = tpu.memref_slice %arg14[%dma_start3A_60, %dma_start3A_61] : memref<4x128xf32, #tpu.memory_space<vmem>> -> memref<1x128xf32, #tpu.memory_space<vmem>>
    %dma_start3A_63 = tpu.memref_squeeze %dma_start3A_62 : memref<1x128xf32, #tpu.memory_space<vmem>> -> memref<128xf32, #tpu.memory_space<vmem>>
    %dma_start3A_64 = arith.constant 0 : i32
    %dma_start3A_65 = tpu.memref_slice %arg10[%dma_start3A_59, %dma_start3A_64] : memref<4x128xi32, #tpu.memory_space<vmem>> -> memref<1x128xi32, #tpu.memory_space<vmem>>
    %dma_start3A_66 = tpu.memref_squeeze %dma_start3A_65 : memref<1x128xi32, #tpu.memory_space<vmem>> -> memref<128xi32, #tpu.memory_space<vmem>>
    %dma_start3A_67 = arith.constant 0 : i32
    %dma_start3A_68 = tpu.memref_slice %arg7[%dma_start3A_67] : memref<1000000xf32, #tpu.memory_space<hbm>> -> memref<1000000xf32, #tpu.memory_space<hbm>>
    tpu.enqueue_indirect_dma source(%dma_start3A_68 : memref<1000000xf32, #tpu.memory_space<hbm>>) target(%dma_start3A_63 : memref<128xf32, #tpu.memory_space<vmem>>) offsets(%dma_start3A_66 : memref<128xi32, #tpu.memory_space<vmem>>) semaphore(%arg16 : memref<!tpu.dma_semaphore, #tpu.memory_space<semaphore_mem>>)
    %dma_start3A_69 = arith.constant 1 : i32
    %dma_start3A_70 = arith.constant 1 : i32
    %dma_start3A_71 = arith.constant 0 : i32
    %dma_start3A_72 = arith.constant 0 : i32
    %dma_start3A_73 = tpu.memref_slice %arg11[%dma_start3A_70, %dma_start3A_71, %dma_start3A_72] : memref<4x128x16xi32, #tpu.memory_space<vmem>> -> memref<1x128x16xi32, #tpu.memory_space<vmem>>
    %dma_start3A_74 = tpu.memref_squeeze %dma_start3A_73 : memref<1x128x16xi32, #tpu.memory_space<vmem>> -> memref<128x16xi32, #tpu.memory_space<vmem>>
    %dma_start3A_75 = arith.constant 0 : i32
    %dma_start3A_76 = tpu.memref_slice %arg9[%dma_start3A_69, %dma_start3A_75] : memref<4x128xi32, #tpu.memory_space<vmem>> -> memref<1x128xi32, #tpu.memory_space<vmem>>
    %dma_start3A_77 = tpu.memref_squeeze %dma_start3A_76 : memref<1x128xi32, #tpu.memory_space<vmem>> -> memref<128xi32, #tpu.memory_space<vmem>>
    %dma_start3A_78 = arith.constant 0 : i32
    %dma_start3A_79 = arith.constant 0 : i32
    %dma_start3A_80 = tpu.memref_slice %arg4[%dma_start3A_78, %dma_start3A_79] : memref<1000000x16xi32, #tpu.memory_space<hbm>> -> memref<1000000x16xi32, #tpu.memory_space<hbm>>
    tpu.enqueue_indirect_dma source(%dma_start3A_80 : memref<1000000x16xi32, #tpu.memory_space<hbm>>) target(%dma_start3A_74 : memref<128x16xi32, #tpu.memory_space<vmem>>) offsets(%dma_start3A_77 : memref<128xi32, #tpu.memory_space<vmem>>) semaphore(%arg16 : memref<!tpu.dma_semaphore, #tpu.memory_space<semaphore_mem>>)
    %dma_start3A_81 = arith.constant 1 : i32
    %dma_start3A_82 = arith.constant 1 : i32
    %dma_start3A_83 = arith.constant 0 : i32
    %dma_start3A_84 = arith.constant 0 : i32
    %dma_start3A_85 = tpu.memref_slice %arg12[%dma_start3A_82, %dma_start3A_83, %dma_start3A_84] : memref<4x128x16xi32, #tpu.memory_space<vmem>> -> memref<1x128x16xi32, #tpu.memory_space<vmem>>
    %dma_start3A_86 = tpu.memref_squeeze %dma_start3A_85 : memref<1x128x16xi32, #tpu.memory_space<vmem>> -> memref<128x16xi32, #tpu.memory_space<vmem>>
    %dma_start3A_87 = arith.constant 0 : i32
    %dma_start3A_88 = tpu.memref_slice %arg10[%dma_start3A_81, %dma_start3A_87] : memref<4x128xi32, #tpu.memory_space<vmem>> -> memref<1x128xi32, #tpu.memory_space<vmem>>
    %dma_start3A_89 = tpu.memref_squeeze %dma_start3A_88 : memref<1x128xi32, #tpu.memory_space<vmem>> -> memref<128xi32, #tpu.memory_space<vmem>>
    %dma_start3A_90 = arith.constant 0 : i32
    %dma_start3A_91 = arith.constant 0 : i32
    %dma_start3A_92 = tpu.memref_slice %arg5[%dma_start3A_90, %dma_start3A_91] : memref<1000000x16xi32, #tpu.memory_space<hbm>> -> memref<1000000x16xi32, #tpu.memory_space<hbm>>
    tpu.enqueue_indirect_dma source(%dma_start3A_92 : memref<1000000x16xi32, #tpu.memory_space<hbm>>) target(%dma_start3A_86 : memref<128x16xi32, #tpu.memory_space<vmem>>) offsets(%dma_start3A_89 : memref<128xi32, #tpu.memory_space<vmem>>) semaphore(%arg16 : memref<!tpu.dma_semaphore, #tpu.memory_space<semaphore_mem>>)
    %dma_start3A_93 = arith.constant 1 : i32
    %dma_start3A_94 = arith.constant 1 : i32
    %dma_start3A_95 = arith.constant 0 : i32
    %dma_start3A_96 = tpu.memref_slice %arg13[%dma_start3A_94, %dma_start3A_95] : memref<4x128xf32, #tpu.memory_space<vmem>> -> memref<1x128xf32, #tpu.memory_space<vmem>>
    %dma_start3A_97 = tpu.memref_squeeze %dma_start3A_96 : memref<1x128xf32, #tpu.memory_space<vmem>> -> memref<128xf32, #tpu.memory_space<vmem>>
    %dma_start3A_98 = arith.constant 0 : i32
    %dma_start3A_99 = tpu.memref_slice %arg9[%dma_start3A_93, %dma_start3A_98] : memref<4x128xi32, #tpu.memory_space<vmem>> -> memref<1x128xi32, #tpu.memory_space<vmem>>
    %dma_start3A_100 = tpu.memref_squeeze %dma_start3A_99 : memref<1x128xi32, #tpu.memory_space<vmem>> -> memref<128xi32, #tpu.memory_space<vmem>>
    %dma_start3A_101 = arith.constant 0 : i32
    %dma_start3A_102 = tpu.memref_slice %arg6[%dma_start3A_101] : memref<1000000xf32, #tpu.memory_space<hbm>> -> memref<1000000xf32, #tpu.memory_space<hbm>>
    tpu.enqueue_indirect_dma source(%dma_start3A_102 : memref<1000000xf32, #tpu.memory_space<hbm>>) target(%dma_start3A_97 : memref<128xf32, #tpu.memory_space<vmem>>) offsets(%dma_start3A_100 : memref<128xi32, #tpu.memory_space<vmem>>) semaphore(%arg16 : memref<!tpu.dma_semaphore, #tpu.memory_space<semaphore_mem>>)
    %dma_start3A_103 = arith.constant 1 : i32
    %dma_start3A_104 = arith.constant 1 : i32
    %dma_start3A_105 = arith.constant 0 : i32
    %dma_start3A_106 = tpu.memref_slice %arg14[%dma_start3A_104, %dma_start3A_105] : memref<4x128xf32, #tpu.memory_space<vmem>> -> memref<1x128xf32, #tpu.memory_space<vmem>>
    %dma_start3A_107 = tpu.memref_squeeze %dma_start3A_106 : memref<1x128xf32, #tpu.memory_space<vmem>> -> memref<128xf32, #tpu.memory_space<vmem>>
    %dma_start3A_108 = arith.constant 0 : i32
    %dma_start3A_109 = tpu.memref_slice %arg10[%dma_start3A_103, %dma_start3A_108] : memref<4x128xi32, #tpu.memory_space<vmem>> -> memref<1x128xi32, #tpu.memory_space<vmem>>
    %dma_start3A_110 = tpu.memref_squeeze %dma_start3A_109 : memref<1x128xi32, #tpu.memory_space<vmem>> -> memref<128xi32, #tpu.memory_space<vmem>>
    %dma_start3A_111 = arith.constant 0 : i32
    %dma_start3A_112 = tpu.memref_slice %arg7[%dma_start3A_111] : memref<1000000xf32, #tpu.memory_space<hbm>> -> memref<1000000xf32, #tpu.memory_space<hbm>>
    tpu.enqueue_indirect_dma source(%dma_start3A_112 : memref<1000000xf32, #tpu.memory_space<hbm>>) target(%dma_start3A_107 : memref<128xf32, #tpu.memory_space<vmem>>) offsets(%dma_start3A_110 : memref<128xi32, #tpu.memory_space<vmem>>) semaphore(%arg16 : memref<!tpu.dma_semaphore, #tpu.memory_space<semaphore_mem>>)
    %dma_start3A_113 = arith.constant 2 : i32
    %dma_start3A_114 = arith.constant 2 : i32
    %dma_start3A_115 = arith.constant 0 : i32
    %dma_start3A_116 = arith.constant 0 : i32
    %dma_start3A_117 = tpu.memref_slice %arg11[%dma_start3A_114, %dma_start3A_115, %dma_start3A_116] : memref<4x128x16xi32, #tpu.memory_space<vmem>> -> memref<1x128x16xi32, #tpu.memory_space<vmem>>
    %dma_start3A_118 = tpu.memref_squeeze %dma_start3A_117 : memref<1x128x16xi32, #tpu.memory_space<vmem>> -> memref<128x16xi32, #tpu.memory_space<vmem>>
    %dma_start3A_119 = arith.constant 0 : i32
    %dma_start3A_120 = tpu.memref_slice %arg9[%dma_start3A_113, %dma_start3A_119] : memref<4x128xi32, #tpu.memory_space<vmem>> -> memref<1x128xi32, #tpu.memory_space<vmem>>
    %dma_start3A_121 = tpu.memref_squeeze %dma_start3A_120 : memref<1x128xi32, #tpu.memory_space<vmem>> -> memref<128xi32, #tpu.memory_space<vmem>>
    %dma_start3A_122 = arith.constant 0 : i32
    %dma_start3A_123 = arith.constant 0 : i32
    %dma_start3A_124 = tpu.memref_slice %arg4[%dma_start3A_122, %dma_start3A_123] : memref<1000000x16xi32, #tpu.memory_space<hbm>> -> memref<1000000x16xi32, #tpu.memory_space<hbm>>
    tpu.enqueue_indirect_dma source(%dma_start3A_124 : memref<1000000x16xi32, #tpu.memory_space<hbm>>) target(%dma_start3A_118 : memref<128x16xi32, #tpu.memory_space<vmem>>) offsets(%dma_start3A_121 : memref<128xi32, #tpu.memory_space<vmem>>) semaphore(%arg16 : memref<!tpu.dma_semaphore, #tpu.memory_space<semaphore_mem>>)
    %dma_start3A_125 = arith.constant 2 : i32
    %dma_start3A_126 = arith.constant 2 : i32
    %dma_start3A_127 = arith.constant 0 : i32
    %dma_start3A_128 = arith.constant 0 : i32
    %dma_start3A_129 = tpu.memref_slice %arg12[%dma_start3A_126, %dma_start3A_127, %dma_start3A_128] : memref<4x128x16xi32, #tpu.memory_space<vmem>> -> memref<1x128x16xi32, #tpu.memory_space<vmem>>
    %dma_start3A_130 = tpu.memref_squeeze %dma_start3A_129 : memref<1x128x16xi32, #tpu.memory_space<vmem>> -> memref<128x16xi32, #tpu.memory_space<vmem>>
    %dma_start3A_131 = arith.constant 0 : i32
    %dma_start3A_132 = tpu.memref_slice %arg10[%dma_start3A_125, %dma_start3A_131] : memref<4x128xi32, #tpu.memory_space<vmem>> -> memref<1x128xi32, #tpu.memory_space<vmem>>
    %dma_start3A_133 = tpu.memref_squeeze %dma_start3A_132 : memref<1x128xi32, #tpu.memory_space<vmem>> -> memref<128xi32, #tpu.memory_space<vmem>>
    %dma_start3A_134 = arith.constant 0 : i32
    %dma_start3A_135 = arith.constant 0 : i32
    %dma_start3A_136 = tpu.memref_slice %arg5[%dma_start3A_134, %dma_start3A_135] : memref<1000000x16xi32, #tpu.memory_space<hbm>> -> memref<1000000x16xi32, #tpu.memory_space<hbm>>
    tpu.enqueue_indirect_dma source(%dma_start3A_136 : memref<1000000x16xi32, #tpu.memory_space<hbm>>) target(%dma_start3A_130 : memref<128x16xi32, #tpu.memory_space<vmem>>) offsets(%dma_start3A_133 : memref<128xi32, #tpu.memory_space<vmem>>) semaphore(%arg16 : memref<!tpu.dma_semaphore, #tpu.memory_space<semaphore_mem>>)
    %dma_start3A_137 = arith.constant 2 : i32
    %dma_start3A_138 = arith.constant 2 : i32
    %dma_start3A_139 = arith.constant 0 : i32
    %dma_start3A_140 = tpu.memref_slice %arg13[%dma_start3A_138, %dma_start3A_139] : memref<4x128xf32, #tpu.memory_space<vmem>> -> memref<1x128xf32, #tpu.memory_space<vmem>>
    %dma_start3A_141 = tpu.memref_squeeze %dma_start3A_140 : memref<1x128xf32, #tpu.memory_space<vmem>> -> memref<128xf32, #tpu.memory_space<vmem>>
    %dma_start3A_142 = arith.constant 0 : i32
    %dma_start3A_143 = tpu.memref_slice %arg9[%dma_start3A_137, %dma_start3A_142] : memref<4x128xi32, #tpu.memory_space<vmem>> -> memref<1x128xi32, #tpu.memory_space<vmem>>
    %dma_start3A_144 = tpu.memref_squeeze %dma_start3A_143 : memref<1x128xi32, #tpu.memory_space<vmem>> -> memref<128xi32, #tpu.memory_space<vmem>>
    %dma_start3A_145 = arith.constant 0 : i32
    %dma_start3A_146 = tpu.memref_slice %arg6[%dma_start3A_145] : memref<1000000xf32, #tpu.memory_space<hbm>> -> memref<1000000xf32, #tpu.memory_space<hbm>>
    tpu.enqueue_indirect_dma source(%dma_start3A_146 : memref<1000000xf32, #tpu.memory_space<hbm>>) target(%dma_start3A_141 : memref<128xf32, #tpu.memory_space<vmem>>) offsets(%dma_start3A_144 : memref<128xi32, #tpu.memory_space<vmem>>) semaphore(%arg16 : memref<!tpu.dma_semaphore, #tpu.memory_space<semaphore_mem>>)
    %dma_start3A_147 = arith.constant 2 : i32
    %dma_start3A_148 = arith.constant 2 : i32
    %dma_start3A_149 = arith.constant 0 : i32
    %dma_start3A_150 = tpu.memref_slice %arg14[%dma_start3A_148, %dma_start3A_149] : memref<4x128xf32, #tpu.memory_space<vmem>> -> memref<1x128xf32, #tpu.memory_space<vmem>>
    %dma_start3A_151 = tpu.memref_squeeze %dma_start3A_150 : memref<1x128xf32, #tpu.memory_space<vmem>> -> memref<128xf32, #tpu.memory_space<vmem>>
    %dma_start3A_152 = arith.constant 0 : i32
    %dma_start3A_153 = tpu.memref_slice %arg10[%dma_start3A_147, %dma_start3A_152] : memref<4x128xi32, #tpu.memory_space<vmem>> -> memref<1x128xi32, #tpu.memory_space<vmem>>
    %dma_start3A_154 = tpu.memref_squeeze %dma_start3A_153 : memref<1x128xi32, #tpu.memory_space<vmem>> -> memref<128xi32, #tpu.memory_space<vmem>>
    %dma_start3A_155 = arith.constant 0 : i32
    %dma_start3A_156 = tpu.memref_slice %arg7[%dma_start3A_155] : memref<1000000xf32, #tpu.memory_space<hbm>> -> memref<1000000xf32, #tpu.memory_space<hbm>>
    tpu.enqueue_indirect_dma source(%dma_start3A_156 : memref<1000000xf32, #tpu.memory_space<hbm>>) target(%dma_start3A_151 : memref<128xf32, #tpu.memory_space<vmem>>) offsets(%dma_start3A_154 : memref<128xi32, #tpu.memory_space<vmem>>) semaphore(%arg16 : memref<!tpu.dma_semaphore, #tpu.memory_space<semaphore_mem>>)
    %dma_start3A_157 = arith.constant 3 : i32
    %dma_start3A_158 = arith.constant 3 : i32
    %dma_start3A_159 = arith.constant 0 : i32
    %dma_start3A_160 = arith.constant 0 : i32
    %dma_start3A_161 = tpu.memref_slice %arg11[%dma_start3A_158, %dma_start3A_159, %dma_start3A_160] : memref<4x128x16xi32, #tpu.memory_space<vmem>> -> memref<1x128x16xi32, #tpu.memory_space<vmem>>
    %dma_start3A_162 = tpu.memref_squeeze %dma_start3A_161 : memref<1x128x16xi32, #tpu.memory_space<vmem>> -> memref<128x16xi32, #tpu.memory_space<vmem>>
    %dma_start3A_163 = arith.constant 0 : i32
    %dma_start3A_164 = tpu.memref_slice %arg9[%dma_start3A_157, %dma_start3A_163] : memref<4x128xi32, #tpu.memory_space<vmem>> -> memref<1x128xi32, #tpu.memory_space<vmem>>
    %dma_start3A_165 = tpu.memref_squeeze %dma_start3A_164 : memref<1x128xi32, #tpu.memory_space<vmem>> -> memref<128xi32, #tpu.memory_space<vmem>>
    %dma_start3A_166 = arith.constant 0 : i32
    %dma_start3A_167 = arith.constant 0 : i32
    %dma_start3A_168 = tpu.memref_slice %arg4[%dma_start3A_166, %dma_start3A_167] : memref<1000000x16xi32, #tpu.memory_space<hbm>> -> memref<1000000x16xi32, #tpu.memory_space<hbm>>
    tpu.enqueue_indirect_dma source(%dma_start3A_168 : memref<1000000x16xi32, #tpu.memory_space<hbm>>) target(%dma_start3A_162 : memref<128x16xi32, #tpu.memory_space<vmem>>) offsets(%dma_start3A_165 : memref<128xi32, #tpu.memory_space<vmem>>) semaphore(%arg16 : memref<!tpu.dma_semaphore, #tpu.memory_space<semaphore_mem>>)
    %dma_start3A_169 = arith.constant 3 : i32
    %dma_start3A_170 = arith.constant 3 : i32
    %dma_start3A_171 = arith.constant 0 : i32
    %dma_start3A_172 = arith.constant 0 : i32
    %dma_start3A_173 = tpu.memref_slice %arg12[%dma_start3A_170, %dma_start3A_171, %dma_start3A_172] : memref<4x128x16xi32, #tpu.memory_space<vmem>> -> memref<1x128x16xi32, #tpu.memory_space<vmem>>
    %dma_start3A_174 = tpu.memref_squeeze %dma_start3A_173 : memref<1x128x16xi32, #tpu.memory_space<vmem>> -> memref<128x16xi32, #tpu.memory_space<vmem>>
    %dma_start3A_175 = arith.constant 0 : i32
    %dma_start3A_176 = tpu.memref_slice %arg10[%dma_start3A_169, %dma_start3A_175] : memref<4x128xi32, #tpu.memory_space<vmem>> -> memref<1x128xi32, #tpu.memory_space<vmem>>
    %dma_start3A_177 = tpu.memref_squeeze %dma_start3A_176 : memref<1x128xi32, #tpu.memory_space<vmem>> -> memref<128xi32, #tpu.memory_space<vmem>>
    %dma_start3A_178 = arith.constant 0 : i32
    %dma_start3A_179 = arith.constant 0 : i32
    %dma_start3A_180 = tpu.memref_slice %arg5[%dma_start3A_178, %dma_start3A_179] : memref<1000000x16xi32, #tpu.memory_space<hbm>> -> memref<1000000x16xi32, #tpu.memory_space<hbm>>
    tpu.enqueue_indirect_dma source(%dma_start3A_180 : memref<1000000x16xi32, #tpu.memory_space<hbm>>) target(%dma_start3A_174 : memref<128x16xi32, #tpu.memory_space<vmem>>) offsets(%dma_start3A_177 : memref<128xi32, #tpu.memory_space<vmem>>) semaphore(%arg16 : memref<!tpu.dma_semaphore, #tpu.memory_space<semaphore_mem>>)
    %dma_start3A_181 = arith.constant 3 : i32
    %dma_start3A_182 = arith.constant 3 : i32
    %dma_start3A_183 = arith.constant 0 : i32
    %dma_start3A_184 = tpu.memref_slice %arg13[%dma_start3A_182, %dma_start3A_183] : memref<4x128xf32, #tpu.memory_space<vmem>> -> memref<1x128xf32, #tpu.memory_space<vmem>>
    %dma_start3A_185 = tpu.memref_squeeze %dma_start3A_184 : memref<1x128xf32, #tpu.memory_space<vmem>> -> memref<128xf32, #tpu.memory_space<vmem>>
    %dma_start3A_186 = arith.constant 0 : i32
    %dma_start3A_187 = tpu.memref_slice %arg9[%dma_start3A_181, %dma_start3A_186] : memref<4x128xi32, #tpu.memory_space<vmem>> -> memref<1x128xi32, #tpu.memory_space<vmem>>
    %dma_start3A_188 = tpu.memref_squeeze %dma_start3A_187 : memref<1x128xi32, #tpu.memory_space<vmem>> -> memref<128xi32, #tpu.memory_space<vmem>>
    %dma_start3A_189 = arith.constant 0 : i32
    %dma_start3A_190 = tpu.memref_slice %arg6[%dma_start3A_189] : memref<1000000xf32, #tpu.memory_space<hbm>> -> memref<1000000xf32, #tpu.memory_space<hbm>>
    tpu.enqueue_indirect_dma source(%dma_start3A_190 : memref<1000000xf32, #tpu.memory_space<hbm>>) target(%dma_start3A_185 : memref<128xf32, #tpu.memory_space<vmem>>) offsets(%dma_start3A_188 : memref<128xi32, #tpu.memory_space<vmem>>) semaphore(%arg16 : memref<!tpu.dma_semaphore, #tpu.memory_space<semaphore_mem>>)
    %dma_start3A_191 = arith.constant 3 : i32
    %dma_start3A_192 = arith.constant 3 : i32
    %dma_start3A_193 = arith.constant 0 : i32
    %dma_start3A_194 = tpu.memref_slice %arg14[%dma_start3A_192, %dma_start3A_193] : memref<4x128xf32, #tpu.memory_space<vmem>> -> memref<1x128xf32, #tpu.memory_space<vmem>>
    %dma_start3A_195 = tpu.memref_squeeze %dma_start3A_194 : memref<1x128xf32, #tpu.memory_space<vmem>> -> memref<128xf32, #tpu.memory_space<vmem>>
    %dma_start3A_196 = arith.constant 0 : i32
    %dma_start3A_197 = tpu.memref_slice %arg10[%dma_start3A_191, %dma_start3A_196] : memref<4x128xi32, #tpu.memory_space<vmem>> -> memref<1x128xi32, #tpu.memory_space<vmem>>
    %dma_start3A_198 = tpu.memref_squeeze %dma_start3A_197 : memref<1x128xi32, #tpu.memory_space<vmem>> -> memref<128xi32, #tpu.memory_space<vmem>>
    %dma_start3A_199 = arith.constant 0 : i32
    %dma_start3A_200 = tpu.memref_slice %arg7[%dma_start3A_199] : memref<1000000xf32, #tpu.memory_space<hbm>> -> memref<1000000xf32, #tpu.memory_space<hbm>>
    tpu.enqueue_indirect_dma source(%dma_start3A_200 : memref<1000000xf32, #tpu.memory_space<hbm>>) target(%dma_start3A_195 : memref<128xf32, #tpu.memory_space<vmem>>) offsets(%dma_start3A_198 : memref<128xi32, #tpu.memory_space<vmem>>) semaphore(%arg16 : memref<!tpu.dma_semaphore, #tpu.memory_space<semaphore_mem>>)
    %dma_wait3A = arith.constant 0 : i32
    %dma_wait3A_201 = arith.constant 0 : i32
    %dma_wait3A_202 = arith.constant 0 : i32
    %dma_wait3A_203 = arith.constant 0 : i32
    %dma_wait3A_204 = tpu.memref_slice %arg11[%dma_wait3A_201, %dma_wait3A_202, %dma_wait3A_203] : memref<4x128x16xi32, #tpu.memory_space<vmem>> -> memref<1x128x16xi32, #tpu.memory_space<vmem>>
    %dma_wait3A_205 = tpu.memref_squeeze %dma_wait3A_204 : memref<1x128x16xi32, #tpu.memory_space<vmem>> -> memref<128x16xi32, #tpu.memory_space<vmem>>
    %dma_wait3A_206 = arith.constant 0 : i32
    %dma_wait3A_207 = tpu.memref_slice %arg9[%dma_wait3A, %dma_wait3A_206] : memref<4x128xi32, #tpu.memory_space<vmem>> -> memref<1x128xi32, #tpu.memory_space<vmem>>
    %dma_wait3A_208 = tpu.memref_squeeze %dma_wait3A_207 : memref<1x128xi32, #tpu.memory_space<vmem>> -> memref<128xi32, #tpu.memory_space<vmem>>
    %dma_wait3A_209 = arith.constant 0 : i32
    %dma_wait3A_210 = arith.constant 0 : i32
    %dma_wait3A_211 = tpu.memref_slice %arg4[%dma_wait3A_209, %dma_wait3A_210] : memref<1000000x16xi32, #tpu.memory_space<hbm>> -> memref<1000000x16xi32, #tpu.memory_space<hbm>>
    tpu.wait_indirect_dma semaphore(%arg16 : memref<!tpu.dma_semaphore, #tpu.memory_space<semaphore_mem>>) src(%dma_wait3A_211 : memref<1000000x16xi32, #tpu.memory_space<hbm>>) dst(%dma_wait3A_205 : memref<128x16xi32, #tpu.memory_space<vmem>>)
    %dma_wait3A_212 = arith.constant 0 : i32
    %dma_wait3A_213 = arith.constant 0 : i32
    %dma_wait3A_214 = arith.constant 0 : i32
    %dma_wait3A_215 = arith.constant 0 : i32
    %dma_wait3A_216 = tpu.memref_slice %arg12[%dma_wait3A_213, %dma_wait3A_214, %dma_wait3A_215] : memref<4x128x16xi32, #tpu.memory_space<vmem>> -> memref<1x128x16xi32, #tpu.memory_space<vmem>>
    %dma_wait3A_217 = tpu.memref_squeeze %dma_wait3A_216 : memref<1x128x16xi32, #tpu.memory_space<vmem>> -> memref<128x16xi32, #tpu.memory_space<vmem>>
    %dma_wait3A_218 = arith.constant 0 : i32
    %dma_wait3A_219 = tpu.memref_slice %arg10[%dma_wait3A_212, %dma_wait3A_218] : memref<4x128xi32, #tpu.memory_space<vmem>> -> memref<1x128xi32, #tpu.memory_space<vmem>>
    %dma_wait3A_220 = tpu.memref_squeeze %dma_wait3A_219 : memref<1x128xi32, #tpu.memory_space<vmem>> -> memref<128xi32, #tpu.memory_space<vmem>>
    %dma_wait3A_221 = arith.constant 0 : i32
    %dma_wait3A_222 = arith.constant 0 : i32
    %dma_wait3A_223 = tpu.memref_slice %arg5[%dma_wait3A_221, %dma_wait3A_222] : memref<1000000x16xi32, #tpu.memory_space<hbm>> -> memref<1000000x16xi32, #tpu.memory_space<hbm>>
    tpu.wait_indirect_dma semaphore(%arg16 : memref<!tpu.dma_semaphore, #tpu.memory_space<semaphore_mem>>) src(%dma_wait3A_223 : memref<1000000x16xi32, #tpu.memory_space<hbm>>) dst(%dma_wait3A_217 : memref<128x16xi32, #tpu.memory_space<vmem>>)
    %dma_wait3A_224 = arith.constant 0 : i32
    %dma_wait3A_225 = arith.constant 0 : i32
    %dma_wait3A_226 = arith.constant 0 : i32
    %dma_wait3A_227 = tpu.memref_slice %arg13[%dma_wait3A_225, %dma_wait3A_226] : memref<4x128xf32, #tpu.memory_space<vmem>> -> memref<1x128xf32, #tpu.memory_space<vmem>>
    %dma_wait3A_228 = tpu.memref_squeeze %dma_wait3A_227 : memref<1x128xf32, #tpu.memory_space<vmem>> -> memref<128xf32, #tpu.memory_space<vmem>>
    %dma_wait3A_229 = arith.constant 0 : i32
    %dma_wait3A_230 = tpu.memref_slice %arg9[%dma_wait3A_224, %dma_wait3A_229] : memref<4x128xi32, #tpu.memory_space<vmem>> -> memref<1x128xi32, #tpu.memory_space<vmem>>
    %dma_wait3A_231 = tpu.memref_squeeze %dma_wait3A_230 : memref<1x128xi32, #tpu.memory_space<vmem>> -> memref<128xi32, #tpu.memory_space<vmem>>
    %dma_wait3A_232 = arith.constant 0 : i32
    %dma_wait3A_233 = tpu.memref_slice %arg6[%dma_wait3A_232] : memref<1000000xf32, #tpu.memory_space<hbm>> -> memref<1000000xf32, #tpu.memory_space<hbm>>
    tpu.wait_indirect_dma semaphore(%arg16 : memref<!tpu.dma_semaphore, #tpu.memory_space<semaphore_mem>>) src(%dma_wait3A_233 : memref<1000000xf32, #tpu.memory_space<hbm>>) dst(%dma_wait3A_228 : memref<128xf32, #tpu.memory_space<vmem>>)
    %dma_wait3A_234 = arith.constant 0 : i32
    %dma_wait3A_235 = arith.constant 0 : i32
    %dma_wait3A_236 = arith.constant 0 : i32
    %dma_wait3A_237 = tpu.memref_slice %arg14[%dma_wait3A_235, %dma_wait3A_236] : memref<4x128xf32, #tpu.memory_space<vmem>> -> memref<1x128xf32, #tpu.memory_space<vmem>>
    %dma_wait3A_238 = tpu.memref_squeeze %dma_wait3A_237 : memref<1x128xf32, #tpu.memory_space<vmem>> -> memref<128xf32, #tpu.memory_space<vmem>>
    %dma_wait3A_239 = arith.constant 0 : i32
    %dma_wait3A_240 = tpu.memref_slice %arg10[%dma_wait3A_234, %dma_wait3A_239] : memref<4x128xi32, #tpu.memory_space<vmem>> -> memref<1x128xi32, #tpu.memory_space<vmem>>
    %dma_wait3A_241 = tpu.memref_squeeze %dma_wait3A_240 : memref<1x128xi32, #tpu.memory_space<vmem>> -> memref<128xi32, #tpu.memory_space<vmem>>
    %dma_wait3A_242 = arith.constant 0 : i32
    %dma_wait3A_243 = tpu.memref_slice %arg7[%dma_wait3A_242] : memref<1000000xf32, #tpu.memory_space<hbm>> -> memref<1000000xf32, #tpu.memory_space<hbm>>
    tpu.wait_indirect_dma semaphore(%arg16 : memref<!tpu.dma_semaphore, #tpu.memory_space<semaphore_mem>>) src(%dma_wait3A_243 : memref<1000000xf32, #tpu.memory_space<hbm>>) dst(%dma_wait3A_238 : memref<128xf32, #tpu.memory_space<vmem>>)
    %dma_wait3A_244 = arith.constant 1 : i32
    %dma_wait3A_245 = arith.constant 1 : i32
    %dma_wait3A_246 = arith.constant 0 : i32
    %dma_wait3A_247 = arith.constant 0 : i32
    %dma_wait3A_248 = tpu.memref_slice %arg11[%dma_wait3A_245, %dma_wait3A_246, %dma_wait3A_247] : memref<4x128x16xi32, #tpu.memory_space<vmem>> -> memref<1x128x16xi32, #tpu.memory_space<vmem>>
    %dma_wait3A_249 = tpu.memref_squeeze %dma_wait3A_248 : memref<1x128x16xi32, #tpu.memory_space<vmem>> -> memref<128x16xi32, #tpu.memory_space<vmem>>
    %dma_wait3A_250 = arith.constant 0 : i32
    %dma_wait3A_251 = tpu.memref_slice %arg9[%dma_wait3A_244, %dma_wait3A_250] : memref<4x128xi32, #tpu.memory_space<vmem>> -> memref<1x128xi32, #tpu.memory_space<vmem>>
    %dma_wait3A_252 = tpu.memref_squeeze %dma_wait3A_251 : memref<1x128xi32, #tpu.memory_space<vmem>> -> memref<128xi32, #tpu.memory_space<vmem>>
    %dma_wait3A_253 = arith.constant 0 : i32
    %dma_wait3A_254 = arith.constant 0 : i32
    %dma_wait3A_255 = tpu.memref_slice %arg4[%dma_wait3A_253, %dma_wait3A_254] : memref<1000000x16xi32, #tpu.memory_space<hbm>> -> memref<1000000x16xi32, #tpu.memory_space<hbm>>
    tpu.wait_indirect_dma semaphore(%arg16 : memref<!tpu.dma_semaphore, #tpu.memory_space<semaphore_mem>>) src(%dma_wait3A_255 : memref<1000000x16xi32, #tpu.memory_space<hbm>>) dst(%dma_wait3A_249 : memref<128x16xi32, #tpu.memory_space<vmem>>)
    %dma_wait3A_256 = arith.constant 1 : i32
    %dma_wait3A_257 = arith.constant 1 : i32
    %dma_wait3A_258 = arith.constant 0 : i32
    %dma_wait3A_259 = arith.constant 0 : i32
    %dma_wait3A_260 = tpu.memref_slice %arg12[%dma_wait3A_257, %dma_wait3A_258, %dma_wait3A_259] : memref<4x128x16xi32, #tpu.memory_space<vmem>> -> memref<1x128x16xi32, #tpu.memory_space<vmem>>
    %dma_wait3A_261 = tpu.memref_squeeze %dma_wait3A_260 : memref<1x128x16xi32, #tpu.memory_space<vmem>> -> memref<128x16xi32, #tpu.memory_space<vmem>>
    %dma_wait3A_262 = arith.constant 0 : i32
    %dma_wait3A_263 = tpu.memref_slice %arg10[%dma_wait3A_256, %dma_wait3A_262] : memref<4x128xi32, #tpu.memory_space<vmem>> -> memref<1x128xi32, #tpu.memory_space<vmem>>
    %dma_wait3A_264 = tpu.memref_squeeze %dma_wait3A_263 : memref<1x128xi32, #tpu.memory_space<vmem>> -> memref<128xi32, #tpu.memory_space<vmem>>
    %dma_wait3A_265 = arith.constant 0 : i32
    %dma_wait3A_266 = arith.constant 0 : i32
    %dma_wait3A_267 = tpu.memref_slice %arg5[%dma_wait3A_265, %dma_wait3A_266] : memref<1000000x16xi32, #tpu.memory_space<hbm>> -> memref<1000000x16xi32, #tpu.memory_space<hbm>>
    tpu.wait_indirect_dma semaphore(%arg16 : memref<!tpu.dma_semaphore, #tpu.memory_space<semaphore_mem>>) src(%dma_wait3A_267 : memref<1000000x16xi32, #tpu.memory_space<hbm>>) dst(%dma_wait3A_261 : memref<128x16xi32, #tpu.memory_space<vmem>>)
    %dma_wait3A_268 = arith.constant 1 : i32
    %dma_wait3A_269 = arith.constant 1 : i32
    %dma_wait3A_270 = arith.constant 0 : i32
    %dma_wait3A_271 = tpu.memref_slice %arg13[%dma_wait3A_269, %dma_wait3A_270] : memref<4x128xf32, #tpu.memory_space<vmem>> -> memref<1x128xf32, #tpu.memory_space<vmem>>
    %dma_wait3A_272 = tpu.memref_squeeze %dma_wait3A_271 : memref<1x128xf32, #tpu.memory_space<vmem>> -> memref<128xf32, #tpu.memory_space<vmem>>
    %dma_wait3A_273 = arith.constant 0 : i32
    %dma_wait3A_274 = tpu.memref_slice %arg9[%dma_wait3A_268, %dma_wait3A_273] : memref<4x128xi32, #tpu.memory_space<vmem>> -> memref<1x128xi32, #tpu.memory_space<vmem>>
    %dma_wait3A_275 = tpu.memref_squeeze %dma_wait3A_274 : memref<1x128xi32, #tpu.memory_space<vmem>> -> memref<128xi32, #tpu.memory_space<vmem>>
    %dma_wait3A_276 = arith.constant 0 : i32
    %dma_wait3A_277 = tpu.memref_slice %arg6[%dma_wait3A_276] : memref<1000000xf32, #tpu.memory_space<hbm>> -> memref<1000000xf32, #tpu.memory_space<hbm>>
    tpu.wait_indirect_dma semaphore(%arg16 : memref<!tpu.dma_semaphore, #tpu.memory_space<semaphore_mem>>) src(%dma_wait3A_277 : memref<1000000xf32, #tpu.memory_space<hbm>>) dst(%dma_wait3A_272 : memref<128xf32, #tpu.memory_space<vmem>>)
    %dma_wait3A_278 = arith.constant 1 : i32
    %dma_wait3A_279 = arith.constant 1 : i32
    %dma_wait3A_280 = arith.constant 0 : i32
    %dma_wait3A_281 = tpu.memref_slice %arg14[%dma_wait3A_279, %dma_wait3A_280] : memref<4x128xf32, #tpu.memory_space<vmem>> -> memref<1x128xf32, #tpu.memory_space<vmem>>
    %dma_wait3A_282 = tpu.memref_squeeze %dma_wait3A_281 : memref<1x128xf32, #tpu.memory_space<vmem>> -> memref<128xf32, #tpu.memory_space<vmem>>
    %dma_wait3A_283 = arith.constant 0 : i32
    %dma_wait3A_284 = tpu.memref_slice %arg10[%dma_wait3A_278, %dma_wait3A_283] : memref<4x128xi32, #tpu.memory_space<vmem>> -> memref<1x128xi32, #tpu.memory_space<vmem>>
    %dma_wait3A_285 = tpu.memref_squeeze %dma_wait3A_284 : memref<1x128xi32, #tpu.memory_space<vmem>> -> memref<128xi32, #tpu.memory_space<vmem>>
    %dma_wait3A_286 = arith.constant 0 : i32
    %dma_wait3A_287 = tpu.memref_slice %arg7[%dma_wait3A_286] : memref<1000000xf32, #tpu.memory_space<hbm>> -> memref<1000000xf32, #tpu.memory_space<hbm>>
    tpu.wait_indirect_dma semaphore(%arg16 : memref<!tpu.dma_semaphore, #tpu.memory_space<semaphore_mem>>) src(%dma_wait3A_287 : memref<1000000xf32, #tpu.memory_space<hbm>>) dst(%dma_wait3A_282 : memref<128xf32, #tpu.memory_space<vmem>>)
    %dma_wait3A_288 = arith.constant 2 : i32
    %dma_wait3A_289 = arith.constant 2 : i32
    %dma_wait3A_290 = arith.constant 0 : i32
    %dma_wait3A_291 = arith.constant 0 : i32
    %dma_wait3A_292 = tpu.memref_slice %arg11[%dma_wait3A_289, %dma_wait3A_290, %dma_wait3A_291] : memref<4x128x16xi32, #tpu.memory_space<vmem>> -> memref<1x128x16xi32, #tpu.memory_space<vmem>>
    %dma_wait3A_293 = tpu.memref_squeeze %dma_wait3A_292 : memref<1x128x16xi32, #tpu.memory_space<vmem>> -> memref<128x16xi32, #tpu.memory_space<vmem>>
    %dma_wait3A_294 = arith.constant 0 : i32
    %dma_wait3A_295 = tpu.memref_slice %arg9[%dma_wait3A_288, %dma_wait3A_294] : memref<4x128xi32, #tpu.memory_space<vmem>> -> memref<1x128xi32, #tpu.memory_space<vmem>>
    %dma_wait3A_296 = tpu.memref_squeeze %dma_wait3A_295 : memref<1x128xi32, #tpu.memory_space<vmem>> -> memref<128xi32, #tpu.memory_space<vmem>>
    %dma_wait3A_297 = arith.constant 0 : i32
    %dma_wait3A_298 = arith.constant 0 : i32
    %dma_wait3A_299 = tpu.memref_slice %arg4[%dma_wait3A_297, %dma_wait3A_298] : memref<1000000x16xi32, #tpu.memory_space<hbm>> -> memref<1000000x16xi32, #tpu.memory_space<hbm>>
    tpu.wait_indirect_dma semaphore(%arg16 : memref<!tpu.dma_semaphore, #tpu.memory_space<semaphore_mem>>) src(%dma_wait3A_299 : memref<1000000x16xi32, #tpu.memory_space<hbm>>) dst(%dma_wait3A_293 : memref<128x16xi32, #tpu.memory_space<vmem>>)
    %dma_wait3A_300 = arith.constant 2 : i32
    %dma_wait3A_301 = arith.constant 2 : i32
    %dma_wait3A_302 = arith.constant 0 : i32
    %dma_wait3A_303 = arith.constant 0 : i32
    %dma_wait3A_304 = tpu.memref_slice %arg12[%dma_wait3A_301, %dma_wait3A_302, %dma_wait3A_303] : memref<4x128x16xi32, #tpu.memory_space<vmem>> -> memref<1x128x16xi32, #tpu.memory_space<vmem>>
    %dma_wait3A_305 = tpu.memref_squeeze %dma_wait3A_304 : memref<1x128x16xi32, #tpu.memory_space<vmem>> -> memref<128x16xi32, #tpu.memory_space<vmem>>
    %dma_wait3A_306 = arith.constant 0 : i32
    %dma_wait3A_307 = tpu.memref_slice %arg10[%dma_wait3A_300, %dma_wait3A_306] : memref<4x128xi32, #tpu.memory_space<vmem>> -> memref<1x128xi32, #tpu.memory_space<vmem>>
    %dma_wait3A_308 = tpu.memref_squeeze %dma_wait3A_307 : memref<1x128xi32, #tpu.memory_space<vmem>> -> memref<128xi32, #tpu.memory_space<vmem>>
    %dma_wait3A_309 = arith.constant 0 : i32
    %dma_wait3A_310 = arith.constant 0 : i32
    %dma_wait3A_311 = tpu.memref_slice %arg5[%dma_wait3A_309, %dma_wait3A_310] : memref<1000000x16xi32, #tpu.memory_space<hbm>> -> memref<1000000x16xi32, #tpu.memory_space<hbm>>
    tpu.wait_indirect_dma semaphore(%arg16 : memref<!tpu.dma_semaphore, #tpu.memory_space<semaphore_mem>>) src(%dma_wait3A_311 : memref<1000000x16xi32, #tpu.memory_space<hbm>>) dst(%dma_wait3A_305 : memref<128x16xi32, #tpu.memory_space<vmem>>)
    %dma_wait3A_312 = arith.constant 2 : i32
    %dma_wait3A_313 = arith.constant 2 : i32
    %dma_wait3A_314 = arith.constant 0 : i32
    %dma_wait3A_315 = tpu.memref_slice %arg13[%dma_wait3A_313, %dma_wait3A_314] : memref<4x128xf32, #tpu.memory_space<vmem>> -> memref<1x128xf32, #tpu.memory_space<vmem>>
    %dma_wait3A_316 = tpu.memref_squeeze %dma_wait3A_315 : memref<1x128xf32, #tpu.memory_space<vmem>> -> memref<128xf32, #tpu.memory_space<vmem>>
    %dma_wait3A_317 = arith.constant 0 : i32
    %dma_wait3A_318 = tpu.memref_slice %arg9[%dma_wait3A_312, %dma_wait3A_317] : memref<4x128xi32, #tpu.memory_space<vmem>> -> memref<1x128xi32, #tpu.memory_space<vmem>>
    %dma_wait3A_319 = tpu.memref_squeeze %dma_wait3A_318 : memref<1x128xi32, #tpu.memory_space<vmem>> -> memref<128xi32, #tpu.memory_space<vmem>>
    %dma_wait3A_320 = arith.constant 0 : i32
    %dma_wait3A_321 = tpu.memref_slice %arg6[%dma_wait3A_320] : memref<1000000xf32, #tpu.memory_space<hbm>> -> memref<1000000xf32, #tpu.memory_space<hbm>>
    tpu.wait_indirect_dma semaphore(%arg16 : memref<!tpu.dma_semaphore, #tpu.memory_space<semaphore_mem>>) src(%dma_wait3A_321 : memref<1000000xf32, #tpu.memory_space<hbm>>) dst(%dma_wait3A_316 : memref<128xf32, #tpu.memory_space<vmem>>)
    %dma_wait3A_322 = arith.constant 2 : i32
    %dma_wait3A_323 = arith.constant 2 : i32
    %dma_wait3A_324 = arith.constant 0 : i32
    %dma_wait3A_325 = tpu.memref_slice %arg14[%dma_wait3A_323, %dma_wait3A_324] : memref<4x128xf32, #tpu.memory_space<vmem>> -> memref<1x128xf32, #tpu.memory_space<vmem>>
    %dma_wait3A_326 = tpu.memref_squeeze %dma_wait3A_325 : memref<1x128xf32, #tpu.memory_space<vmem>> -> memref<128xf32, #tpu.memory_space<vmem>>
    %dma_wait3A_327 = arith.constant 0 : i32
    %dma_wait3A_328 = tpu.memref_slice %arg10[%dma_wait3A_322, %dma_wait3A_327] : memref<4x128xi32, #tpu.memory_space<vmem>> -> memref<1x128xi32, #tpu.memory_space<vmem>>
    %dma_wait3A_329 = tpu.memref_squeeze %dma_wait3A_328 : memref<1x128xi32, #tpu.memory_space<vmem>> -> memref<128xi32, #tpu.memory_space<vmem>>
    %dma_wait3A_330 = arith.constant 0 : i32
    %dma_wait3A_331 = tpu.memref_slice %arg7[%dma_wait3A_330] : memref<1000000xf32, #tpu.memory_space<hbm>> -> memref<1000000xf32, #tpu.memory_space<hbm>>
    tpu.wait_indirect_dma semaphore(%arg16 : memref<!tpu.dma_semaphore, #tpu.memory_space<semaphore_mem>>) src(%dma_wait3A_331 : memref<1000000xf32, #tpu.memory_space<hbm>>) dst(%dma_wait3A_326 : memref<128xf32, #tpu.memory_space<vmem>>)
    %dma_wait3A_332 = arith.constant 3 : i32
    %dma_wait3A_333 = arith.constant 3 : i32
    %dma_wait3A_334 = arith.constant 0 : i32
    %dma_wait3A_335 = arith.constant 0 : i32
    %dma_wait3A_336 = tpu.memref_slice %arg11[%dma_wait3A_333, %dma_wait3A_334, %dma_wait3A_335] : memref<4x128x16xi32, #tpu.memory_space<vmem>> -> memref<1x128x16xi32, #tpu.memory_space<vmem>>
    %dma_wait3A_337 = tpu.memref_squeeze %dma_wait3A_336 : memref<1x128x16xi32, #tpu.memory_space<vmem>> -> memref<128x16xi32, #tpu.memory_space<vmem>>
    %dma_wait3A_338 = arith.constant 0 : i32
    %dma_wait3A_339 = tpu.memref_slice %arg9[%dma_wait3A_332, %dma_wait3A_338] : memref<4x128xi32, #tpu.memory_space<vmem>> -> memref<1x128xi32, #tpu.memory_space<vmem>>
    %dma_wait3A_340 = tpu.memref_squeeze %dma_wait3A_339 : memref<1x128xi32, #tpu.memory_space<vmem>> -> memref<128xi32, #tpu.memory_space<vmem>>
    %dma_wait3A_341 = arith.constant 0 : i32
    %dma_wait3A_342 = arith.constant 0 : i32
    %dma_wait3A_343 = tpu.memref_slice %arg4[%dma_wait3A_341, %dma_wait3A_342] : memref<1000000x16xi32, #tpu.memory_space<hbm>> -> memref<1000000x16xi32, #tpu.memory_space<hbm>>
    tpu.wait_indirect_dma semaphore(%arg16 : memref<!tpu.dma_semaphore, #tpu.memory_space<semaphore_mem>>) src(%dma_wait3A_343 : memref<1000000x16xi32, #tpu.memory_space<hbm>>) dst(%dma_wait3A_337 : memref<128x16xi32, #tpu.memory_space<vmem>>)
    %dma_wait3A_344 = arith.constant 3 : i32
    %dma_wait3A_345 = arith.constant 3 : i32
    %dma_wait3A_346 = arith.constant 0 : i32
    %dma_wait3A_347 = arith.constant 0 : i32
    %dma_wait3A_348 = tpu.memref_slice %arg12[%dma_wait3A_345, %dma_wait3A_346, %dma_wait3A_347] : memref<4x128x16xi32, #tpu.memory_space<vmem>> -> memref<1x128x16xi32, #tpu.memory_space<vmem>>
    %dma_wait3A_349 = tpu.memref_squeeze %dma_wait3A_348 : memref<1x128x16xi32, #tpu.memory_space<vmem>> -> memref<128x16xi32, #tpu.memory_space<vmem>>
    %dma_wait3A_350 = arith.constant 0 : i32
    %dma_wait3A_351 = tpu.memref_slice %arg10[%dma_wait3A_344, %dma_wait3A_350] : memref<4x128xi32, #tpu.memory_space<vmem>> -> memref<1x128xi32, #tpu.memory_space<vmem>>
    %dma_wait3A_352 = tpu.memref_squeeze %dma_wait3A_351 : memref<1x128xi32, #tpu.memory_space<vmem>> -> memref<128xi32, #tpu.memory_space<vmem>>
    %dma_wait3A_353 = arith.constant 0 : i32
    %dma_wait3A_354 = arith.constant 0 : i32
    %dma_wait3A_355 = tpu.memref_slice %arg5[%dma_wait3A_353, %dma_wait3A_354] : memref<1000000x16xi32, #tpu.memory_space<hbm>> -> memref<1000000x16xi32, #tpu.memory_space<hbm>>
    tpu.wait_indirect_dma semaphore(%arg16 : memref<!tpu.dma_semaphore, #tpu.memory_space<semaphore_mem>>) src(%dma_wait3A_355 : memref<1000000x16xi32, #tpu.memory_space<hbm>>) dst(%dma_wait3A_349 : memref<128x16xi32, #tpu.memory_space<vmem>>)
    %dma_wait3A_356 = arith.constant 3 : i32
    %dma_wait3A_357 = arith.constant 3 : i32
    %dma_wait3A_358 = arith.constant 0 : i32
    %dma_wait3A_359 = tpu.memref_slice %arg13[%dma_wait3A_357, %dma_wait3A_358] : memref<4x128xf32, #tpu.memory_space<vmem>> -> memref<1x128xf32, #tpu.memory_space<vmem>>
    %dma_wait3A_360 = tpu.memref_squeeze %dma_wait3A_359 : memref<1x128xf32, #tpu.memory_space<vmem>> -> memref<128xf32, #tpu.memory_space<vmem>>
    %dma_wait3A_361 = arith.constant 0 : i32
    %dma_wait3A_362 = tpu.memref_slice %arg9[%dma_wait3A_356, %dma_wait3A_361] : memref<4x128xi32, #tpu.memory_space<vmem>> -> memref<1x128xi32, #tpu.memory_space<vmem>>
    %dma_wait3A_363 = tpu.memref_squeeze %dma_wait3A_362 : memref<1x128xi32, #tpu.memory_space<vmem>> -> memref<128xi32, #tpu.memory_space<vmem>>
    %dma_wait3A_364 = arith.constant 0 : i32
    %dma_wait3A_365 = tpu.memref_slice %arg6[%dma_wait3A_364] : memref<1000000xf32, #tpu.memory_space<hbm>> -> memref<1000000xf32, #tpu.memory_space<hbm>>
    tpu.wait_indirect_dma semaphore(%arg16 : memref<!tpu.dma_semaphore, #tpu.memory_space<semaphore_mem>>) src(%dma_wait3A_365 : memref<1000000xf32, #tpu.memory_space<hbm>>) dst(%dma_wait3A_360 : memref<128xf32, #tpu.memory_space<vmem>>)
    %dma_wait3A_366 = arith.constant 3 : i32
    %dma_wait3A_367 = arith.constant 3 : i32
    %dma_wait3A_368 = arith.constant 0 : i32
    %dma_wait3A_369 = tpu.memref_slice %arg14[%dma_wait3A_367, %dma_wait3A_368] : memref<4x128xf32, #tpu.memory_space<vmem>> -> memref<1x128xf32, #tpu.memory_space<vmem>>
    %dma_wait3A_370 = tpu.memref_squeeze %dma_wait3A_369 : memref<1x128xf32, #tpu.memory_space<vmem>> -> memref<128xf32, #tpu.memory_space<vmem>>
    %dma_wait3A_371 = arith.constant 0 : i32
    %dma_wait3A_372 = tpu.memref_slice %arg10[%dma_wait3A_366, %dma_wait3A_371] : memref<4x128xi32, #tpu.memory_space<vmem>> -> memref<1x128xi32, #tpu.memory_space<vmem>>
    %dma_wait3A_373 = tpu.memref_squeeze %dma_wait3A_372 : memref<1x128xi32, #tpu.memory_space<vmem>> -> memref<128xi32, #tpu.memory_space<vmem>>
    %dma_wait3A_374 = arith.constant 0 : i32
    %dma_wait3A_375 = tpu.memref_slice %arg7[%dma_wait3A_374] : memref<1000000xf32, #tpu.memory_space<hbm>> -> memref<1000000xf32, #tpu.memory_space<hbm>>
    tpu.wait_indirect_dma semaphore(%arg16 : memref<!tpu.dma_semaphore, #tpu.memory_space<semaphore_mem>>) src(%dma_wait3A_375 : memref<1000000xf32, #tpu.memory_space<hbm>>) dst(%dma_wait3A_370 : memref<128xf32, #tpu.memory_space<vmem>>)
    %iota3A = tpu.iota {dimensions = array<i32: 0>} : vector<16xi32>
    %scan3A = arith.constant 0 : i32
    %scan3A_376 = arith.constant 0 : i32
    %scan3A_377 = arith.constant 32 : i32
    %scan3A_378 = arith.addi %scan3A_376, %scan3A_377 : i32
    %scan3A_379 = arith.constant 1 : i32
    scf.for %scan3A_393 = %scan3A_376 to %scan3A_378 step %scan3A_379  : i32 {
      %jit3A = arith.constant 8 : i32
      %div3A = arith.divsi %scan3A_393, %jit3A : i32
      %sign3A = arith.constant 0 : i32
      %sign3A_394 = arith.cmpi sgt, %scan3A_393, %sign3A : i32
      %sign3A_395 = arith.extui %sign3A_394 : i1 to i32
      %sign3A_396 = arith.constant 0 : i32
      %sign3A_397 = arith.cmpi slt, %scan3A_393, %sign3A_396 : i32
      %sign3A_398 = arith.extui %sign3A_397 : i1 to i32
      %sign3A_399 = arith.subi %sign3A_395, %sign3A_398 : i32
      %sign3A_400 = arith.constant 0 : i32
      %sign3A_401 = arith.cmpi sgt, %jit3A, %sign3A_400 : i32
      %sign3A_402 = arith.extui %sign3A_401 : i1 to i32
      %sign3A_403 = arith.constant 0 : i32
      %sign3A_404 = arith.cmpi slt, %jit3A, %sign3A_403 : i32
      %sign3A_405 = arith.extui %sign3A_404 : i1 to i32
      %sign3A_406 = arith.subi %sign3A_402, %sign3A_405 : i32
      %ne3A = arith.cmpi ne, %sign3A_399, %sign3A_406 : i32
      %rem3A = arith.remsi %scan3A_393, %jit3A : i32
      %ne3A_407 = arith.constant 0 : i32
      %ne3A_408 = arith.cmpi ne, %rem3A, %ne3A_407 : i32
      %and3A = arith.andi %ne3A, %ne3A_408 : i1
      %sub3A = arith.constant 1 : i32
      %sub3A_409 = arith.subi %div3A, %sub3A : i32
      %select_n3A = arith.select %and3A, %sub3A_409, %div3A : i32
      %jit3A_410 = arith.constant 8 : i32
      %eq3A = arith.constant 0 : i32
      %eq3A_411 = arith.cmpi eq, %jit3A_410, %eq3A : i32
      %jit3A_412 = arith.constant 1 : i32
      %select_n3A_413 = arith.select %eq3A_411, %jit3A_412, %jit3A_410 : i32
      %rem3A_414 = arith.remsi %scan3A_393, %select_n3A_413 : i32
      %ne3A_415 = arith.constant 0 : i32
      %ne3A_416 = arith.cmpi ne, %rem3A_414, %ne3A_415 : i32
      %lt3A = arith.constant 0 : i32
      %lt3A_417 = arith.cmpi slt, %rem3A_414, %lt3A : i32
      %lt3A_418 = arith.constant 0 : i32
      %lt3A_419 = arith.cmpi slt, %select_n3A_413, %lt3A_418 : i32
      %ne3A_420 = arith.xori %lt3A_417, %lt3A_419 : i1
      %and3A_421 = arith.andi %ne3A_420, %ne3A_416 : i1
      %add3A_422 = arith.addi %rem3A_414, %select_n3A_413 : i32
      %select_n3A_423 = arith.select %and3A_421, %add3A_422, %rem3A_414 : i32
      %mul3A_424 = arith.constant 16 : i32
      %mul3A_425 = arith.muli %select_n3A_423, %mul3A_424 : i32
      %broadcast_in_dim3A = arith.constant 0.000000e+00 : f32
      %broadcast_in_dim3A_426 = vector.broadcast %broadcast_in_dim3A : f32 to vector<16xf32>
      %add3A_427 = arith.constant 0 : i32
      %add3A_428 = arith.addi %mul3A_425, %add3A_427 : i32
      %get3A = arith.index_cast %select_n3A : i32 to index
      %get3A_429 = arith.index_cast %add3A_428 : i32 to index
      %get3A_430 = arith.constant 0 : index
      %get3A_431 = tpu.vector_load %arg11[%get3A, %get3A_429, %get3A_430] {strides = array<i32>} : memref<4x128x16xi32, #tpu.memory_space<vmem>>, vector<1x1x16xi32>,
      %get3A_432 = vector.shape_cast %get3A_431 : vector<1x1x16xi32> to vector<16xi32>
      %get3A_433 = arith.index_cast %select_n3A : i32 to index
      %get3A_434 = arith.index_cast %add3A_428 : i32 to index
      %get3A_435 = arith.constant 0 : index
      %get3A_436 = tpu.vector_load %arg12[%get3A_433, %get3A_434, %get3A_435] {strides = array<i32>} : memref<4x128x16xi32, #tpu.memory_space<vmem>>, vector<1x1x16xi32>,
      %get3A_437 = vector.shape_cast %get3A_436 : vector<1x1x16xi32> to vector<16xi32>
      %shift_left3A = arith.constant 16 : i32
      %shift_left3A_438 = vector.broadcast %shift_left3A : i32 to vector<16xi32>
      %shift_left3A_439 = arith.shli %get3A_432, %shift_left3A_438 : vector<16xi32>
      %bitcast_convert_type3A = tpu.bitcast %shift_left3A_439 : vector<16xi32> -> vector<16xf32>
      %shift_left3A_440 = arith.constant 16 : i32
      %shift_left3A_441 = vector.broadcast %shift_left3A_440 : i32 to vector<16xi32>
      %shift_left3A_442 = arith.shli %get3A_437, %shift_left3A_441 : vector<16xi32>
      %bitcast_convert_type3A_443 = tpu.bitcast %shift_left3A_442 : vector<16xi32> -> vector<16xf32>
      %mul3A_444 = arith.mulf %bitcast_convert_type3A, %bitcast_convert_type3A_443 : vector<16xf32>
      %and3A_445 = arith.constant -65536 : i32
      %and3A_446 = vector.broadcast %and3A_445 : i32 to vector<16xi32>
      %and3A_447 = arith.andi %get3A_432, %and3A_446 : vector<16xi32>
      %bitcast_convert_type3A_448 = tpu.bitcast %and3A_447 : vector<16xi32> -> vector<16xf32>
      %and3A_449 = arith.constant -65536 : i32
      %and3A_450 = vector.broadcast %and3A_449 : i32 to vector<16xi32>
      %and3A_451 = arith.andi %get3A_437, %and3A_450 : vector<16xi32>
      %bitcast_convert_type3A_452 = tpu.bitcast %and3A_451 : vector<16xi32> -> vector<16xf32>
      %mul3A_453 = arith.mulf %bitcast_convert_type3A_448, %bitcast_convert_type3A_452 : vector<16xf32>
      %add3A_454 = arith.addf %mul3A_444, %mul3A_453 : vector<16xf32>
      %eq3A_455 = arith.constant 0 : i32
      %eq3A_456 = vector.broadcast %eq3A_455 : i32 to vector<16xi32>
      %eq3A_457 = arith.cmpi eq, %iota3A, %eq3A_456 : vector<16xi32>
      %xor3A = arith.constant 8 : i32
      %xor3A_458 = vector.broadcast %xor3A : i32 to vector<16xi32>
      %xor3A_459 = arith.xori %iota3A, %xor3A_458 : vector<16xi32>
      %lt3A_460 = arith.constant 0 : i32
      %lt3A_461 = vector.broadcast %lt3A_460 : i32 to vector<16xi32>
      %lt3A_462 = arith.cmpi slt, %xor3A_459, %lt3A_461 : vector<16xi32>
      %add3A_463 = arith.constant 16 : i32
      %add3A_464 = vector.broadcast %add3A_463 : i32 to vector<16xi32>
      %add3A_465 = arith.addi %xor3A_459, %add3A_464 : vector<16xi32>
      %select_n3A_466 = arith.select %lt3A_462, %add3A_465, %xor3A_459 : vector<16xi1>, vector<16xi32>
      %reshape3A = vector.shape_cast %select_n3A_466 : vector<16xi32> to vector<16x1xi32>
      %gather3A = vector.shape_cast %reshape3A : vector<16x1xi32> to vector<16xi32>
      %gather3A_467 = tpu.dynamic_gather %add3A_454[%gather3A] in [0] : vector<16xf32>, vector<16xi32> -> vector<16xf32>
      %add3A_468 = arith.addf %add3A_454, %gather3A_467 : vector<16xf32>
      %xor3A_469 = arith.constant 4 : i32
      %xor3A_470 = vector.broadcast %xor3A_469 : i32 to vector<16xi32>
      %xor3A_471 = arith.xori %iota3A, %xor3A_470 : vector<16xi32>
      %lt3A_472 = arith.constant 0 : i32
      %lt3A_473 = vector.broadcast %lt3A_472 : i32 to vector<16xi32>
      %lt3A_474 = arith.cmpi slt, %xor3A_471, %lt3A_473 : vector<16xi32>
      %add3A_475 = arith.constant 16 : i32
      %add3A_476 = vector.broadcast %add3A_475 : i32 to vector<16xi32>
      %add3A_477 = arith.addi %xor3A_471, %add3A_476 : vector<16xi32>
      %select_n3A_478 = arith.select %lt3A_474, %add3A_477, %xor3A_471 : vector<16xi1>, vector<16xi32>
      %reshape3A_479 = vector.shape_cast %select_n3A_478 : vector<16xi32> to vector<16x1xi32>
      %gather3A_480 = vector.shape_cast %reshape3A_479 : vector<16x1xi32> to vector<16xi32>
      %gather3A_481 = tpu.dynamic_gather %add3A_468[%gather3A_480] in [0] : vector<16xf32>, vector<16xi32> -> vector<16xf32>
      %add3A_482 = arith.addf %add3A_468, %gather3A_481 : vector<16xf32>
      %xor3A_483 = arith.constant 2 : i32
      %xor3A_484 = vector.broadcast %xor3A_483 : i32 to vector<16xi32>
      %xor3A_485 = arith.xori %iota3A, %xor3A_484 : vector<16xi32>
      %lt3A_486 = arith.constant 0 : i32
      %lt3A_487 = vector.broadcast %lt3A_486 : i32 to vector<16xi32>
      %lt3A_488 = arith.cmpi slt, %xor3A_485, %lt3A_487 : vector<16xi32>
      %add3A_489 = arith.constant 16 : i32
      %add3A_490 = vector.broadcast %add3A_489 : i32 to vector<16xi32>
      %add3A_491 = arith.addi %xor3A_485, %add3A_490 : vector<16xi32>
      %select_n3A_492 = arith.select %lt3A_488, %add3A_491, %xor3A_485 : vector<16xi1>, vector<16xi32>
      %reshape3A_493 = vector.shape_cast %select_n3A_492 : vector<16xi32> to vector<16x1xi32>
      %gather3A_494 = vector.shape_cast %reshape3A_493 : vector<16x1xi32> to vector<16xi32>
      %gather3A_495 = tpu.dynamic_gather %add3A_482[%gather3A_494] in [0] : vector<16xf32>, vector<16xi32> -> vector<16xf32>
      %add3A_496 = arith.addf %add3A_482, %gather3A_495 : vector<16xf32>
      %xor3A_497 = arith.constant 1 : i32
      %xor3A_498 = vector.broadcast %xor3A_497 : i32 to vector<16xi32>
      %xor3A_499 = arith.xori %iota3A, %xor3A_498 : vector<16xi32>
      %lt3A_500 = arith.constant 0 : i32
      %lt3A_501 = vector.broadcast %lt3A_500 : i32 to vector<16xi32>
      %lt3A_502 = arith.cmpi slt, %xor3A_499, %lt3A_501 : vector<16xi32>
      %add3A_503 = arith.constant 16 : i32
      %add3A_504 = vector.broadcast %add3A_503 : i32 to vector<16xi32>
      %add3A_505 = arith.addi %xor3A_499, %add3A_504 : vector<16xi32>
      %select_n3A_506 = arith.select %lt3A_502, %add3A_505, %xor3A_499 : vector<16xi1>, vector<16xi32>
      %reshape3A_507 = vector.shape_cast %select_n3A_506 : vector<16xi32> to vector<16x1xi32>
      %gather3A_508 = vector.shape_cast %reshape3A_507 : vector<16x1xi32> to vector<16xi32>
      %gather3A_509 = tpu.dynamic_gather %add3A_496[%gather3A_508] in [0] : vector<16xf32>, vector<16xi32> -> vector<16xf32>
      %add3A_510 = arith.addf %add3A_496, %gather3A_509 : vector<16xf32>
      %select_n3A_511 = arith.select %eq3A_457, %add3A_510, %broadcast_in_dim3A_426 : vector<16xi1>, vector<16xf32>
      %add3A_512 = arith.constant 1 : i32
      %add3A_513 = arith.addi %mul3A_425, %add3A_512 : i32
      %get3A_514 = arith.index_cast %select_n3A : i32 to index
      %get3A_515 = arith.index_cast %add3A_513 : i32 to index
      %get3A_516 = arith.constant 0 : index
      %get3A_517 = tpu.vector_load %arg11[%get3A_514, %get3A_515, %get3A_516] {strides = array<i32>} : memref<4x128x16xi32, #tpu.memory_space<vmem>>, vector<1x1x16xi32>,
      %get3A_518 = vector.shape_cast %get3A_517 : vector<1x1x16xi32> to vector<16xi32>
      %get3A_519 = arith.index_cast %select_n3A : i32 to index
      %get3A_520 = arith.index_cast %add3A_513 : i32 to index
      %get3A_521 = arith.constant 0 : index
      %get3A_522 = tpu.vector_load %arg12[%get3A_519, %get3A_520, %get3A_521] {strides = array<i32>} : memref<4x128x16xi32, #tpu.memory_space<vmem>>, vector<1x1x16xi32>,
      %get3A_523 = vector.shape_cast %get3A_522 : vector<1x1x16xi32> to vector<16xi32>
      %shift_left3A_524 = arith.constant 16 : i32
      %shift_left3A_525 = vector.broadcast %shift_left3A_524 : i32 to vector<16xi32>
      %shift_left3A_526 = arith.shli %get3A_518, %shift_left3A_525 : vector<16xi32>
      %bitcast_convert_type3A_527 = tpu.bitcast %shift_left3A_526 : vector<16xi32> -> vector<16xf32>
      %shift_left3A_528 = arith.constant 16 : i32
      %shift_left3A_529 = vector.broadcast %shift_left3A_528 : i32 to vector<16xi32>
      %shift_left3A_530 = arith.shli %get3A_523, %shift_left3A_529 : vector<16xi32>
      %bitcast_convert_type3A_531 = tpu.bitcast %shift_left3A_530 : vector<16xi32> -> vector<16xf32>
      %mul3A_532 = arith.mulf %bitcast_convert_type3A_527, %bitcast_convert_type3A_531 : vector<16xf32>
      %and3A_533 = arith.constant -65536 : i32
      %and3A_534 = vector.broadcast %and3A_533 : i32 to vector<16xi32>
      %and3A_535 = arith.andi %get3A_518, %and3A_534 : vector<16xi32>
      %bitcast_convert_type3A_536 = tpu.bitcast %and3A_535 : vector<16xi32> -> vector<16xf32>
      %and3A_537 = arith.constant -65536 : i32
      %and3A_538 = vector.broadcast %and3A_537 : i32 to vector<16xi32>
      %and3A_539 = arith.andi %get3A_523, %and3A_538 : vector<16xi32>
      %bitcast_convert_type3A_540 = tpu.bitcast %and3A_539 : vector<16xi32> -> vector<16xf32>
      %mul3A_541 = arith.mulf %bitcast_convert_type3A_536, %bitcast_convert_type3A_540 : vector<16xf32>
      %add3A_542 = arith.addf %mul3A_532, %mul3A_541 : vector<16xf32>
      %eq3A_543 = arith.constant 1 : i32
      %eq3A_544 = vector.broadcast %eq3A_543 : i32 to vector<16xi32>
      %eq3A_545 = arith.cmpi eq, %iota3A, %eq3A_544 : vector<16xi32>
      %xor3A_546 = arith.constant 8 : i32
      %xor3A_547 = vector.broadcast %xor3A_546 : i32 to vector<16xi32>
      %xor3A_548 = arith.xori %iota3A, %xor3A_547 : vector<16xi32>
      %lt3A_549 = arith.constant 0 : i32
      %lt3A_550 = vector.broadcast %lt3A_549 : i32 to vector<16xi32>
      %lt3A_551 = arith.cmpi slt, %xor3A_548, %lt3A_550 : vector<16xi32>
      %add3A_552 = arith.constant 16 : i32
      %add3A_553 = vector.broadcast %add3A_552 : i32 to vector<16xi32>
      %add3A_554 = arith.addi %xor3A_548, %add3A_553 : vector<16xi32>
      %select_n3A_555 = arith.select %lt3A_551, %add3A_554, %xor3A_548 : vector<16xi1>, vector<16xi32>
      %reshape3A_556 = vector.shape_cast %select_n3A_555 : vector<16xi32> to vector<16x1xi32>
      %gather3A_557 = vector.shape_cast %reshape3A_556 : vector<16x1xi32> to vector<16xi32>
      %gather3A_558 = tpu.dynamic_gather %add3A_542[%gather3A_557] in [0] : vector<16xf32>, vector<16xi32> -> vector<16xf32>
      %add3A_559 = arith.addf %add3A_542, %gather3A_558 : vector<16xf32>
      %xor3A_560 = arith.constant 4 : i32
      %xor3A_561 = vector.broadcast %xor3A_560 : i32 to vector<16xi32>
      %xor3A_562 = arith.xori %iota3A, %xor3A_561 : vector<16xi32>
      %lt3A_563 = arith.constant 0 : i32
      %lt3A_564 = vector.broadcast %lt3A_563 : i32 to vector<16xi32>
      %lt3A_565 = arith.cmpi slt, %xor3A_562, %lt3A_564 : vector<16xi32>
      %add3A_566 = arith.constant 16 : i32
      %add3A_567 = vector.broadcast %add3A_566 : i32 to vector<16xi32>
      %add3A_568 = arith.addi %xor3A_562, %add3A_567 : vector<16xi32>
      %select_n3A_569 = arith.select %lt3A_565, %add3A_568, %xor3A_562 : vector<16xi1>, vector<16xi32>
      %reshape3A_570 = vector.shape_cast %select_n3A_569 : vector<16xi32> to vector<16x1xi32>
      %gather3A_571 = vector.shape_cast %reshape3A_570 : vector<16x1xi32> to vector<16xi32>
      %gather3A_572 = tpu.dynamic_gather %add3A_559[%gather3A_571] in [0] : vector<16xf32>, vector<16xi32> -> vector<16xf32>
      %add3A_573 = arith.addf %add3A_559, %gather3A_572 : vector<16xf32>
      %xor3A_574 = arith.constant 2 : i32
      %xor3A_575 = vector.broadcast %xor3A_574 : i32 to vector<16xi32>
      %xor3A_576 = arith.xori %iota3A, %xor3A_575 : vector<16xi32>
      %lt3A_577 = arith.constant 0 : i32
      %lt3A_578 = vector.broadcast %lt3A_577 : i32 to vector<16xi32>
      %lt3A_579 = arith.cmpi slt, %xor3A_576, %lt3A_578 : vector<16xi32>
      %add3A_580 = arith.constant 16 : i32
      %add3A_581 = vector.broadcast %add3A_580 : i32 to vector<16xi32>
      %add3A_582 = arith.addi %xor3A_576, %add3A_581 : vector<16xi32>
      %select_n3A_583 = arith.select %lt3A_579, %add3A_582, %xor3A_576 : vector<16xi1>, vector<16xi32>
      %reshape3A_584 = vector.shape_cast %select_n3A_583 : vector<16xi32> to vector<16x1xi32>
      %gather3A_585 = vector.shape_cast %reshape3A_584 : vector<16x1xi32> to vector<16xi32>
      %gather3A_586 = tpu.dynamic_gather %add3A_573[%gather3A_585] in [0] : vector<16xf32>, vector<16xi32> -> vector<16xf32>
      %add3A_587 = arith.addf %add3A_573, %gather3A_586 : vector<16xf32>
      %xor3A_588 = arith.constant 1 : i32
      %xor3A_589 = vector.broadcast %xor3A_588 : i32 to vector<16xi32>
      %xor3A_590 = arith.xori %iota3A, %xor3A_589 : vector<16xi32>
      %lt3A_591 = arith.constant 0 : i32
      %lt3A_592 = vector.broadcast %lt3A_591 : i32 to vector<16xi32>
      %lt3A_593 = arith.cmpi slt, %xor3A_590, %lt3A_592 : vector<16xi32>
      %add3A_594 = arith.constant 16 : i32
      %add3A_595 = vector.broadcast %add3A_594 : i32 to vector<16xi32>
      %add3A_596 = arith.addi %xor3A_590, %add3A_595 : vector<16xi32>
      %select_n3A_597 = arith.select %lt3A_593, %add3A_596, %xor3A_590 : vector<16xi1>, vector<16xi32>
      %reshape3A_598 = vector.shape_cast %select_n3A_597 : vector<16xi32> to vector<16x1xi32>
      %gather3A_599 = vector.shape_cast %reshape3A_598 : vector<16x1xi32> to vector<16xi32>
      %gather3A_600 = tpu.dynamic_gather %add3A_587[%gather3A_599] in [0] : vector<16xf32>, vector<16xi32> -> vector<16xf32>
      %add3A_601 = arith.addf %add3A_587, %gather3A_600 : vector<16xf32>
      %select_n3A_602 = arith.select %eq3A_545, %add3A_601, %select_n3A_511 : vector<16xi1>, vector<16xf32>
      %add3A_603 = arith.constant 2 : i32
      %add3A_604 = arith.addi %mul3A_425, %add3A_603 : i32
      %get3A_605 = arith.index_cast %select_n3A : i32 to index
      %get3A_606 = arith.index_cast %add3A_604 : i32 to index
      %get3A_607 = arith.constant 0 : index
      %get3A_608 = tpu.vector_load %arg11[%get3A_605, %get3A_606, %get3A_607] {strides = array<i32>} : memref<4x128x16xi32, #tpu.memory_space<vmem>>, vector<1x1x16xi32>,
      %get3A_609 = vector.shape_cast %get3A_608 : vector<1x1x16xi32> to vector<16xi32>
      %get3A_610 = arith.index_cast %select_n3A : i32 to index
      %get3A_611 = arith.index_cast %add3A_604 : i32 to index
      %get3A_612 = arith.constant 0 : index
      %get3A_613 = tpu.vector_load %arg12[%get3A_610, %get3A_611, %get3A_612] {strides = array<i32>} : memref<4x128x16xi32, #tpu.memory_space<vmem>>, vector<1x1x16xi32>,
      %get3A_614 = vector.shape_cast %get3A_613 : vector<1x1x16xi32> to vector<16xi32>
      %shift_left3A_615 = arith.constant 16 : i32
      %shift_left3A_616 = vector.broadcast %shift_left3A_615 : i32 to vector<16xi32>
      %shift_left3A_617 = arith.shli %get3A_609, %shift_left3A_616 : vector<16xi32>
      %bitcast_convert_type3A_618 = tpu.bitcast %shift_left3A_617 : vector<16xi32> -> vector<16xf32>
      %shift_left3A_619 = arith.constant 16 : i32
      %shift_left3A_620 = vector.broadcast %shift_left3A_619 : i32 to vector<16xi32>
      %shift_left3A_621 = arith.shli %get3A_614, %shift_left3A_620 : vector<16xi32>
      %bitcast_convert_type3A_622 = tpu.bitcast %shift_left3A_621 : vector<16xi32> -> vector<16xf32>
      %mul3A_623 = arith.mulf %bitcast_convert_type3A_618, %bitcast_convert_type3A_622 : vector<16xf32>
      %and3A_624 = arith.constant -65536 : i32
      %and3A_625 = vector.broadcast %and3A_624 : i32 to vector<16xi32>
      %and3A_626 = arith.andi %get3A_609, %and3A_625 : vector<16xi32>
      %bitcast_convert_type3A_627 = tpu.bitcast %and3A_626 : vector<16xi32> -> vector<16xf32>
      %and3A_628 = arith.constant -65536 : i32
      %and3A_629 = vector.broadcast %and3A_628 : i32 to vector<16xi32>
      %and3A_630 = arith.andi %get3A_614, %and3A_629 : vector<16xi32>
      %bitcast_convert_type3A_631 = tpu.bitcast %and3A_630 : vector<16xi32> -> vector<16xf32>
      %mul3A_632 = arith.mulf %bitcast_convert_type3A_627, %bitcast_convert_type3A_631 : vector<16xf32>
      %add3A_633 = arith.addf %mul3A_623, %mul3A_632 : vector<16xf32>
      %eq3A_634 = arith.constant 2 : i32
      %eq3A_635 = vector.broadcast %eq3A_634 : i32 to vector<16xi32>
      %eq3A_636 = arith.cmpi eq, %iota3A, %eq3A_635 : vector<16xi32>
      %xor3A_637 = arith.constant 8 : i32
      %xor3A_638 = vector.broadcast %xor3A_637 : i32 to vector<16xi32>
      %xor3A_639 = arith.xori %iota3A, %xor3A_638 : vector<16xi32>
      %lt3A_640 = arith.constant 0 : i32
      %lt3A_641 = vector.broadcast %lt3A_640 : i32 to vector<16xi32>
      %lt3A_642 = arith.cmpi slt, %xor3A_639, %lt3A_641 : vector<16xi32>
      %add3A_643 = arith.constant 16 : i32
      %add3A_644 = vector.broadcast %add3A_643 : i32 to vector<16xi32>
      %add3A_645 = arith.addi %xor3A_639, %add3A_644 : vector<16xi32>
      %select_n3A_646 = arith.select %lt3A_642, %add3A_645, %xor3A_639 : vector<16xi1>, vector<16xi32>
      %reshape3A_647 = vector.shape_cast %select_n3A_646 : vector<16xi32> to vector<16x1xi32>
      %gather3A_648 = vector.shape_cast %reshape3A_647 : vector<16x1xi32> to vector<16xi32>
      %gather3A_649 = tpu.dynamic_gather %add3A_633[%gather3A_648] in [0] : vector<16xf32>, vector<16xi32> -> vector<16xf32>
      %add3A_650 = arith.addf %add3A_633, %gather3A_649 : vector<16xf32>
      %xor3A_651 = arith.constant 4 : i32
      %xor3A_652 = vector.broadcast %xor3A_651 : i32 to vector<16xi32>
      %xor3A_653 = arith.xori %iota3A, %xor3A_652 : vector<16xi32>
      %lt3A_654 = arith.constant 0 : i32
      %lt3A_655 = vector.broadcast %lt3A_654 : i32 to vector<16xi32>
      %lt3A_656 = arith.cmpi slt, %xor3A_653, %lt3A_655 : vector<16xi32>
      %add3A_657 = arith.constant 16 : i32
      %add3A_658 = vector.broadcast %add3A_657 : i32 to vector<16xi32>
      %add3A_659 = arith.addi %xor3A_653, %add3A_658 : vector<16xi32>
      %select_n3A_660 = arith.select %lt3A_656, %add3A_659, %xor3A_653 : vector<16xi1>, vector<16xi32>
      %reshape3A_661 = vector.shape_cast %select_n3A_660 : vector<16xi32> to vector<16x1xi32>
      %gather3A_662 = vector.shape_cast %reshape3A_661 : vector<16x1xi32> to vector<16xi32>
      %gather3A_663 = tpu.dynamic_gather %add3A_650[%gather3A_662] in [0] : vector<16xf32>, vector<16xi32> -> vector<16xf32>
      %add3A_664 = arith.addf %add3A_650, %gather3A_663 : vector<16xf32>
      %xor3A_665 = arith.constant 2 : i32
      %xor3A_666 = vector.broadcast %xor3A_665 : i32 to vector<16xi32>
      %xor3A_667 = arith.xori %iota3A, %xor3A_666 : vector<16xi32>
      %lt3A_668 = arith.constant 0 : i32
      %lt3A_669 = vector.broadcast %lt3A_668 : i32 to vector<16xi32>
      %lt3A_670 = arith.cmpi slt, %xor3A_667, %lt3A_669 : vector<16xi32>
      %add3A_671 = arith.constant 16 : i32
      %add3A_672 = vector.broadcast %add3A_671 : i32 to vector<16xi32>
      %add3A_673 = arith.addi %xor3A_667, %add3A_672 : vector<16xi32>
      %select_n3A_674 = arith.select %lt3A_670, %add3A_673, %xor3A_667 : vector<16xi1>, vector<16xi32>
      %reshape3A_675 = vector.shape_cast %select_n3A_674 : vector<16xi32> to vector<16x1xi32>
      %gather3A_676 = vector.shape_cast %reshape3A_675 : vector<16x1xi32> to vector<16xi32>
      %gather3A_677 = tpu.dynamic_gather %add3A_664[%gather3A_676] in [0] : vector<16xf32>, vector<16xi32> -> vector<16xf32>
      %add3A_678 = arith.addf %add3A_664, %gather3A_677 : vector<16xf32>
      %xor3A_679 = arith.constant 1 : i32
      %xor3A_680 = vector.broadcast %xor3A_679 : i32 to vector<16xi32>
      %xor3A_681 = arith.xori %iota3A, %xor3A_680 : vector<16xi32>
      %lt3A_682 = arith.constant 0 : i32
      %lt3A_683 = vector.broadcast %lt3A_682 : i32 to vector<16xi32>
      %lt3A_684 = arith.cmpi slt, %xor3A_681, %lt3A_683 : vector<16xi32>
      %add3A_685 = arith.constant 16 : i32
      %add3A_686 = vector.broadcast %add3A_685 : i32 to vector<16xi32>
      %add3A_687 = arith.addi %xor3A_681, %add3A_686 : vector<16xi32>
      %select_n3A_688 = arith.select %lt3A_684, %add3A_687, %xor3A_681 : vector<16xi1>, vector<16xi32>
      %reshape3A_689 = vector.shape_cast %select_n3A_688 : vector<16xi32> to vector<16x1xi32>
      %gather3A_690 = vector.shape_cast %reshape3A_689 : vector<16x1xi32> to vector<16xi32>
      %gather3A_691 = tpu.dynamic_gather %add3A_678[%gather3A_690] in [0] : vector<16xf32>, vector<16xi32> -> vector<16xf32>
      %add3A_692 = arith.addf %add3A_678, %gather3A_691 : vector<16xf32>
      %select_n3A_693 = arith.select %eq3A_636, %add3A_692, %select_n3A_602 : vector<16xi1>, vector<16xf32>
      %add3A_694 = arith.constant 3 : i32
      %add3A_695 = arith.addi %mul3A_425, %add3A_694 : i32
      %get3A_696 = arith.index_cast %select_n3A : i32 to index
      %get3A_697 = arith.index_cast %add3A_695 : i32 to index
      %get3A_698 = arith.constant 0 : index
      %get3A_699 = tpu.vector_load %arg11[%get3A_696, %get3A_697, %get3A_698] {strides = array<i32>} : memref<4x128x16xi32, #tpu.memory_space<vmem>>, vector<1x1x16xi32>,
      %get3A_700 = vector.shape_cast %get3A_699 : vector<1x1x16xi32> to vector<16xi32>
      %get3A_701 = arith.index_cast %select_n3A : i32 to index
      %get3A_702 = arith.index_cast %add3A_695 : i32 to index
      %get3A_703 = arith.constant 0 : index
      %get3A_704 = tpu.vector_load %arg12[%get3A_701, %get3A_702, %get3A_703] {strides = array<i32>} : memref<4x128x16xi32, #tpu.memory_space<vmem>>, vector<1x1x16xi32>,
      %get3A_705 = vector.shape_cast %get3A_704 : vector<1x1x16xi32> to vector<16xi32>
      %shift_left3A_706 = arith.constant 16 : i32
      %shift_left3A_707 = vector.broadcast %shift_left3A_706 : i32 to vector<16xi32>
      %shift_left3A_708 = arith.shli %get3A_700, %shift_left3A_707 : vector<16xi32>
      %bitcast_convert_type3A_709 = tpu.bitcast %shift_left3A_708 : vector<16xi32> -> vector<16xf32>
      %shift_left3A_710 = arith.constant 16 : i32
      %shift_left3A_711 = vector.broadcast %shift_left3A_710 : i32 to vector<16xi32>
      %shift_left3A_712 = arith.shli %get3A_705, %shift_left3A_711 : vector<16xi32>
      %bitcast_convert_type3A_713 = tpu.bitcast %shift_left3A_712 : vector<16xi32> -> vector<16xf32>
      %mul3A_714 = arith.mulf %bitcast_convert_type3A_709, %bitcast_convert_type3A_713 : vector<16xf32>
      %and3A_715 = arith.constant -65536 : i32
      %and3A_716 = vector.broadcast %and3A_715 : i32 to vector<16xi32>
      %and3A_717 = arith.andi %get3A_700, %and3A_716 : vector<16xi32>
      %bitcast_convert_type3A_718 = tpu.bitcast %and3A_717 : vector<16xi32> -> vector<16xf32>
      %and3A_719 = arith.constant -65536 : i32
      %and3A_720 = vector.broadcast %and3A_719 : i32 to vector<16xi32>
      %and3A_721 = arith.andi %get3A_705, %and3A_720 : vector<16xi32>
      %bitcast_convert_type3A_722 = tpu.bitcast %and3A_721 : vector<16xi32> -> vector<16xf32>
      %mul3A_723 = arith.mulf %bitcast_convert_type3A_718, %bitcast_convert_type3A_722 : vector<16xf32>
      %add3A_724 = arith.addf %mul3A_714, %mul3A_723 : vector<16xf32>
      %eq3A_725 = arith.constant 3 : i32
      %eq3A_726 = vector.broadcast %eq3A_725 : i32 to vector<16xi32>
      %eq3A_727 = arith.cmpi eq, %iota3A, %eq3A_726 : vector<16xi32>
      %xor3A_728 = arith.constant 8 : i32
      %xor3A_729 = vector.broadcast %xor3A_728 : i32 to vector<16xi32>
      %xor3A_730 = arith.xori %iota3A, %xor3A_729 : vector<16xi32>
      %lt3A_731 = arith.constant 0 : i32
      %lt3A_732 = vector.broadcast %lt3A_731 : i32 to vector<16xi32>
      %lt3A_733 = arith.cmpi slt, %xor3A_730, %lt3A_732 : vector<16xi32>
      %add3A_734 = arith.constant 16 : i32
      %add3A_735 = vector.broadcast %add3A_734 : i32 to vector<16xi32>
      %add3A_736 = arith.addi %xor3A_730, %add3A_735 : vector<16xi32>
      %select_n3A_737 = arith.select %lt3A_733, %add3A_736, %xor3A_730 : vector<16xi1>, vector<16xi32>
      %reshape3A_738 = vector.shape_cast %select_n3A_737 : vector<16xi32> to vector<16x1xi32>
      %gather3A_739 = vector.shape_cast %reshape3A_738 : vector<16x1xi32> to vector<16xi32>
      %gather3A_740 = tpu.dynamic_gather %add3A_724[%gather3A_739] in [0] : vector<16xf32>, vector<16xi32> -> vector<16xf32>
      %add3A_741 = arith.addf %add3A_724, %gather3A_740 : vector<16xf32>
      %xor3A_742 = arith.constant 4 : i32
      %xor3A_743 = vector.broadcast %xor3A_742 : i32 to vector<16xi32>
      %xor3A_744 = arith.xori %iota3A, %xor3A_743 : vector<16xi32>
      %lt3A_745 = arith.constant 0 : i32
      %lt3A_746 = vector.broadcast %lt3A_745 : i32 to vector<16xi32>
      %lt3A_747 = arith.cmpi slt, %xor3A_744, %lt3A_746 : vector<16xi32>
      %add3A_748 = arith.constant 16 : i32
      %add3A_749 = vector.broadcast %add3A_748 : i32 to vector<16xi32>
      %add3A_750 = arith.addi %xor3A_744, %add3A_749 : vector<16xi32>
      %select_n3A_751 = arith.select %lt3A_747, %add3A_750, %xor3A_744 : vector<16xi1>, vector<16xi32>
      %reshape3A_752 = vector.shape_cast %select_n3A_751 : vector<16xi32> to vector<16x1xi32>
      %gather3A_753 = vector.shape_cast %reshape3A_752 : vector<16x1xi32> to vector<16xi32>
      %gather3A_754 = tpu.dynamic_gather %add3A_741[%gather3A_753] in [0] : vector<16xf32>, vector<16xi32> -> vector<16xf32>
      %add3A_755 = arith.addf %add3A_741, %gather3A_754 : vector<16xf32>
      %xor3A_756 = arith.constant 2 : i32
      %xor3A_757 = vector.broadcast %xor3A_756 : i32 to vector<16xi32>
      %xor3A_758 = arith.xori %iota3A, %xor3A_757 : vector<16xi32>
      %lt3A_759 = arith.constant 0 : i32
      %lt3A_760 = vector.broadcast %lt3A_759 : i32 to vector<16xi32>
      %lt3A_761 = arith.cmpi slt, %xor3A_758, %lt3A_760 : vector<16xi32>
      %add3A_762 = arith.constant 16 : i32
      %add3A_763 = vector.broadcast %add3A_762 : i32 to vector<16xi32>
      %add3A_764 = arith.addi %xor3A_758, %add3A_763 : vector<16xi32>
      %select_n3A_765 = arith.select %lt3A_761, %add3A_764, %xor3A_758 : vector<16xi1>, vector<16xi32>
      %reshape3A_766 = vector.shape_cast %select_n3A_765 : vector<16xi32> to vector<16x1xi32>
      %gather3A_767 = vector.shape_cast %reshape3A_766 : vector<16x1xi32> to vector<16xi32>
      %gather3A_768 = tpu.dynamic_gather %add3A_755[%gather3A_767] in [0] : vector<16xf32>, vector<16xi32> -> vector<16xf32>
      %add3A_769 = arith.addf %add3A_755, %gather3A_768 : vector<16xf32>
      %xor3A_770 = arith.constant 1 : i32
      %xor3A_771 = vector.broadcast %xor3A_770 : i32 to vector<16xi32>
      %xor3A_772 = arith.xori %iota3A, %xor3A_771 : vector<16xi32>
      %lt3A_773 = arith.constant 0 : i32
      %lt3A_774 = vector.broadcast %lt3A_773 : i32 to vector<16xi32>
      %lt3A_775 = arith.cmpi slt, %xor3A_772, %lt3A_774 : vector<16xi32>
      %add3A_776 = arith.constant 16 : i32
      %add3A_777 = vector.broadcast %add3A_776 : i32 to vector<16xi32>
      %add3A_778 = arith.addi %xor3A_772, %add3A_777 : vector<16xi32>
      %select_n3A_779 = arith.select %lt3A_775, %add3A_778, %xor3A_772 : vector<16xi1>, vector<16xi32>
      %reshape3A_780 = vector.shape_cast %select_n3A_779 : vector<16xi32> to vector<16x1xi32>
      %gather3A_781 = vector.shape_cast %reshape3A_780 : vector<16x1xi32> to vector<16xi32>
      %gather3A_782 = tpu.dynamic_gather %add3A_769[%gather3A_781] in [0] : vector<16xf32>, vector<16xi32> -> vector<16xf32>
      %add3A_783 = arith.addf %add3A_769, %gather3A_782 : vector<16xf32>
      %select_n3A_784 = arith.select %eq3A_727, %add3A_783, %select_n3A_693 : vector<16xi1>, vector<16xf32>
      %add3A_785 = arith.constant 4 : i32
      %add3A_786 = arith.addi %mul3A_425, %add3A_785 : i32
      %get3A_787 = arith.index_cast %select_n3A : i32 to index
      %get3A_788 = arith.index_cast %add3A_786 : i32 to index
      %get3A_789 = arith.constant 0 : index
      %get3A_790 = tpu.vector_load %arg11[%get3A_787, %get3A_788, %get3A_789] {strides = array<i32>} : memref<4x128x16xi32, #tpu.memory_space<vmem>>, vector<1x1x16xi32>,
      %get3A_791 = vector.shape_cast %get3A_790 : vector<1x1x16xi32> to vector<16xi32>
      %get3A_792 = arith.index_cast %select_n3A : i32 to index
      %get3A_793 = arith.index_cast %add3A_786 : i32 to index
      %get3A_794 = arith.constant 0 : index
      %get3A_795 = tpu.vector_load %arg12[%get3A_792, %get3A_793, %get3A_794] {strides = array<i32>} : memref<4x128x16xi32, #tpu.memory_space<vmem>>, vector<1x1x16xi32>,
      %get3A_796 = vector.shape_cast %get3A_795 : vector<1x1x16xi32> to vector<16xi32>
      %shift_left3A_797 = arith.constant 16 : i32
      %shift_left3A_798 = vector.broadcast %shift_left3A_797 : i32 to vector<16xi32>
      %shift_left3A_799 = arith.shli %get3A_791, %shift_left3A_798 : vector<16xi32>
      %bitcast_convert_type3A_800 = tpu.bitcast %shift_left3A_799 : vector<16xi32> -> vector<16xf32>
      %shift_left3A_801 = arith.constant 16 : i32
      %shift_left3A_802 = vector.broadcast %shift_left3A_801 : i32 to vector<16xi32>
      %shift_left3A_803 = arith.shli %get3A_796, %shift_left3A_802 : vector<16xi32>
      %bitcast_convert_type3A_804 = tpu.bitcast %shift_left3A_803 : vector<16xi32> -> vector<16xf32>
      %mul3A_805 = arith.mulf %bitcast_convert_type3A_800, %bitcast_convert_type3A_804 : vector<16xf32>
      %and3A_806 = arith.constant -65536 : i32
      %and3A_807 = vector.broadcast %and3A_806 : i32 to vector<16xi32>
      %and3A_808 = arith.andi %get3A_791, %and3A_807 : vector<16xi32>
      %bitcast_convert_type3A_809 = tpu.bitcast %and3A_808 : vector<16xi32> -> vector<16xf32>
      %and3A_810 = arith.constant -65536 : i32
      %and3A_811 = vector.broadcast %and3A_810 : i32 to vector<16xi32>
      %and3A_812 = arith.andi %get3A_796, %and3A_811 : vector<16xi32>
      %bitcast_convert_type3A_813 = tpu.bitcast %and3A_812 : vector<16xi32> -> vector<16xf32>
      %mul3A_814 = arith.mulf %bitcast_convert_type3A_809, %bitcast_convert_type3A_813 : vector<16xf32>
      %add3A_815 = arith.addf %mul3A_805, %mul3A_814 : vector<16xf32>
      %eq3A_816 = arith.constant 4 : i32
      %eq3A_817 = vector.broadcast %eq3A_816 : i32 to vector<16xi32>
      %eq3A_818 = arith.cmpi eq, %iota3A, %eq3A_817 : vector<16xi32>
      %xor3A_819 = arith.constant 8 : i32
      %xor3A_820 = vector.broadcast %xor3A_819 : i32 to vector<16xi32>
      %xor3A_821 = arith.xori %iota3A, %xor3A_820 : vector<16xi32>
      %lt3A_822 = arith.constant 0 : i32
      %lt3A_823 = vector.broadcast %lt3A_822 : i32 to vector<16xi32>
      %lt3A_824 = arith.cmpi slt, %xor3A_821, %lt3A_823 : vector<16xi32>
      %add3A_825 = arith.constant 16 : i32
      %add3A_826 = vector.broadcast %add3A_825 : i32 to vector<16xi32>
      %add3A_827 = arith.addi %xor3A_821, %add3A_826 : vector<16xi32>
      %select_n3A_828 = arith.select %lt3A_824, %add3A_827, %xor3A_821 : vector<16xi1>, vector<16xi32>
      %reshape3A_829 = vector.shape_cast %select_n3A_828 : vector<16xi32> to vector<16x1xi32>
      %gather3A_830 = vector.shape_cast %reshape3A_829 : vector<16x1xi32> to vector<16xi32>
      %gather3A_831 = tpu.dynamic_gather %add3A_815[%gather3A_830] in [0] : vector<16xf32>, vector<16xi32> -> vector<16xf32>
      %add3A_832 = arith.addf %add3A_815, %gather3A_831 : vector<16xf32>
      %xor3A_833 = arith.constant 4 : i32
      %xor3A_834 = vector.broadcast %xor3A_833 : i32 to vector<16xi32>
      %xor3A_835 = arith.xori %iota3A, %xor3A_834 : vector<16xi32>
      %lt3A_836 = arith.constant 0 : i32
      %lt3A_837 = vector.broadcast %lt3A_836 : i32 to vector<16xi32>
      %lt3A_838 = arith.cmpi slt, %xor3A_835, %lt3A_837 : vector<16xi32>
      %add3A_839 = arith.constant 16 : i32
      %add3A_840 = vector.broadcast %add3A_839 : i32 to vector<16xi32>
      %add3A_841 = arith.addi %xor3A_835, %add3A_840 : vector<16xi32>
      %select_n3A_842 = arith.select %lt3A_838, %add3A_841, %xor3A_835 : vector<16xi1>, vector<16xi32>
      %reshape3A_843 = vector.shape_cast %select_n3A_842 : vector<16xi32> to vector<16x1xi32>
      %gather3A_844 = vector.shape_cast %reshape3A_843 : vector<16x1xi32> to vector<16xi32>
      %gather3A_845 = tpu.dynamic_gather %add3A_832[%gather3A_844] in [0] : vector<16xf32>, vector<16xi32> -> vector<16xf32>
      %add3A_846 = arith.addf %add3A_832, %gather3A_845 : vector<16xf32>
      %xor3A_847 = arith.constant 2 : i32
      %xor3A_848 = vector.broadcast %xor3A_847 : i32 to vector<16xi32>
      %xor3A_849 = arith.xori %iota3A, %xor3A_848 : vector<16xi32>
      %lt3A_850 = arith.constant 0 : i32
      %lt3A_851 = vector.broadcast %lt3A_850 : i32 to vector<16xi32>
      %lt3A_852 = arith.cmpi slt, %xor3A_849, %lt3A_851 : vector<16xi32>
      %add3A_853 = arith.constant 16 : i32
      %add3A_854 = vector.broadcast %add3A_853 : i32 to vector<16xi32>
      %add3A_855 = arith.addi %xor3A_849, %add3A_854 : vector<16xi32>
      %select_n3A_856 = arith.select %lt3A_852, %add3A_855, %xor3A_849 : vector<16xi1>, vector<16xi32>
      %reshape3A_857 = vector.shape_cast %select_n3A_856 : vector<16xi32> to vector<16x1xi32>
      %gather3A_858 = vector.shape_cast %reshape3A_857 : vector<16x1xi32> to vector<16xi32>
      %gather3A_859 = tpu.dynamic_gather %add3A_846[%gather3A_858] in [0] : vector<16xf32>, vector<16xi32> -> vector<16xf32>
      %add3A_860 = arith.addf %add3A_846, %gather3A_859 : vector<16xf32>
      %xor3A_861 = arith.constant 1 : i32
      %xor3A_862 = vector.broadcast %xor3A_861 : i32 to vector<16xi32>
      %xor3A_863 = arith.xori %iota3A, %xor3A_862 : vector<16xi32>
      %lt3A_864 = arith.constant 0 : i32
      %lt3A_865 = vector.broadcast %lt3A_864 : i32 to vector<16xi32>
      %lt3A_866 = arith.cmpi slt, %xor3A_863, %lt3A_865 : vector<16xi32>
      %add3A_867 = arith.constant 16 : i32
      %add3A_868 = vector.broadcast %add3A_867 : i32 to vector<16xi32>
      %add3A_869 = arith.addi %xor3A_863, %add3A_868 : vector<16xi32>
      %select_n3A_870 = arith.select %lt3A_866, %add3A_869, %xor3A_863 : vector<16xi1>, vector<16xi32>
      %reshape3A_871 = vector.shape_cast %select_n3A_870 : vector<16xi32> to vector<16x1xi32>
      %gather3A_872 = vector.shape_cast %reshape3A_871 : vector<16x1xi32> to vector<16xi32>
      %gather3A_873 = tpu.dynamic_gather %add3A_860[%gather3A_872] in [0] : vector<16xf32>, vector<16xi32> -> vector<16xf32>
      %add3A_874 = arith.addf %add3A_860, %gather3A_873 : vector<16xf32>
      %select_n3A_875 = arith.select %eq3A_818, %add3A_874, %select_n3A_784 : vector<16xi1>, vector<16xf32>
      %add3A_876 = arith.constant 5 : i32
      %add3A_877 = arith.addi %mul3A_425, %add3A_876 : i32
      %get3A_878 = arith.index_cast %select_n3A : i32 to index
      %get3A_879 = arith.index_cast %add3A_877 : i32 to index
      %get3A_880 = arith.constant 0 : index
      %get3A_881 = tpu.vector_load %arg11[%get3A_878, %get3A_879, %get3A_880] {strides = array<i32>} : memref<4x128x16xi32, #tpu.memory_space<vmem>>, vector<1x1x16xi32>,
      %get3A_882 = vector.shape_cast %get3A_881 : vector<1x1x16xi32> to vector<16xi32>
      %get3A_883 = arith.index_cast %select_n3A : i32 to index
      %get3A_884 = arith.index_cast %add3A_877 : i32 to index
      %get3A_885 = arith.constant 0 : index
      %get3A_886 = tpu.vector_load %arg12[%get3A_883, %get3A_884, %get3A_885] {strides = array<i32>} : memref<4x128x16xi32, #tpu.memory_space<vmem>>, vector<1x1x16xi32>,
      %get3A_887 = vector.shape_cast %get3A_886 : vector<1x1x16xi32> to vector<16xi32>
      %shift_left3A_888 = arith.constant 16 : i32
      %shift_left3A_889 = vector.broadcast %shift_left3A_888 : i32 to vector<16xi32>
      %shift_left3A_890 = arith.shli %get3A_882, %shift_left3A_889 : vector<16xi32>
      %bitcast_convert_type3A_891 = tpu.bitcast %shift_left3A_890 : vector<16xi32> -> vector<16xf32>
      %shift_left3A_892 = arith.constant 16 : i32
      %shift_left3A_893 = vector.broadcast %shift_left3A_892 : i32 to vector<16xi32>
      %shift_left3A_894 = arith.shli %get3A_887, %shift_left3A_893 : vector<16xi32>
      %bitcast_convert_type3A_895 = tpu.bitcast %shift_left3A_894 : vector<16xi32> -> vector<16xf32>
      %mul3A_896 = arith.mulf %bitcast_convert_type3A_891, %bitcast_convert_type3A_895 : vector<16xf32>
      %and3A_897 = arith.constant -65536 : i32
      %and3A_898 = vector.broadcast %and3A_897 : i32 to vector<16xi32>
      %and3A_899 = arith.andi %get3A_882, %and3A_898 : vector<16xi32>
      %bitcast_convert_type3A_900 = tpu.bitcast %and3A_899 : vector<16xi32> -> vector<16xf32>
      %and3A_901 = arith.constant -65536 : i32
      %and3A_902 = vector.broadcast %and3A_901 : i32 to vector<16xi32>
      %and3A_903 = arith.andi %get3A_887, %and3A_902 : vector<16xi32>
      %bitcast_convert_type3A_904 = tpu.bitcast %and3A_903 : vector<16xi32> -> vector<16xf32>
      %mul3A_905 = arith.mulf %bitcast_convert_type3A_900, %bitcast_convert_type3A_904 : vector<16xf32>
      %add3A_906 = arith.addf %mul3A_896, %mul3A_905 : vector<16xf32>
      %eq3A_907 = arith.constant 5 : i32
      %eq3A_908 = vector.broadcast %eq3A_907 : i32 to vector<16xi32>
      %eq3A_909 = arith.cmpi eq, %iota3A, %eq3A_908 : vector<16xi32>
      %xor3A_910 = arith.constant 8 : i32
      %xor3A_911 = vector.broadcast %xor3A_910 : i32 to vector<16xi32>
      %xor3A_912 = arith.xori %iota3A, %xor3A_911 : vector<16xi32>
      %lt3A_913 = arith.constant 0 : i32
      %lt3A_914 = vector.broadcast %lt3A_913 : i32 to vector<16xi32>
      %lt3A_915 = arith.cmpi slt, %xor3A_912, %lt3A_914 : vector<16xi32>
      %add3A_916 = arith.constant 16 : i32
      %add3A_917 = vector.broadcast %add3A_916 : i32 to vector<16xi32>
      %add3A_918 = arith.addi %xor3A_912, %add3A_917 : vector<16xi32>
      %select_n3A_919 = arith.select %lt3A_915, %add3A_918, %xor3A_912 : vector<16xi1>, vector<16xi32>
      %reshape3A_920 = vector.shape_cast %select_n3A_919 : vector<16xi32> to vector<16x1xi32>
      %gather3A_921 = vector.shape_cast %reshape3A_920 : vector<16x1xi32> to vector<16xi32>
      %gather3A_922 = tpu.dynamic_gather %add3A_906[%gather3A_921] in [0] : vector<16xf32>, vector<16xi32> -> vector<16xf32>
      %add3A_923 = arith.addf %add3A_906, %gather3A_922 : vector<16xf32>
      %xor3A_924 = arith.constant 4 : i32
      %xor3A_925 = vector.broadcast %xor3A_924 : i32 to vector<16xi32>
      %xor3A_926 = arith.xori %iota3A, %xor3A_925 : vector<16xi32>
      %lt3A_927 = arith.constant 0 : i32
      %lt3A_928 = vector.broadcast %lt3A_927 : i32 to vector<16xi32>
      %lt3A_929 = arith.cmpi slt, %xor3A_926, %lt3A_928 : vector<16xi32>
      %add3A_930 = arith.constant 16 : i32
      %add3A_931 = vector.broadcast %add3A_930 : i32 to vector<16xi32>
      %add3A_932 = arith.addi %xor3A_926, %add3A_931 : vector<16xi32>
      %select_n3A_933 = arith.select %lt3A_929, %add3A_932, %xor3A_926 : vector<16xi1>, vector<16xi32>
      %reshape3A_934 = vector.shape_cast %select_n3A_933 : vector<16xi32> to vector<16x1xi32>
      %gather3A_935 = vector.shape_cast %reshape3A_934 : vector<16x1xi32> to vector<16xi32>
      %gather3A_936 = tpu.dynamic_gather %add3A_923[%gather3A_935] in [0] : vector<16xf32>, vector<16xi32> -> vector<16xf32>
      %add3A_937 = arith.addf %add3A_923, %gather3A_936 : vector<16xf32>
      %xor3A_938 = arith.constant 2 : i32
      %xor3A_939 = vector.broadcast %xor3A_938 : i32 to vector<16xi32>
      %xor3A_940 = arith.xori %iota3A, %xor3A_939 : vector<16xi32>
      %lt3A_941 = arith.constant 0 : i32
      %lt3A_942 = vector.broadcast %lt3A_941 : i32 to vector<16xi32>
      %lt3A_943 = arith.cmpi slt, %xor3A_940, %lt3A_942 : vector<16xi32>
      %add3A_944 = arith.constant 16 : i32
      %add3A_945 = vector.broadcast %add3A_944 : i32 to vector<16xi32>
      %add3A_946 = arith.addi %xor3A_940, %add3A_945 : vector<16xi32>
      %select_n3A_947 = arith.select %lt3A_943, %add3A_946, %xor3A_940 : vector<16xi1>, vector<16xi32>
      %reshape3A_948 = vector.shape_cast %select_n3A_947 : vector<16xi32> to vector<16x1xi32>
      %gather3A_949 = vector.shape_cast %reshape3A_948 : vector<16x1xi32> to vector<16xi32>
      %gather3A_950 = tpu.dynamic_gather %add3A_937[%gather3A_949] in [0] : vector<16xf32>, vector<16xi32> -> vector<16xf32>
      %add3A_951 = arith.addf %add3A_937, %gather3A_950 : vector<16xf32>
      %xor3A_952 = arith.constant 1 : i32
      %xor3A_953 = vector.broadcast %xor3A_952 : i32 to vector<16xi32>
      %xor3A_954 = arith.xori %iota3A, %xor3A_953 : vector<16xi32>
      %lt3A_955 = arith.constant 0 : i32
      %lt3A_956 = vector.broadcast %lt3A_955 : i32 to vector<16xi32>
      %lt3A_957 = arith.cmpi slt, %xor3A_954, %lt3A_956 : vector<16xi32>
      %add3A_958 = arith.constant 16 : i32
      %add3A_959 = vector.broadcast %add3A_958 : i32 to vector<16xi32>
      %add3A_960 = arith.addi %xor3A_954, %add3A_959 : vector<16xi32>
      %select_n3A_961 = arith.select %lt3A_957, %add3A_960, %xor3A_954 : vector<16xi1>, vector<16xi32>
      %reshape3A_962 = vector.shape_cast %select_n3A_961 : vector<16xi32> to vector<16x1xi32>
      %gather3A_963 = vector.shape_cast %reshape3A_962 : vector<16x1xi32> to vector<16xi32>
      %gather3A_964 = tpu.dynamic_gather %add3A_951[%gather3A_963] in [0] : vector<16xf32>, vector<16xi32> -> vector<16xf32>
      %add3A_965 = arith.addf %add3A_951, %gather3A_964 : vector<16xf32>
      %select_n3A_966 = arith.select %eq3A_909, %add3A_965, %select_n3A_875 : vector<16xi1>, vector<16xf32>
      %add3A_967 = arith.constant 6 : i32
      %add3A_968 = arith.addi %mul3A_425, %add3A_967 : i32
      %get3A_969 = arith.index_cast %select_n3A : i32 to index
      %get3A_970 = arith.index_cast %add3A_968 : i32 to index
      %get3A_971 = arith.constant 0 : index
      %get3A_972 = tpu.vector_load %arg11[%get3A_969, %get3A_970, %get3A_971] {strides = array<i32>} : memref<4x128x16xi32, #tpu.memory_space<vmem>>, vector<1x1x16xi32>,
      %get3A_973 = vector.shape_cast %get3A_972 : vector<1x1x16xi32> to vector<16xi32>
      %get3A_974 = arith.index_cast %select_n3A : i32 to index
      %get3A_975 = arith.index_cast %add3A_968 : i32 to index
      %get3A_976 = arith.constant 0 : index
      %get3A_977 = tpu.vector_load %arg12[%get3A_974, %get3A_975, %get3A_976] {strides = array<i32>} : memref<4x128x16xi32, #tpu.memory_space<vmem>>, vector<1x1x16xi32>,
      %get3A_978 = vector.shape_cast %get3A_977 : vector<1x1x16xi32> to vector<16xi32>
      %shift_left3A_979 = arith.constant 16 : i32
      %shift_left3A_980 = vector.broadcast %shift_left3A_979 : i32 to vector<16xi32>
      %shift_left3A_981 = arith.shli %get3A_973, %shift_left3A_980 : vector<16xi32>
      %bitcast_convert_type3A_982 = tpu.bitcast %shift_left3A_981 : vector<16xi32> -> vector<16xf32>
      %shift_left3A_983 = arith.constant 16 : i32
      %shift_left3A_984 = vector.broadcast %shift_left3A_983 : i32 to vector<16xi32>
      %shift_left3A_985 = arith.shli %get3A_978, %shift_left3A_984 : vector<16xi32>
      %bitcast_convert_type3A_986 = tpu.bitcast %shift_left3A_985 : vector<16xi32> -> vector<16xf32>
      %mul3A_987 = arith.mulf %bitcast_convert_type3A_982, %bitcast_convert_type3A_986 : vector<16xf32>
      %and3A_988 = arith.constant -65536 : i32
      %and3A_989 = vector.broadcast %and3A_988 : i32 to vector<16xi32>
      %and3A_990 = arith.andi %get3A_973, %and3A_989 : vector<16xi32>
      %bitcast_convert_type3A_991 = tpu.bitcast %and3A_990 : vector<16xi32> -> vector<16xf32>
      %and3A_992 = arith.constant -65536 : i32
      %and3A_993 = vector.broadcast %and3A_992 : i32 to vector<16xi32>
      %and3A_994 = arith.andi %get3A_978, %and3A_993 : vector<16xi32>
      %bitcast_convert_type3A_995 = tpu.bitcast %and3A_994 : vector<16xi32> -> vector<16xf32>
      %mul3A_996 = arith.mulf %bitcast_convert_type3A_991, %bitcast_convert_type3A_995 : vector<16xf32>
      %add3A_997 = arith.addf %mul3A_987, %mul3A_996 : vector<16xf32>
      %eq3A_998 = arith.constant 6 : i32
      %eq3A_999 = vector.broadcast %eq3A_998 : i32 to vector<16xi32>
      %eq3A_1000 = arith.cmpi eq, %iota3A, %eq3A_999 : vector<16xi32>
      %xor3A_1001 = arith.constant 8 : i32
      %xor3A_1002 = vector.broadcast %xor3A_1001 : i32 to vector<16xi32>
      %xor3A_1003 = arith.xori %iota3A, %xor3A_1002 : vector<16xi32>
      %lt3A_1004 = arith.constant 0 : i32
      %lt3A_1005 = vector.broadcast %lt3A_1004 : i32 to vector<16xi32>
      %lt3A_1006 = arith.cmpi slt, %xor3A_1003, %lt3A_1005 : vector<16xi32>
      %add3A_1007 = arith.constant 16 : i32
      %add3A_1008 = vector.broadcast %add3A_1007 : i32 to vector<16xi32>
      %add3A_1009 = arith.addi %xor3A_1003, %add3A_1008 : vector<16xi32>
      %select_n3A_1010 = arith.select %lt3A_1006, %add3A_1009, %xor3A_1003 : vector<16xi1>, vector<16xi32>
      %reshape3A_1011 = vector.shape_cast %select_n3A_1010 : vector<16xi32> to vector<16x1xi32>
      %gather3A_1012 = vector.shape_cast %reshape3A_1011 : vector<16x1xi32> to vector<16xi32>
      %gather3A_1013 = tpu.dynamic_gather %add3A_997[%gather3A_1012] in [0] : vector<16xf32>, vector<16xi32> -> vector<16xf32>
      %add3A_1014 = arith.addf %add3A_997, %gather3A_1013 : vector<16xf32>
      %xor3A_1015 = arith.constant 4 : i32
      %xor3A_1016 = vector.broadcast %xor3A_1015 : i32 to vector<16xi32>
      %xor3A_1017 = arith.xori %iota3A, %xor3A_1016 : vector<16xi32>
      %lt3A_1018 = arith.constant 0 : i32
      %lt3A_1019 = vector.broadcast %lt3A_1018 : i32 to vector<16xi32>
      %lt3A_1020 = arith.cmpi slt, %xor3A_1017, %lt3A_1019 : vector<16xi32>
      %add3A_1021 = arith.constant 16 : i32
      %add3A_1022 = vector.broadcast %add3A_1021 : i32 to vector<16xi32>
      %add3A_1023 = arith.addi %xor3A_1017, %add3A_1022 : vector<16xi32>
      %select_n3A_1024 = arith.select %lt3A_1020, %add3A_1023, %xor3A_1017 : vector<16xi1>, vector<16xi32>
      %reshape3A_1025 = vector.shape_cast %select_n3A_1024 : vector<16xi32> to vector<16x1xi32>
      %gather3A_1026 = vector.shape_cast %reshape3A_1025 : vector<16x1xi32> to vector<16xi32>
      %gather3A_1027 = tpu.dynamic_gather %add3A_1014[%gather3A_1026] in [0] : vector<16xf32>, vector<16xi32> -> vector<16xf32>
      %add3A_1028 = arith.addf %add3A_1014, %gather3A_1027 : vector<16xf32>
      %xor3A_1029 = arith.constant 2 : i32
      %xor3A_1030 = vector.broadcast %xor3A_1029 : i32 to vector<16xi32>
      %xor3A_1031 = arith.xori %iota3A, %xor3A_1030 : vector<16xi32>
      %lt3A_1032 = arith.constant 0 : i32
      %lt3A_1033 = vector.broadcast %lt3A_1032 : i32 to vector<16xi32>
      %lt3A_1034 = arith.cmpi slt, %xor3A_1031, %lt3A_1033 : vector<16xi32>
      %add3A_1035 = arith.constant 16 : i32
      %add3A_1036 = vector.broadcast %add3A_1035 : i32 to vector<16xi32>
      %add3A_1037 = arith.addi %xor3A_1031, %add3A_1036 : vector<16xi32>
      %select_n3A_1038 = arith.select %lt3A_1034, %add3A_1037, %xor3A_1031 : vector<16xi1>, vector<16xi32>
      %reshape3A_1039 = vector.shape_cast %select_n3A_1038 : vector<16xi32> to vector<16x1xi32>
      %gather3A_1040 = vector.shape_cast %reshape3A_1039 : vector<16x1xi32> to vector<16xi32>
      %gather3A_1041 = tpu.dynamic_gather %add3A_1028[%gather3A_1040] in [0] : vector<16xf32>, vector<16xi32> -> vector<16xf32>
      %add3A_1042 = arith.addf %add3A_1028, %gather3A_1041 : vector<16xf32>
      %xor3A_1043 = arith.constant 1 : i32
      %xor3A_1044 = vector.broadcast %xor3A_1043 : i32 to vector<16xi32>
      %xor3A_1045 = arith.xori %iota3A, %xor3A_1044 : vector<16xi32>
      %lt3A_1046 = arith.constant 0 : i32
      %lt3A_1047 = vector.broadcast %lt3A_1046 : i32 to vector<16xi32>
      %lt3A_1048 = arith.cmpi slt, %xor3A_1045, %lt3A_1047 : vector<16xi32>
      %add3A_1049 = arith.constant 16 : i32
      %add3A_1050 = vector.broadcast %add3A_1049 : i32 to vector<16xi32>
      %add3A_1051 = arith.addi %xor3A_1045, %add3A_1050 : vector<16xi32>
      %select_n3A_1052 = arith.select %lt3A_1048, %add3A_1051, %xor3A_1045 : vector<16xi1>, vector<16xi32>
      %reshape3A_1053 = vector.shape_cast %select_n3A_1052 : vector<16xi32> to vector<16x1xi32>
      %gather3A_1054 = vector.shape_cast %reshape3A_1053 : vector<16x1xi32> to vector<16xi32>
      %gather3A_1055 = tpu.dynamic_gather %add3A_1042[%gather3A_1054] in [0] : vector<16xf32>, vector<16xi32> -> vector<16xf32>
      %add3A_1056 = arith.addf %add3A_1042, %gather3A_1055 : vector<16xf32>
      %select_n3A_1057 = arith.select %eq3A_1000, %add3A_1056, %select_n3A_966 : vector<16xi1>, vector<16xf32>
      %add3A_1058 = arith.constant 7 : i32
      %add3A_1059 = arith.addi %mul3A_425, %add3A_1058 : i32
      %get3A_1060 = arith.index_cast %select_n3A : i32 to index
      %get3A_1061 = arith.index_cast %add3A_1059 : i32 to index
      %get3A_1062 = arith.constant 0 : index
      %get3A_1063 = tpu.vector_load %arg11[%get3A_1060, %get3A_1061, %get3A_1062] {strides = array<i32>} : memref<4x128x16xi32, #tpu.memory_space<vmem>>, vector<1x1x16xi32>,
      %get3A_1064 = vector.shape_cast %get3A_1063 : vector<1x1x16xi32> to vector<16xi32>
      %get3A_1065 = arith.index_cast %select_n3A : i32 to index
      %get3A_1066 = arith.index_cast %add3A_1059 : i32 to index
      %get3A_1067 = arith.constant 0 : index
      %get3A_1068 = tpu.vector_load %arg12[%get3A_1065, %get3A_1066, %get3A_1067] {strides = array<i32>} : memref<4x128x16xi32, #tpu.memory_space<vmem>>, vector<1x1x16xi32>,
      %get3A_1069 = vector.shape_cast %get3A_1068 : vector<1x1x16xi32> to vector<16xi32>
      %shift_left3A_1070 = arith.constant 16 : i32
      %shift_left3A_1071 = vector.broadcast %shift_left3A_1070 : i32 to vector<16xi32>
      %shift_left3A_1072 = arith.shli %get3A_1064, %shift_left3A_1071 : vector<16xi32>
      %bitcast_convert_type3A_1073 = tpu.bitcast %shift_left3A_1072 : vector<16xi32> -> vector<16xf32>
      %shift_left3A_1074 = arith.constant 16 : i32
      %shift_left3A_1075 = vector.broadcast %shift_left3A_1074 : i32 to vector<16xi32>
      %shift_left3A_1076 = arith.shli %get3A_1069, %shift_left3A_1075 : vector<16xi32>
      %bitcast_convert_type3A_1077 = tpu.bitcast %shift_left3A_1076 : vector<16xi32> -> vector<16xf32>
      %mul3A_1078 = arith.mulf %bitcast_convert_type3A_1073, %bitcast_convert_type3A_1077 : vector<16xf32>
      %and3A_1079 = arith.constant -65536 : i32
      %and3A_1080 = vector.broadcast %and3A_1079 : i32 to vector<16xi32>
      %and3A_1081 = arith.andi %get3A_1064, %and3A_1080 : vector<16xi32>
      %bitcast_convert_type3A_1082 = tpu.bitcast %and3A_1081 : vector<16xi32> -> vector<16xf32>
      %and3A_1083 = arith.constant -65536 : i32
      %and3A_1084 = vector.broadcast %and3A_1083 : i32 to vector<16xi32>
      %and3A_1085 = arith.andi %get3A_1069, %and3A_1084 : vector<16xi32>
      %bitcast_convert_type3A_1086 = tpu.bitcast %and3A_1085 : vector<16xi32> -> vector<16xf32>
      %mul3A_1087 = arith.mulf %bitcast_convert_type3A_1082, %bitcast_convert_type3A_1086 : vector<16xf32>
      %add3A_1088 = arith.addf %mul3A_1078, %mul3A_1087 : vector<16xf32>
      %eq3A_1089 = arith.constant 7 : i32
      %eq3A_1090 = vector.broadcast %eq3A_1089 : i32 to vector<16xi32>
      %eq3A_1091 = arith.cmpi eq, %iota3A, %eq3A_1090 : vector<16xi32>
      %xor3A_1092 = arith.constant 8 : i32
      %xor3A_1093 = vector.broadcast %xor3A_1092 : i32 to vector<16xi32>
      %xor3A_1094 = arith.xori %iota3A, %xor3A_1093 : vector<16xi32>
      %lt3A_1095 = arith.constant 0 : i32
      %lt3A_1096 = vector.broadcast %lt3A_1095 : i32 to vector<16xi32>
      %lt3A_1097 = arith.cmpi slt, %xor3A_1094, %lt3A_1096 : vector<16xi32>
      %add3A_1098 = arith.constant 16 : i32
      %add3A_1099 = vector.broadcast %add3A_1098 : i32 to vector<16xi32>
      %add3A_1100 = arith.addi %xor3A_1094, %add3A_1099 : vector<16xi32>
      %select_n3A_1101 = arith.select %lt3A_1097, %add3A_1100, %xor3A_1094 : vector<16xi1>, vector<16xi32>
      %reshape3A_1102 = vector.shape_cast %select_n3A_1101 : vector<16xi32> to vector<16x1xi32>
      %gather3A_1103 = vector.shape_cast %reshape3A_1102 : vector<16x1xi32> to vector<16xi32>
      %gather3A_1104 = tpu.dynamic_gather %add3A_1088[%gather3A_1103] in [0] : vector<16xf32>, vector<16xi32> -> vector<16xf32>
      %add3A_1105 = arith.addf %add3A_1088, %gather3A_1104 : vector<16xf32>
      %xor3A_1106 = arith.constant 4 : i32
      %xor3A_1107 = vector.broadcast %xor3A_1106 : i32 to vector<16xi32>
      %xor3A_1108 = arith.xori %iota3A, %xor3A_1107 : vector<16xi32>
      %lt3A_1109 = arith.constant 0 : i32
      %lt3A_1110 = vector.broadcast %lt3A_1109 : i32 to vector<16xi32>
      %lt3A_1111 = arith.cmpi slt, %xor3A_1108, %lt3A_1110 : vector<16xi32>
      %add3A_1112 = arith.constant 16 : i32
      %add3A_1113 = vector.broadcast %add3A_1112 : i32 to vector<16xi32>
      %add3A_1114 = arith.addi %xor3A_1108, %add3A_1113 : vector<16xi32>
      %select_n3A_1115 = arith.select %lt3A_1111, %add3A_1114, %xor3A_1108 : vector<16xi1>, vector<16xi32>
      %reshape3A_1116 = vector.shape_cast %select_n3A_1115 : vector<16xi32> to vector<16x1xi32>
      %gather3A_1117 = vector.shape_cast %reshape3A_1116 : vector<16x1xi32> to vector<16xi32>
      %gather3A_1118 = tpu.dynamic_gather %add3A_1105[%gather3A_1117] in [0] : vector<16xf32>, vector<16xi32> -> vector<16xf32>
      %add3A_1119 = arith.addf %add3A_1105, %gather3A_1118 : vector<16xf32>
      %xor3A_1120 = arith.constant 2 : i32
      %xor3A_1121 = vector.broadcast %xor3A_1120 : i32 to vector<16xi32>
      %xor3A_1122 = arith.xori %iota3A, %xor3A_1121 : vector<16xi32>
      %lt3A_1123 = arith.constant 0 : i32
      %lt3A_1124 = vector.broadcast %lt3A_1123 : i32 to vector<16xi32>
      %lt3A_1125 = arith.cmpi slt, %xor3A_1122, %lt3A_1124 : vector<16xi32>
      %add3A_1126 = arith.constant 16 : i32
      %add3A_1127 = vector.broadcast %add3A_1126 : i32 to vector<16xi32>
      %add3A_1128 = arith.addi %xor3A_1122, %add3A_1127 : vector<16xi32>
      %select_n3A_1129 = arith.select %lt3A_1125, %add3A_1128, %xor3A_1122 : vector<16xi1>, vector<16xi32>
      %reshape3A_1130 = vector.shape_cast %select_n3A_1129 : vector<16xi32> to vector<16x1xi32>
      %gather3A_1131 = vector.shape_cast %reshape3A_1130 : vector<16x1xi32> to vector<16xi32>
      %gather3A_1132 = tpu.dynamic_gather %add3A_1119[%gather3A_1131] in [0] : vector<16xf32>, vector<16xi32> -> vector<16xf32>
      %add3A_1133 = arith.addf %add3A_1119, %gather3A_1132 : vector<16xf32>
      %xor3A_1134 = arith.constant 1 : i32
      %xor3A_1135 = vector.broadcast %xor3A_1134 : i32 to vector<16xi32>
      %xor3A_1136 = arith.xori %iota3A, %xor3A_1135 : vector<16xi32>
      %lt3A_1137 = arith.constant 0 : i32
      %lt3A_1138 = vector.broadcast %lt3A_1137 : i32 to vector<16xi32>
      %lt3A_1139 = arith.cmpi slt, %xor3A_1136, %lt3A_1138 : vector<16xi32>
      %add3A_1140 = arith.constant 16 : i32
      %add3A_1141 = vector.broadcast %add3A_1140 : i32 to vector<16xi32>
      %add3A_1142 = arith.addi %xor3A_1136, %add3A_1141 : vector<16xi32>
      %select_n3A_1143 = arith.select %lt3A_1139, %add3A_1142, %xor3A_1136 : vector<16xi1>, vector<16xi32>
      %reshape3A_1144 = vector.shape_cast %select_n3A_1143 : vector<16xi32> to vector<16x1xi32>
      %gather3A_1145 = vector.shape_cast %reshape3A_1144 : vector<16x1xi32> to vector<16xi32>
      %gather3A_1146 = tpu.dynamic_gather %add3A_1133[%gather3A_1145] in [0] : vector<16xf32>, vector<16xi32> -> vector<16xf32>
      %add3A_1147 = arith.addf %add3A_1133, %gather3A_1146 : vector<16xf32>
      %select_n3A_1148 = arith.select %eq3A_1091, %add3A_1147, %select_n3A_1057 : vector<16xi1>, vector<16xf32>
      %add3A_1149 = arith.constant 8 : i32
      %add3A_1150 = arith.addi %mul3A_425, %add3A_1149 : i32
      %get3A_1151 = arith.index_cast %select_n3A : i32 to index
      %get3A_1152 = arith.index_cast %add3A_1150 : i32 to index
      %get3A_1153 = arith.constant 0 : index
      %get3A_1154 = tpu.vector_load %arg11[%get3A_1151, %get3A_1152, %get3A_1153] {strides = array<i32>} : memref<4x128x16xi32, #tpu.memory_space<vmem>>, vector<1x1x16xi32>,
      %get3A_1155 = vector.shape_cast %get3A_1154 : vector<1x1x16xi32> to vector<16xi32>
      %get3A_1156 = arith.index_cast %select_n3A : i32 to index
      %get3A_1157 = arith.index_cast %add3A_1150 : i32 to index
      %get3A_1158 = arith.constant 0 : index
      %get3A_1159 = tpu.vector_load %arg12[%get3A_1156, %get3A_1157, %get3A_1158] {strides = array<i32>} : memref<4x128x16xi32, #tpu.memory_space<vmem>>, vector<1x1x16xi32>,
      %get3A_1160 = vector.shape_cast %get3A_1159 : vector<1x1x16xi32> to vector<16xi32>
      %shift_left3A_1161 = arith.constant 16 : i32
      %shift_left3A_1162 = vector.broadcast %shift_left3A_1161 : i32 to vector<16xi32>
      %shift_left3A_1163 = arith.shli %get3A_1155, %shift_left3A_1162 : vector<16xi32>
      %bitcast_convert_type3A_1164 = tpu.bitcast %shift_left3A_1163 : vector<16xi32> -> vector<16xf32>
      %shift_left3A_1165 = arith.constant 16 : i32
      %shift_left3A_1166 = vector.broadcast %shift_left3A_1165 : i32 to vector<16xi32>
      %shift_left3A_1167 = arith.shli %get3A_1160, %shift_left3A_1166 : vector<16xi32>
      %bitcast_convert_type3A_1168 = tpu.bitcast %shift_left3A_1167 : vector<16xi32> -> vector<16xf32>
      %mul3A_1169 = arith.mulf %bitcast_convert_type3A_1164, %bitcast_convert_type3A_1168 : vector<16xf32>
      %and3A_1170 = arith.constant -65536 : i32
      %and3A_1171 = vector.broadcast %and3A_1170 : i32 to vector<16xi32>
      %and3A_1172 = arith.andi %get3A_1155, %and3A_1171 : vector<16xi32>
      %bitcast_convert_type3A_1173 = tpu.bitcast %and3A_1172 : vector<16xi32> -> vector<16xf32>
      %and3A_1174 = arith.constant -65536 : i32
      %and3A_1175 = vector.broadcast %and3A_1174 : i32 to vector<16xi32>
      %and3A_1176 = arith.andi %get3A_1160, %and3A_1175 : vector<16xi32>
      %bitcast_convert_type3A_1177 = tpu.bitcast %and3A_1176 : vector<16xi32> -> vector<16xf32>
      %mul3A_1178 = arith.mulf %bitcast_convert_type3A_1173, %bitcast_convert_type3A_1177 : vector<16xf32>
      %add3A_1179 = arith.addf %mul3A_1169, %mul3A_1178 : vector<16xf32>
      %eq3A_1180 = arith.constant 8 : i32
      %eq3A_1181 = vector.broadcast %eq3A_1180 : i32 to vector<16xi32>
      %eq3A_1182 = arith.cmpi eq, %iota3A, %eq3A_1181 : vector<16xi32>
      %xor3A_1183 = arith.constant 8 : i32
      %xor3A_1184 = vector.broadcast %xor3A_1183 : i32 to vector<16xi32>
      %xor3A_1185 = arith.xori %iota3A, %xor3A_1184 : vector<16xi32>
      %lt3A_1186 = arith.constant 0 : i32
      %lt3A_1187 = vector.broadcast %lt3A_1186 : i32 to vector<16xi32>
      %lt3A_1188 = arith.cmpi slt, %xor3A_1185, %lt3A_1187 : vector<16xi32>
      %add3A_1189 = arith.constant 16 : i32
      %add3A_1190 = vector.broadcast %add3A_1189 : i32 to vector<16xi32>
      %add3A_1191 = arith.addi %xor3A_1185, %add3A_1190 : vector<16xi32>
      %select_n3A_1192 = arith.select %lt3A_1188, %add3A_1191, %xor3A_1185 : vector<16xi1>, vector<16xi32>
      %reshape3A_1193 = vector.shape_cast %select_n3A_1192 : vector<16xi32> to vector<16x1xi32>
      %gather3A_1194 = vector.shape_cast %reshape3A_1193 : vector<16x1xi32> to vector<16xi32>
      %gather3A_1195 = tpu.dynamic_gather %add3A_1179[%gather3A_1194] in [0] : vector<16xf32>, vector<16xi32> -> vector<16xf32>
      %add3A_1196 = arith.addf %add3A_1179, %gather3A_1195 : vector<16xf32>
      %xor3A_1197 = arith.constant 4 : i32
      %xor3A_1198 = vector.broadcast %xor3A_1197 : i32 to vector<16xi32>
      %xor3A_1199 = arith.xori %iota3A, %xor3A_1198 : vector<16xi32>
      %lt3A_1200 = arith.constant 0 : i32
      %lt3A_1201 = vector.broadcast %lt3A_1200 : i32 to vector<16xi32>
      %lt3A_1202 = arith.cmpi slt, %xor3A_1199, %lt3A_1201 : vector<16xi32>
      %add3A_1203 = arith.constant 16 : i32
      %add3A_1204 = vector.broadcast %add3A_1203 : i32 to vector<16xi32>
      %add3A_1205 = arith.addi %xor3A_1199, %add3A_1204 : vector<16xi32>
      %select_n3A_1206 = arith.select %lt3A_1202, %add3A_1205, %xor3A_1199 : vector<16xi1>, vector<16xi32>
      %reshape3A_1207 = vector.shape_cast %select_n3A_1206 : vector<16xi32> to vector<16x1xi32>
      %gather3A_1208 = vector.shape_cast %reshape3A_1207 : vector<16x1xi32> to vector<16xi32>
      %gather3A_1209 = tpu.dynamic_gather %add3A_1196[%gather3A_1208] in [0] : vector<16xf32>, vector<16xi32> -> vector<16xf32>
      %add3A_1210 = arith.addf %add3A_1196, %gather3A_1209 : vector<16xf32>
      %xor3A_1211 = arith.constant 2 : i32
      %xor3A_1212 = vector.broadcast %xor3A_1211 : i32 to vector<16xi32>
      %xor3A_1213 = arith.xori %iota3A, %xor3A_1212 : vector<16xi32>
      %lt3A_1214 = arith.constant 0 : i32
      %lt3A_1215 = vector.broadcast %lt3A_1214 : i32 to vector<16xi32>
      %lt3A_1216 = arith.cmpi slt, %xor3A_1213, %lt3A_1215 : vector<16xi32>
      %add3A_1217 = arith.constant 16 : i32
      %add3A_1218 = vector.broadcast %add3A_1217 : i32 to vector<16xi32>
      %add3A_1219 = arith.addi %xor3A_1213, %add3A_1218 : vector<16xi32>
      %select_n3A_1220 = arith.select %lt3A_1216, %add3A_1219, %xor3A_1213 : vector<16xi1>, vector<16xi32>
      %reshape3A_1221 = vector.shape_cast %select_n3A_1220 : vector<16xi32> to vector<16x1xi32>
      %gather3A_1222 = vector.shape_cast %reshape3A_1221 : vector<16x1xi32> to vector<16xi32>
      %gather3A_1223 = tpu.dynamic_gather %add3A_1210[%gather3A_1222] in [0] : vector<16xf32>, vector<16xi32> -> vector<16xf32>
      %add3A_1224 = arith.addf %add3A_1210, %gather3A_1223 : vector<16xf32>
      %xor3A_1225 = arith.constant 1 : i32
      %xor3A_1226 = vector.broadcast %xor3A_1225 : i32 to vector<16xi32>
      %xor3A_1227 = arith.xori %iota3A, %xor3A_1226 : vector<16xi32>
      %lt3A_1228 = arith.constant 0 : i32
      %lt3A_1229 = vector.broadcast %lt3A_1228 : i32 to vector<16xi32>
      %lt3A_1230 = arith.cmpi slt, %xor3A_1227, %lt3A_1229 : vector<16xi32>
      %add3A_1231 = arith.constant 16 : i32
      %add3A_1232 = vector.broadcast %add3A_1231 : i32 to vector<16xi32>
      %add3A_1233 = arith.addi %xor3A_1227, %add3A_1232 : vector<16xi32>
      %select_n3A_1234 = arith.select %lt3A_1230, %add3A_1233, %xor3A_1227 : vector<16xi1>, vector<16xi32>
      %reshape3A_1235 = vector.shape_cast %select_n3A_1234 : vector<16xi32> to vector<16x1xi32>
      %gather3A_1236 = vector.shape_cast %reshape3A_1235 : vector<16x1xi32> to vector<16xi32>
      %gather3A_1237 = tpu.dynamic_gather %add3A_1224[%gather3A_1236] in [0] : vector<16xf32>, vector<16xi32> -> vector<16xf32>
      %add3A_1238 = arith.addf %add3A_1224, %gather3A_1237 : vector<16xf32>
      %select_n3A_1239 = arith.select %eq3A_1182, %add3A_1238, %select_n3A_1148 : vector<16xi1>, vector<16xf32>
      %add3A_1240 = arith.constant 9 : i32
      %add3A_1241 = arith.addi %mul3A_425, %add3A_1240 : i32
      %get3A_1242 = arith.index_cast %select_n3A : i32 to index
      %get3A_1243 = arith.index_cast %add3A_1241 : i32 to index
      %get3A_1244 = arith.constant 0 : index
      %get3A_1245 = tpu.vector_load %arg11[%get3A_1242, %get3A_1243, %get3A_1244] {strides = array<i32>} : memref<4x128x16xi32, #tpu.memory_space<vmem>>, vector<1x1x16xi32>,
      %get3A_1246 = vector.shape_cast %get3A_1245 : vector<1x1x16xi32> to vector<16xi32>
      %get3A_1247 = arith.index_cast %select_n3A : i32 to index
      %get3A_1248 = arith.index_cast %add3A_1241 : i32 to index
      %get3A_1249 = arith.constant 0 : index
      %get3A_1250 = tpu.vector_load %arg12[%get3A_1247, %get3A_1248, %get3A_1249] {strides = array<i32>} : memref<4x128x16xi32, #tpu.memory_space<vmem>>, vector<1x1x16xi32>,
      %get3A_1251 = vector.shape_cast %get3A_1250 : vector<1x1x16xi32> to vector<16xi32>
      %shift_left3A_1252 = arith.constant 16 : i32
      %shift_left3A_1253 = vector.broadcast %shift_left3A_1252 : i32 to vector<16xi32>
      %shift_left3A_1254 = arith.shli %get3A_1246, %shift_left3A_1253 : vector<16xi32>
      %bitcast_convert_type3A_1255 = tpu.bitcast %shift_left3A_1254 : vector<16xi32> -> vector<16xf32>
      %shift_left3A_1256 = arith.constant 16 : i32
      %shift_left3A_1257 = vector.broadcast %shift_left3A_1256 : i32 to vector<16xi32>
      %shift_left3A_1258 = arith.shli %get3A_1251, %shift_left3A_1257 : vector<16xi32>
      %bitcast_convert_type3A_1259 = tpu.bitcast %shift_left3A_1258 : vector<16xi32> -> vector<16xf32>
      %mul3A_1260 = arith.mulf %bitcast_convert_type3A_1255, %bitcast_convert_type3A_1259 : vector<16xf32>
      %and3A_1261 = arith.constant -65536 : i32
      %and3A_1262 = vector.broadcast %and3A_1261 : i32 to vector<16xi32>
      %and3A_1263 = arith.andi %get3A_1246, %and3A_1262 : vector<16xi32>
      %bitcast_convert_type3A_1264 = tpu.bitcast %and3A_1263 : vector<16xi32> -> vector<16xf32>
      %and3A_1265 = arith.constant -65536 : i32
      %and3A_1266 = vector.broadcast %and3A_1265 : i32 to vector<16xi32>
      %and3A_1267 = arith.andi %get3A_1251, %and3A_1266 : vector<16xi32>
      %bitcast_convert_type3A_1268 = tpu.bitcast %and3A_1267 : vector<16xi32> -> vector<16xf32>
      %mul3A_1269 = arith.mulf %bitcast_convert_type3A_1264, %bitcast_convert_type3A_1268 : vector<16xf32>
      %add3A_1270 = arith.addf %mul3A_1260, %mul3A_1269 : vector<16xf32>
      %eq3A_1271 = arith.constant 9 : i32
      %eq3A_1272 = vector.broadcast %eq3A_1271 : i32 to vector<16xi32>
      %eq3A_1273 = arith.cmpi eq, %iota3A, %eq3A_1272 : vector<16xi32>
      %xor3A_1274 = arith.constant 8 : i32
      %xor3A_1275 = vector.broadcast %xor3A_1274 : i32 to vector<16xi32>
      %xor3A_1276 = arith.xori %iota3A, %xor3A_1275 : vector<16xi32>
      %lt3A_1277 = arith.constant 0 : i32
      %lt3A_1278 = vector.broadcast %lt3A_1277 : i32 to vector<16xi32>
      %lt3A_1279 = arith.cmpi slt, %xor3A_1276, %lt3A_1278 : vector<16xi32>
      %add3A_1280 = arith.constant 16 : i32
      %add3A_1281 = vector.broadcast %add3A_1280 : i32 to vector<16xi32>
      %add3A_1282 = arith.addi %xor3A_1276, %add3A_1281 : vector<16xi32>
      %select_n3A_1283 = arith.select %lt3A_1279, %add3A_1282, %xor3A_1276 : vector<16xi1>, vector<16xi32>
      %reshape3A_1284 = vector.shape_cast %select_n3A_1283 : vector<16xi32> to vector<16x1xi32>
      %gather3A_1285 = vector.shape_cast %reshape3A_1284 : vector<16x1xi32> to vector<16xi32>
      %gather3A_1286 = tpu.dynamic_gather %add3A_1270[%gather3A_1285] in [0] : vector<16xf32>, vector<16xi32> -> vector<16xf32>
      %add3A_1287 = arith.addf %add3A_1270, %gather3A_1286 : vector<16xf32>
      %xor3A_1288 = arith.constant 4 : i32
      %xor3A_1289 = vector.broadcast %xor3A_1288 : i32 to vector<16xi32>
      %xor3A_1290 = arith.xori %iota3A, %xor3A_1289 : vector<16xi32>
      %lt3A_1291 = arith.constant 0 : i32
      %lt3A_1292 = vector.broadcast %lt3A_1291 : i32 to vector<16xi32>
      %lt3A_1293 = arith.cmpi slt, %xor3A_1290, %lt3A_1292 : vector<16xi32>
      %add3A_1294 = arith.constant 16 : i32
      %add3A_1295 = vector.broadcast %add3A_1294 : i32 to vector<16xi32>
      %add3A_1296 = arith.addi %xor3A_1290, %add3A_1295 : vector<16xi32>
      %select_n3A_1297 = arith.select %lt3A_1293, %add3A_1296, %xor3A_1290 : vector<16xi1>, vector<16xi32>
      %reshape3A_1298 = vector.shape_cast %select_n3A_1297 : vector<16xi32> to vector<16x1xi32>
      %gather3A_1299 = vector.shape_cast %reshape3A_1298 : vector<16x1xi32> to vector<16xi32>
      %gather3A_1300 = tpu.dynamic_gather %add3A_1287[%gather3A_1299] in [0] : vector<16xf32>, vector<16xi32> -> vector<16xf32>
      %add3A_1301 = arith.addf %add3A_1287, %gather3A_1300 : vector<16xf32>
      %xor3A_1302 = arith.constant 2 : i32
      %xor3A_1303 = vector.broadcast %xor3A_1302 : i32 to vector<16xi32>
      %xor3A_1304 = arith.xori %iota3A, %xor3A_1303 : vector<16xi32>
      %lt3A_1305 = arith.constant 0 : i32
      %lt3A_1306 = vector.broadcast %lt3A_1305 : i32 to vector<16xi32>
      %lt3A_1307 = arith.cmpi slt, %xor3A_1304, %lt3A_1306 : vector<16xi32>
      %add3A_1308 = arith.constant 16 : i32
      %add3A_1309 = vector.broadcast %add3A_1308 : i32 to vector<16xi32>
      %add3A_1310 = arith.addi %xor3A_1304, %add3A_1309 : vector<16xi32>
      %select_n3A_1311 = arith.select %lt3A_1307, %add3A_1310, %xor3A_1304 : vector<16xi1>, vector<16xi32>
      %reshape3A_1312 = vector.shape_cast %select_n3A_1311 : vector<16xi32> to vector<16x1xi32>
      %gather3A_1313 = vector.shape_cast %reshape3A_1312 : vector<16x1xi32> to vector<16xi32>
      %gather3A_1314 = tpu.dynamic_gather %add3A_1301[%gather3A_1313] in [0] : vector<16xf32>, vector<16xi32> -> vector<16xf32>
      %add3A_1315 = arith.addf %add3A_1301, %gather3A_1314 : vector<16xf32>
      %xor3A_1316 = arith.constant 1 : i32
      %xor3A_1317 = vector.broadcast %xor3A_1316 : i32 to vector<16xi32>
      %xor3A_1318 = arith.xori %iota3A, %xor3A_1317 : vector<16xi32>
      %lt3A_1319 = arith.constant 0 : i32
      %lt3A_1320 = vector.broadcast %lt3A_1319 : i32 to vector<16xi32>
      %lt3A_1321 = arith.cmpi slt, %xor3A_1318, %lt3A_1320 : vector<16xi32>
      %add3A_1322 = arith.constant 16 : i32
      %add3A_1323 = vector.broadcast %add3A_1322 : i32 to vector<16xi32>
      %add3A_1324 = arith.addi %xor3A_1318, %add3A_1323 : vector<16xi32>
      %select_n3A_1325 = arith.select %lt3A_1321, %add3A_1324, %xor3A_1318 : vector<16xi1>, vector<16xi32>
      %reshape3A_1326 = vector.shape_cast %select_n3A_1325 : vector<16xi32> to vector<16x1xi32>
      %gather3A_1327 = vector.shape_cast %reshape3A_1326 : vector<16x1xi32> to vector<16xi32>
      %gather3A_1328 = tpu.dynamic_gather %add3A_1315[%gather3A_1327] in [0] : vector<16xf32>, vector<16xi32> -> vector<16xf32>
      %add3A_1329 = arith.addf %add3A_1315, %gather3A_1328 : vector<16xf32>
      %select_n3A_1330 = arith.select %eq3A_1273, %add3A_1329, %select_n3A_1239 : vector<16xi1>, vector<16xf32>
      %add3A_1331 = arith.constant 10 : i32
      %add3A_1332 = arith.addi %mul3A_425, %add3A_1331 : i32
      %get3A_1333 = arith.index_cast %select_n3A : i32 to index
      %get3A_1334 = arith.index_cast %add3A_1332 : i32 to index
      %get3A_1335 = arith.constant 0 : index
      %get3A_1336 = tpu.vector_load %arg11[%get3A_1333, %get3A_1334, %get3A_1335] {strides = array<i32>} : memref<4x128x16xi32, #tpu.memory_space<vmem>>, vector<1x1x16xi32>,
      %get3A_1337 = vector.shape_cast %get3A_1336 : vector<1x1x16xi32> to vector<16xi32>
      %get3A_1338 = arith.index_cast %select_n3A : i32 to index
      %get3A_1339 = arith.index_cast %add3A_1332 : i32 to index
      %get3A_1340 = arith.constant 0 : index
      %get3A_1341 = tpu.vector_load %arg12[%get3A_1338, %get3A_1339, %get3A_1340] {strides = array<i32>} : memref<4x128x16xi32, #tpu.memory_space<vmem>>, vector<1x1x16xi32>,
      %get3A_1342 = vector.shape_cast %get3A_1341 : vector<1x1x16xi32> to vector<16xi32>
      %shift_left3A_1343 = arith.constant 16 : i32
      %shift_left3A_1344 = vector.broadcast %shift_left3A_1343 : i32 to vector<16xi32>
      %shift_left3A_1345 = arith.shli %get3A_1337, %shift_left3A_1344 : vector<16xi32>
      %bitcast_convert_type3A_1346 = tpu.bitcast %shift_left3A_1345 : vector<16xi32> -> vector<16xf32>
      %shift_left3A_1347 = arith.constant 16 : i32
      %shift_left3A_1348 = vector.broadcast %shift_left3A_1347 : i32 to vector<16xi32>
      %shift_left3A_1349 = arith.shli %get3A_1342, %shift_left3A_1348 : vector<16xi32>
      %bitcast_convert_type3A_1350 = tpu.bitcast %shift_left3A_1349 : vector<16xi32> -> vector<16xf32>
      %mul3A_1351 = arith.mulf %bitcast_convert_type3A_1346, %bitcast_convert_type3A_1350 : vector<16xf32>
      %and3A_1352 = arith.constant -65536 : i32
      %and3A_1353 = vector.broadcast %and3A_1352 : i32 to vector<16xi32>
      %and3A_1354 = arith.andi %get3A_1337, %and3A_1353 : vector<16xi32>
      %bitcast_convert_type3A_1355 = tpu.bitcast %and3A_1354 : vector<16xi32> -> vector<16xf32>
      %and3A_1356 = arith.constant -65536 : i32
      %and3A_1357 = vector.broadcast %and3A_1356 : i32 to vector<16xi32>
      %and3A_1358 = arith.andi %get3A_1342, %and3A_1357 : vector<16xi32>
      %bitcast_convert_type3A_1359 = tpu.bitcast %and3A_1358 : vector<16xi32> -> vector<16xf32>
      %mul3A_1360 = arith.mulf %bitcast_convert_type3A_1355, %bitcast_convert_type3A_1359 : vector<16xf32>
      %add3A_1361 = arith.addf %mul3A_1351, %mul3A_1360 : vector<16xf32>
      %eq3A_1362 = arith.constant 10 : i32
      %eq3A_1363 = vector.broadcast %eq3A_1362 : i32 to vector<16xi32>
      %eq3A_1364 = arith.cmpi eq, %iota3A, %eq3A_1363 : vector<16xi32>
      %xor3A_1365 = arith.constant 8 : i32
      %xor3A_1366 = vector.broadcast %xor3A_1365 : i32 to vector<16xi32>
      %xor3A_1367 = arith.xori %iota3A, %xor3A_1366 : vector<16xi32>
      %lt3A_1368 = arith.constant 0 : i32
      %lt3A_1369 = vector.broadcast %lt3A_1368 : i32 to vector<16xi32>
      %lt3A_1370 = arith.cmpi slt, %xor3A_1367, %lt3A_1369 : vector<16xi32>
      %add3A_1371 = arith.constant 16 : i32
      %add3A_1372 = vector.broadcast %add3A_1371 : i32 to vector<16xi32>
      %add3A_1373 = arith.addi %xor3A_1367, %add3A_1372 : vector<16xi32>
      %select_n3A_1374 = arith.select %lt3A_1370, %add3A_1373, %xor3A_1367 : vector<16xi1>, vector<16xi32>
      %reshape3A_1375 = vector.shape_cast %select_n3A_1374 : vector<16xi32> to vector<16x1xi32>
      %gather3A_1376 = vector.shape_cast %reshape3A_1375 : vector<16x1xi32> to vector<16xi32>
      %gather3A_1377 = tpu.dynamic_gather %add3A_1361[%gather3A_1376] in [0] : vector<16xf32>, vector<16xi32> -> vector<16xf32>
      %add3A_1378 = arith.addf %add3A_1361, %gather3A_1377 : vector<16xf32>
      %xor3A_1379 = arith.constant 4 : i32
      %xor3A_1380 = vector.broadcast %xor3A_1379 : i32 to vector<16xi32>
      %xor3A_1381 = arith.xori %iota3A, %xor3A_1380 : vector<16xi32>
      %lt3A_1382 = arith.constant 0 : i32
      %lt3A_1383 = vector.broadcast %lt3A_1382 : i32 to vector<16xi32>
      %lt3A_1384 = arith.cmpi slt, %xor3A_1381, %lt3A_1383 : vector<16xi32>
      %add3A_1385 = arith.constant 16 : i32
      %add3A_1386 = vector.broadcast %add3A_1385 : i32 to vector<16xi32>
      %add3A_1387 = arith.addi %xor3A_1381, %add3A_1386 : vector<16xi32>
      %select_n3A_1388 = arith.select %lt3A_1384, %add3A_1387, %xor3A_1381 : vector<16xi1>, vector<16xi32>
      %reshape3A_1389 = vector.shape_cast %select_n3A_1388 : vector<16xi32> to vector<16x1xi32>
      %gather3A_1390 = vector.shape_cast %reshape3A_1389 : vector<16x1xi32> to vector<16xi32>
      %gather3A_1391 = tpu.dynamic_gather %add3A_1378[%gather3A_1390] in [0] : vector<16xf32>, vector<16xi32> -> vector<16xf32>
      %add3A_1392 = arith.addf %add3A_1378, %gather3A_1391 : vector<16xf32>
      %xor3A_1393 = arith.constant 2 : i32
      %xor3A_1394 = vector.broadcast %xor3A_1393 : i32 to vector<16xi32>
      %xor3A_1395 = arith.xori %iota3A, %xor3A_1394 : vector<16xi32>
      %lt3A_1396 = arith.constant 0 : i32
      %lt3A_1397 = vector.broadcast %lt3A_1396 : i32 to vector<16xi32>
      %lt3A_1398 = arith.cmpi slt, %xor3A_1395, %lt3A_1397 : vector<16xi32>
      %add3A_1399 = arith.constant 16 : i32
      %add3A_1400 = vector.broadcast %add3A_1399 : i32 to vector<16xi32>
      %add3A_1401 = arith.addi %xor3A_1395, %add3A_1400 : vector<16xi32>
      %select_n3A_1402 = arith.select %lt3A_1398, %add3A_1401, %xor3A_1395 : vector<16xi1>, vector<16xi32>
      %reshape3A_1403 = vector.shape_cast %select_n3A_1402 : vector<16xi32> to vector<16x1xi32>
      %gather3A_1404 = vector.shape_cast %reshape3A_1403 : vector<16x1xi32> to vector<16xi32>
      %gather3A_1405 = tpu.dynamic_gather %add3A_1392[%gather3A_1404] in [0] : vector<16xf32>, vector<16xi32> -> vector<16xf32>
      %add3A_1406 = arith.addf %add3A_1392, %gather3A_1405 : vector<16xf32>
      %xor3A_1407 = arith.constant 1 : i32
      %xor3A_1408 = vector.broadcast %xor3A_1407 : i32 to vector<16xi32>
      %xor3A_1409 = arith.xori %iota3A, %xor3A_1408 : vector<16xi32>
      %lt3A_1410 = arith.constant 0 : i32
      %lt3A_1411 = vector.broadcast %lt3A_1410 : i32 to vector<16xi32>
      %lt3A_1412 = arith.cmpi slt, %xor3A_1409, %lt3A_1411 : vector<16xi32>
      %add3A_1413 = arith.constant 16 : i32
      %add3A_1414 = vector.broadcast %add3A_1413 : i32 to vector<16xi32>
      %add3A_1415 = arith.addi %xor3A_1409, %add3A_1414 : vector<16xi32>
      %select_n3A_1416 = arith.select %lt3A_1412, %add3A_1415, %xor3A_1409 : vector<16xi1>, vector<16xi32>
      %reshape3A_1417 = vector.shape_cast %select_n3A_1416 : vector<16xi32> to vector<16x1xi32>
      %gather3A_1418 = vector.shape_cast %reshape3A_1417 : vector<16x1xi32> to vector<16xi32>
      %gather3A_1419 = tpu.dynamic_gather %add3A_1406[%gather3A_1418] in [0] : vector<16xf32>, vector<16xi32> -> vector<16xf32>
      %add3A_1420 = arith.addf %add3A_1406, %gather3A_1419 : vector<16xf32>
      %select_n3A_1421 = arith.select %eq3A_1364, %add3A_1420, %select_n3A_1330 : vector<16xi1>, vector<16xf32>
      %add3A_1422 = arith.constant 11 : i32
      %add3A_1423 = arith.addi %mul3A_425, %add3A_1422 : i32
      %get3A_1424 = arith.index_cast %select_n3A : i32 to index
      %get3A_1425 = arith.index_cast %add3A_1423 : i32 to index
      %get3A_1426 = arith.constant 0 : index
      %get3A_1427 = tpu.vector_load %arg11[%get3A_1424, %get3A_1425, %get3A_1426] {strides = array<i32>} : memref<4x128x16xi32, #tpu.memory_space<vmem>>, vector<1x1x16xi32>,
      %get3A_1428 = vector.shape_cast %get3A_1427 : vector<1x1x16xi32> to vector<16xi32>
      %get3A_1429 = arith.index_cast %select_n3A : i32 to index
      %get3A_1430 = arith.index_cast %add3A_1423 : i32 to index
      %get3A_1431 = arith.constant 0 : index
      %get3A_1432 = tpu.vector_load %arg12[%get3A_1429, %get3A_1430, %get3A_1431] {strides = array<i32>} : memref<4x128x16xi32, #tpu.memory_space<vmem>>, vector<1x1x16xi32>,
      %get3A_1433 = vector.shape_cast %get3A_1432 : vector<1x1x16xi32> to vector<16xi32>
      %shift_left3A_1434 = arith.constant 16 : i32
      %shift_left3A_1435 = vector.broadcast %shift_left3A_1434 : i32 to vector<16xi32>
      %shift_left3A_1436 = arith.shli %get3A_1428, %shift_left3A_1435 : vector<16xi32>
      %bitcast_convert_type3A_1437 = tpu.bitcast %shift_left3A_1436 : vector<16xi32> -> vector<16xf32>
      %shift_left3A_1438 = arith.constant 16 : i32
      %shift_left3A_1439 = vector.broadcast %shift_left3A_1438 : i32 to vector<16xi32>
      %shift_left3A_1440 = arith.shli %get3A_1433, %shift_left3A_1439 : vector<16xi32>
      %bitcast_convert_type3A_1441 = tpu.bitcast %shift_left3A_1440 : vector<16xi32> -> vector<16xf32>
      %mul3A_1442 = arith.mulf %bitcast_convert_type3A_1437, %bitcast_convert_type3A_1441 : vector<16xf32>
      %and3A_1443 = arith.constant -65536 : i32
      %and3A_1444 = vector.broadcast %and3A_1443 : i32 to vector<16xi32>
      %and3A_1445 = arith.andi %get3A_1428, %and3A_1444 : vector<16xi32>
      %bitcast_convert_type3A_1446 = tpu.bitcast %and3A_1445 : vector<16xi32> -> vector<16xf32>
      %and3A_1447 = arith.constant -65536 : i32
      %and3A_1448 = vector.broadcast %and3A_1447 : i32 to vector<16xi32>
      %and3A_1449 = arith.andi %get3A_1433, %and3A_1448 : vector<16xi32>
      %bitcast_convert_type3A_1450 = tpu.bitcast %and3A_1449 : vector<16xi32> -> vector<16xf32>
      %mul3A_1451 = arith.mulf %bitcast_convert_type3A_1446, %bitcast_convert_type3A_1450 : vector<16xf32>
      %add3A_1452 = arith.addf %mul3A_1442, %mul3A_1451 : vector<16xf32>
      %eq3A_1453 = arith.constant 11 : i32
      %eq3A_1454 = vector.broadcast %eq3A_1453 : i32 to vector<16xi32>
      %eq3A_1455 = arith.cmpi eq, %iota3A, %eq3A_1454 : vector<16xi32>
      %xor3A_1456 = arith.constant 8 : i32
      %xor3A_1457 = vector.broadcast %xor3A_1456 : i32 to vector<16xi32>
      %xor3A_1458 = arith.xori %iota3A, %xor3A_1457 : vector<16xi32>
      %lt3A_1459 = arith.constant 0 : i32
      %lt3A_1460 = vector.broadcast %lt3A_1459 : i32 to vector<16xi32>
      %lt3A_1461 = arith.cmpi slt, %xor3A_1458, %lt3A_1460 : vector<16xi32>
      %add3A_1462 = arith.constant 16 : i32
      %add3A_1463 = vector.broadcast %add3A_1462 : i32 to vector<16xi32>
      %add3A_1464 = arith.addi %xor3A_1458, %add3A_1463 : vector<16xi32>
      %select_n3A_1465 = arith.select %lt3A_1461, %add3A_1464, %xor3A_1458 : vector<16xi1>, vector<16xi32>
      %reshape3A_1466 = vector.shape_cast %select_n3A_1465 : vector<16xi32> to vector<16x1xi32>
      %gather3A_1467 = vector.shape_cast %reshape3A_1466 : vector<16x1xi32> to vector<16xi32>
      %gather3A_1468 = tpu.dynamic_gather %add3A_1452[%gather3A_1467] in [0] : vector<16xf32>, vector<16xi32> -> vector<16xf32>
      %add3A_1469 = arith.addf %add3A_1452, %gather3A_1468 : vector<16xf32>
      %xor3A_1470 = arith.constant 4 : i32
      %xor3A_1471 = vector.broadcast %xor3A_1470 : i32 to vector<16xi32>
      %xor3A_1472 = arith.xori %iota3A, %xor3A_1471 : vector<16xi32>
      %lt3A_1473 = arith.constant 0 : i32
      %lt3A_1474 = vector.broadcast %lt3A_1473 : i32 to vector<16xi32>
      %lt3A_1475 = arith.cmpi slt, %xor3A_1472, %lt3A_1474 : vector<16xi32>
      %add3A_1476 = arith.constant 16 : i32
      %add3A_1477 = vector.broadcast %add3A_1476 : i32 to vector<16xi32>
      %add3A_1478 = arith.addi %xor3A_1472, %add3A_1477 : vector<16xi32>
      %select_n3A_1479 = arith.select %lt3A_1475, %add3A_1478, %xor3A_1472 : vector<16xi1>, vector<16xi32>
      %reshape3A_1480 = vector.shape_cast %select_n3A_1479 : vector<16xi32> to vector<16x1xi32>
      %gather3A_1481 = vector.shape_cast %reshape3A_1480 : vector<16x1xi32> to vector<16xi32>
      %gather3A_1482 = tpu.dynamic_gather %add3A_1469[%gather3A_1481] in [0] : vector<16xf32>, vector<16xi32> -> vector<16xf32>
      %add3A_1483 = arith.addf %add3A_1469, %gather3A_1482 : vector<16xf32>
      %xor3A_1484 = arith.constant 2 : i32
      %xor3A_1485 = vector.broadcast %xor3A_1484 : i32 to vector<16xi32>
      %xor3A_1486 = arith.xori %iota3A, %xor3A_1485 : vector<16xi32>
      %lt3A_1487 = arith.constant 0 : i32
      %lt3A_1488 = vector.broadcast %lt3A_1487 : i32 to vector<16xi32>
      %lt3A_1489 = arith.cmpi slt, %xor3A_1486, %lt3A_1488 : vector<16xi32>
      %add3A_1490 = arith.constant 16 : i32
      %add3A_1491 = vector.broadcast %add3A_1490 : i32 to vector<16xi32>
      %add3A_1492 = arith.addi %xor3A_1486, %add3A_1491 : vector<16xi32>
      %select_n3A_1493 = arith.select %lt3A_1489, %add3A_1492, %xor3A_1486 : vector<16xi1>, vector<16xi32>
      %reshape3A_1494 = vector.shape_cast %select_n3A_1493 : vector<16xi32> to vector<16x1xi32>
      %gather3A_1495 = vector.shape_cast %reshape3A_1494 : vector<16x1xi32> to vector<16xi32>
      %gather3A_1496 = tpu.dynamic_gather %add3A_1483[%gather3A_1495] in [0] : vector<16xf32>, vector<16xi32> -> vector<16xf32>
      %add3A_1497 = arith.addf %add3A_1483, %gather3A_1496 : vector<16xf32>
      %xor3A_1498 = arith.constant 1 : i32
      %xor3A_1499 = vector.broadcast %xor3A_1498 : i32 to vector<16xi32>
      %xor3A_1500 = arith.xori %iota3A, %xor3A_1499 : vector<16xi32>
      %lt3A_1501 = arith.constant 0 : i32
      %lt3A_1502 = vector.broadcast %lt3A_1501 : i32 to vector<16xi32>
      %lt3A_1503 = arith.cmpi slt, %xor3A_1500, %lt3A_1502 : vector<16xi32>
      %add3A_1504 = arith.constant 16 : i32
      %add3A_1505 = vector.broadcast %add3A_1504 : i32 to vector<16xi32>
      %add3A_1506 = arith.addi %xor3A_1500, %add3A_1505 : vector<16xi32>
      %select_n3A_1507 = arith.select %lt3A_1503, %add3A_1506, %xor3A_1500 : vector<16xi1>, vector<16xi32>
      %reshape3A_1508 = vector.shape_cast %select_n3A_1507 : vector<16xi32> to vector<16x1xi32>
      %gather3A_1509 = vector.shape_cast %reshape3A_1508 : vector<16x1xi32> to vector<16xi32>
      %gather3A_1510 = tpu.dynamic_gather %add3A_1497[%gather3A_1509] in [0] : vector<16xf32>, vector<16xi32> -> vector<16xf32>
      %add3A_1511 = arith.addf %add3A_1497, %gather3A_1510 : vector<16xf32>
      %select_n3A_1512 = arith.select %eq3A_1455, %add3A_1511, %select_n3A_1421 : vector<16xi1>, vector<16xf32>
      %add3A_1513 = arith.constant 12 : i32
      %add3A_1514 = arith.addi %mul3A_425, %add3A_1513 : i32
      %get3A_1515 = arith.index_cast %select_n3A : i32 to index
      %get3A_1516 = arith.index_cast %add3A_1514 : i32 to index
      %get3A_1517 = arith.constant 0 : index
      %get3A_1518 = tpu.vector_load %arg11[%get3A_1515, %get3A_1516, %get3A_1517] {strides = array<i32>} : memref<4x128x16xi32, #tpu.memory_space<vmem>>, vector<1x1x16xi32>,
      %get3A_1519 = vector.shape_cast %get3A_1518 : vector<1x1x16xi32> to vector<16xi32>
      %get3A_1520 = arith.index_cast %select_n3A : i32 to index
      %get3A_1521 = arith.index_cast %add3A_1514 : i32 to index
      %get3A_1522 = arith.constant 0 : index
      %get3A_1523 = tpu.vector_load %arg12[%get3A_1520, %get3A_1521, %get3A_1522] {strides = array<i32>} : memref<4x128x16xi32, #tpu.memory_space<vmem>>, vector<1x1x16xi32>,
      %get3A_1524 = vector.shape_cast %get3A_1523 : vector<1x1x16xi32> to vector<16xi32>
      %shift_left3A_1525 = arith.constant 16 : i32
      %shift_left3A_1526 = vector.broadcast %shift_left3A_1525 : i32 to vector<16xi32>
      %shift_left3A_1527 = arith.shli %get3A_1519, %shift_left3A_1526 : vector<16xi32>
      %bitcast_convert_type3A_1528 = tpu.bitcast %shift_left3A_1527 : vector<16xi32> -> vector<16xf32>
      %shift_left3A_1529 = arith.constant 16 : i32
      %shift_left3A_1530 = vector.broadcast %shift_left3A_1529 : i32 to vector<16xi32>
      %shift_left3A_1531 = arith.shli %get3A_1524, %shift_left3A_1530 : vector<16xi32>
      %bitcast_convert_type3A_1532 = tpu.bitcast %shift_left3A_1531 : vector<16xi32> -> vector<16xf32>
      %mul3A_1533 = arith.mulf %bitcast_convert_type3A_1528, %bitcast_convert_type3A_1532 : vector<16xf32>
      %and3A_1534 = arith.constant -65536 : i32
      %and3A_1535 = vector.broadcast %and3A_1534 : i32 to vector<16xi32>
      %and3A_1536 = arith.andi %get3A_1519, %and3A_1535 : vector<16xi32>
      %bitcast_convert_type3A_1537 = tpu.bitcast %and3A_1536 : vector<16xi32> -> vector<16xf32>
      %and3A_1538 = arith.constant -65536 : i32
      %and3A_1539 = vector.broadcast %and3A_1538 : i32 to vector<16xi32>
      %and3A_1540 = arith.andi %get3A_1524, %and3A_1539 : vector<16xi32>
      %bitcast_convert_type3A_1541 = tpu.bitcast %and3A_1540 : vector<16xi32> -> vector<16xf32>
      %mul3A_1542 = arith.mulf %bitcast_convert_type3A_1537, %bitcast_convert_type3A_1541 : vector<16xf32>
      %add3A_1543 = arith.addf %mul3A_1533, %mul3A_1542 : vector<16xf32>
      %eq3A_1544 = arith.constant 12 : i32
      %eq3A_1545 = vector.broadcast %eq3A_1544 : i32 to vector<16xi32>
      %eq3A_1546 = arith.cmpi eq, %iota3A, %eq3A_1545 : vector<16xi32>
      %xor3A_1547 = arith.constant 8 : i32
      %xor3A_1548 = vector.broadcast %xor3A_1547 : i32 to vector<16xi32>
      %xor3A_1549 = arith.xori %iota3A, %xor3A_1548 : vector<16xi32>
      %lt3A_1550 = arith.constant 0 : i32
      %lt3A_1551 = vector.broadcast %lt3A_1550 : i32 to vector<16xi32>
      %lt3A_1552 = arith.cmpi slt, %xor3A_1549, %lt3A_1551 : vector<16xi32>
      %add3A_1553 = arith.constant 16 : i32
      %add3A_1554 = vector.broadcast %add3A_1553 : i32 to vector<16xi32>
      %add3A_1555 = arith.addi %xor3A_1549, %add3A_1554 : vector<16xi32>
      %select_n3A_1556 = arith.select %lt3A_1552, %add3A_1555, %xor3A_1549 : vector<16xi1>, vector<16xi32>
      %reshape3A_1557 = vector.shape_cast %select_n3A_1556 : vector<16xi32> to vector<16x1xi32>
      %gather3A_1558 = vector.shape_cast %reshape3A_1557 : vector<16x1xi32> to vector<16xi32>
      %gather3A_1559 = tpu.dynamic_gather %add3A_1543[%gather3A_1558] in [0] : vector<16xf32>, vector<16xi32> -> vector<16xf32>
      %add3A_1560 = arith.addf %add3A_1543, %gather3A_1559 : vector<16xf32>
      %xor3A_1561 = arith.constant 4 : i32
      %xor3A_1562 = vector.broadcast %xor3A_1561 : i32 to vector<16xi32>
      %xor3A_1563 = arith.xori %iota3A, %xor3A_1562 : vector<16xi32>
      %lt3A_1564 = arith.constant 0 : i32
      %lt3A_1565 = vector.broadcast %lt3A_1564 : i32 to vector<16xi32>
      %lt3A_1566 = arith.cmpi slt, %xor3A_1563, %lt3A_1565 : vector<16xi32>
      %add3A_1567 = arith.constant 16 : i32
      %add3A_1568 = vector.broadcast %add3A_1567 : i32 to vector<16xi32>
      %add3A_1569 = arith.addi %xor3A_1563, %add3A_1568 : vector<16xi32>
      %select_n3A_1570 = arith.select %lt3A_1566, %add3A_1569, %xor3A_1563 : vector<16xi1>, vector<16xi32>
      %reshape3A_1571 = vector.shape_cast %select_n3A_1570 : vector<16xi32> to vector<16x1xi32>
      %gather3A_1572 = vector.shape_cast %reshape3A_1571 : vector<16x1xi32> to vector<16xi32>
      %gather3A_1573 = tpu.dynamic_gather %add3A_1560[%gather3A_1572] in [0] : vector<16xf32>, vector<16xi32> -> vector<16xf32>
      %add3A_1574 = arith.addf %add3A_1560, %gather3A_1573 : vector<16xf32>
      %xor3A_1575 = arith.constant 2 : i32
      %xor3A_1576 = vector.broadcast %xor3A_1575 : i32 to vector<16xi32>
      %xor3A_1577 = arith.xori %iota3A, %xor3A_1576 : vector<16xi32>
      %lt3A_1578 = arith.constant 0 : i32
      %lt3A_1579 = vector.broadcast %lt3A_1578 : i32 to vector<16xi32>
      %lt3A_1580 = arith.cmpi slt, %xor3A_1577, %lt3A_1579 : vector<16xi32>
      %add3A_1581 = arith.constant 16 : i32
      %add3A_1582 = vector.broadcast %add3A_1581 : i32 to vector<16xi32>
      %add3A_1583 = arith.addi %xor3A_1577, %add3A_1582 : vector<16xi32>
      %select_n3A_1584 = arith.select %lt3A_1580, %add3A_1583, %xor3A_1577 : vector<16xi1>, vector<16xi32>
      %reshape3A_1585 = vector.shape_cast %select_n3A_1584 : vector<16xi32> to vector<16x1xi32>
      %gather3A_1586 = vector.shape_cast %reshape3A_1585 : vector<16x1xi32> to vector<16xi32>
      %gather3A_1587 = tpu.dynamic_gather %add3A_1574[%gather3A_1586] in [0] : vector<16xf32>, vector<16xi32> -> vector<16xf32>
      %add3A_1588 = arith.addf %add3A_1574, %gather3A_1587 : vector<16xf32>
      %xor3A_1589 = arith.constant 1 : i32
      %xor3A_1590 = vector.broadcast %xor3A_1589 : i32 to vector<16xi32>
      %xor3A_1591 = arith.xori %iota3A, %xor3A_1590 : vector<16xi32>
      %lt3A_1592 = arith.constant 0 : i32
      %lt3A_1593 = vector.broadcast %lt3A_1592 : i32 to vector<16xi32>
      %lt3A_1594 = arith.cmpi slt, %xor3A_1591, %lt3A_1593 : vector<16xi32>
      %add3A_1595 = arith.constant 16 : i32
      %add3A_1596 = vector.broadcast %add3A_1595 : i32 to vector<16xi32>
      %add3A_1597 = arith.addi %xor3A_1591, %add3A_1596 : vector<16xi32>
      %select_n3A_1598 = arith.select %lt3A_1594, %add3A_1597, %xor3A_1591 : vector<16xi1>, vector<16xi32>
      %reshape3A_1599 = vector.shape_cast %select_n3A_1598 : vector<16xi32> to vector<16x1xi32>
      %gather3A_1600 = vector.shape_cast %reshape3A_1599 : vector<16x1xi32> to vector<16xi32>
      %gather3A_1601 = tpu.dynamic_gather %add3A_1588[%gather3A_1600] in [0] : vector<16xf32>, vector<16xi32> -> vector<16xf32>
      %add3A_1602 = arith.addf %add3A_1588, %gather3A_1601 : vector<16xf32>
      %select_n3A_1603 = arith.select %eq3A_1546, %add3A_1602, %select_n3A_1512 : vector<16xi1>, vector<16xf32>
      %add3A_1604 = arith.constant 13 : i32
      %add3A_1605 = arith.addi %mul3A_425, %add3A_1604 : i32
      %get3A_1606 = arith.index_cast %select_n3A : i32 to index
      %get3A_1607 = arith.index_cast %add3A_1605 : i32 to index
      %get3A_1608 = arith.constant 0 : index
      %get3A_1609 = tpu.vector_load %arg11[%get3A_1606, %get3A_1607, %get3A_1608] {strides = array<i32>} : memref<4x128x16xi32, #tpu.memory_space<vmem>>, vector<1x1x16xi32>,
      %get3A_1610 = vector.shape_cast %get3A_1609 : vector<1x1x16xi32> to vector<16xi32>
      %get3A_1611 = arith.index_cast %select_n3A : i32 to index
      %get3A_1612 = arith.index_cast %add3A_1605 : i32 to index
      %get3A_1613 = arith.constant 0 : index
      %get3A_1614 = tpu.vector_load %arg12[%get3A_1611, %get3A_1612, %get3A_1613] {strides = array<i32>} : memref<4x128x16xi32, #tpu.memory_space<vmem>>, vector<1x1x16xi32>,
      %get3A_1615 = vector.shape_cast %get3A_1614 : vector<1x1x16xi32> to vector<16xi32>
      %shift_left3A_1616 = arith.constant 16 : i32
      %shift_left3A_1617 = vector.broadcast %shift_left3A_1616 : i32 to vector<16xi32>
      %shift_left3A_1618 = arith.shli %get3A_1610, %shift_left3A_1617 : vector<16xi32>
      %bitcast_convert_type3A_1619 = tpu.bitcast %shift_left3A_1618 : vector<16xi32> -> vector<16xf32>
      %shift_left3A_1620 = arith.constant 16 : i32
      %shift_left3A_1621 = vector.broadcast %shift_left3A_1620 : i32 to vector<16xi32>
      %shift_left3A_1622 = arith.shli %get3A_1615, %shift_left3A_1621 : vector<16xi32>
      %bitcast_convert_type3A_1623 = tpu.bitcast %shift_left3A_1622 : vector<16xi32> -> vector<16xf32>
      %mul3A_1624 = arith.mulf %bitcast_convert_type3A_1619, %bitcast_convert_type3A_1623 : vector<16xf32>
      %and3A_1625 = arith.constant -65536 : i32
      %and3A_1626 = vector.broadcast %and3A_1625 : i32 to vector<16xi32>
      %and3A_1627 = arith.andi %get3A_1610, %and3A_1626 : vector<16xi32>
      %bitcast_convert_type3A_1628 = tpu.bitcast %and3A_1627 : vector<16xi32> -> vector<16xf32>
      %and3A_1629 = arith.constant -65536 : i32
      %and3A_1630 = vector.broadcast %and3A_1629 : i32 to vector<16xi32>
      %and3A_1631 = arith.andi %get3A_1615, %and3A_1630 : vector<16xi32>
      %bitcast_convert_type3A_1632 = tpu.bitcast %and3A_1631 : vector<16xi32> -> vector<16xf32>
      %mul3A_1633 = arith.mulf %bitcast_convert_type3A_1628, %bitcast_convert_type3A_1632 : vector<16xf32>
      %add3A_1634 = arith.addf %mul3A_1624, %mul3A_1633 : vector<16xf32>
      %eq3A_1635 = arith.constant 13 : i32
      %eq3A_1636 = vector.broadcast %eq3A_1635 : i32 to vector<16xi32>
      %eq3A_1637 = arith.cmpi eq, %iota3A, %eq3A_1636 : vector<16xi32>
      %xor3A_1638 = arith.constant 8 : i32
      %xor3A_1639 = vector.broadcast %xor3A_1638 : i32 to vector<16xi32>
      %xor3A_1640 = arith.xori %iota3A, %xor3A_1639 : vector<16xi32>
      %lt3A_1641 = arith.constant 0 : i32
      %lt3A_1642 = vector.broadcast %lt3A_1641 : i32 to vector<16xi32>
      %lt3A_1643 = arith.cmpi slt, %xor3A_1640, %lt3A_1642 : vector<16xi32>
      %add3A_1644 = arith.constant 16 : i32
      %add3A_1645 = vector.broadcast %add3A_1644 : i32 to vector<16xi32>
      %add3A_1646 = arith.addi %xor3A_1640, %add3A_1645 : vector<16xi32>
      %select_n3A_1647 = arith.select %lt3A_1643, %add3A_1646, %xor3A_1640 : vector<16xi1>, vector<16xi32>
      %reshape3A_1648 = vector.shape_cast %select_n3A_1647 : vector<16xi32> to vector<16x1xi32>
      %gather3A_1649 = vector.shape_cast %reshape3A_1648 : vector<16x1xi32> to vector<16xi32>
      %gather3A_1650 = tpu.dynamic_gather %add3A_1634[%gather3A_1649] in [0] : vector<16xf32>, vector<16xi32> -> vector<16xf32>
      %add3A_1651 = arith.addf %add3A_1634, %gather3A_1650 : vector<16xf32>
      %xor3A_1652 = arith.constant 4 : i32
      %xor3A_1653 = vector.broadcast %xor3A_1652 : i32 to vector<16xi32>
      %xor3A_1654 = arith.xori %iota3A, %xor3A_1653 : vector<16xi32>
      %lt3A_1655 = arith.constant 0 : i32
      %lt3A_1656 = vector.broadcast %lt3A_1655 : i32 to vector<16xi32>
      %lt3A_1657 = arith.cmpi slt, %xor3A_1654, %lt3A_1656 : vector<16xi32>
      %add3A_1658 = arith.constant 16 : i32
      %add3A_1659 = vector.broadcast %add3A_1658 : i32 to vector<16xi32>
      %add3A_1660 = arith.addi %xor3A_1654, %add3A_1659 : vector<16xi32>
      %select_n3A_1661 = arith.select %lt3A_1657, %add3A_1660, %xor3A_1654 : vector<16xi1>, vector<16xi32>
      %reshape3A_1662 = vector.shape_cast %select_n3A_1661 : vector<16xi32> to vector<16x1xi32>
      %gather3A_1663 = vector.shape_cast %reshape3A_1662 : vector<16x1xi32> to vector<16xi32>
      %gather3A_1664 = tpu.dynamic_gather %add3A_1651[%gather3A_1663] in [0] : vector<16xf32>, vector<16xi32> -> vector<16xf32>
      %add3A_1665 = arith.addf %add3A_1651, %gather3A_1664 : vector<16xf32>
      %xor3A_1666 = arith.constant 2 : i32
      %xor3A_1667 = vector.broadcast %xor3A_1666 : i32 to vector<16xi32>
      %xor3A_1668 = arith.xori %iota3A, %xor3A_1667 : vector<16xi32>
      %lt3A_1669 = arith.constant 0 : i32
      %lt3A_1670 = vector.broadcast %lt3A_1669 : i32 to vector<16xi32>
      %lt3A_1671 = arith.cmpi slt, %xor3A_1668, %lt3A_1670 : vector<16xi32>
      %add3A_1672 = arith.constant 16 : i32
      %add3A_1673 = vector.broadcast %add3A_1672 : i32 to vector<16xi32>
      %add3A_1674 = arith.addi %xor3A_1668, %add3A_1673 : vector<16xi32>
      %select_n3A_1675 = arith.select %lt3A_1671, %add3A_1674, %xor3A_1668 : vector<16xi1>, vector<16xi32>
      %reshape3A_1676 = vector.shape_cast %select_n3A_1675 : vector<16xi32> to vector<16x1xi32>
      %gather3A_1677 = vector.shape_cast %reshape3A_1676 : vector<16x1xi32> to vector<16xi32>
      %gather3A_1678 = tpu.dynamic_gather %add3A_1665[%gather3A_1677] in [0] : vector<16xf32>, vector<16xi32> -> vector<16xf32>
      %add3A_1679 = arith.addf %add3A_1665, %gather3A_1678 : vector<16xf32>
      %xor3A_1680 = arith.constant 1 : i32
      %xor3A_1681 = vector.broadcast %xor3A_1680 : i32 to vector<16xi32>
      %xor3A_1682 = arith.xori %iota3A, %xor3A_1681 : vector<16xi32>
      %lt3A_1683 = arith.constant 0 : i32
      %lt3A_1684 = vector.broadcast %lt3A_1683 : i32 to vector<16xi32>
      %lt3A_1685 = arith.cmpi slt, %xor3A_1682, %lt3A_1684 : vector<16xi32>
      %add3A_1686 = arith.constant 16 : i32
      %add3A_1687 = vector.broadcast %add3A_1686 : i32 to vector<16xi32>
      %add3A_1688 = arith.addi %xor3A_1682, %add3A_1687 : vector<16xi32>
      %select_n3A_1689 = arith.select %lt3A_1685, %add3A_1688, %xor3A_1682 : vector<16xi1>, vector<16xi32>
      %reshape3A_1690 = vector.shape_cast %select_n3A_1689 : vector<16xi32> to vector<16x1xi32>
      %gather3A_1691 = vector.shape_cast %reshape3A_1690 : vector<16x1xi32> to vector<16xi32>
      %gather3A_1692 = tpu.dynamic_gather %add3A_1679[%gather3A_1691] in [0] : vector<16xf32>, vector<16xi32> -> vector<16xf32>
      %add3A_1693 = arith.addf %add3A_1679, %gather3A_1692 : vector<16xf32>
      %select_n3A_1694 = arith.select %eq3A_1637, %add3A_1693, %select_n3A_1603 : vector<16xi1>, vector<16xf32>
      %add3A_1695 = arith.constant 14 : i32
      %add3A_1696 = arith.addi %mul3A_425, %add3A_1695 : i32
      %get3A_1697 = arith.index_cast %select_n3A : i32 to index
      %get3A_1698 = arith.index_cast %add3A_1696 : i32 to index
      %get3A_1699 = arith.constant 0 : index
      %get3A_1700 = tpu.vector_load %arg11[%get3A_1697, %get3A_1698, %get3A_1699] {strides = array<i32>} : memref<4x128x16xi32, #tpu.memory_space<vmem>>, vector<1x1x16xi32>,
      %get3A_1701 = vector.shape_cast %get3A_1700 : vector<1x1x16xi32> to vector<16xi32>
      %get3A_1702 = arith.index_cast %select_n3A : i32 to index
      %get3A_1703 = arith.index_cast %add3A_1696 : i32 to index
      %get3A_1704 = arith.constant 0 : index
      %get3A_1705 = tpu.vector_load %arg12[%get3A_1702, %get3A_1703, %get3A_1704] {strides = array<i32>} : memref<4x128x16xi32, #tpu.memory_space<vmem>>, vector<1x1x16xi32>,
      %get3A_1706 = vector.shape_cast %get3A_1705 : vector<1x1x16xi32> to vector<16xi32>
      %shift_left3A_1707 = arith.constant 16 : i32
      %shift_left3A_1708 = vector.broadcast %shift_left3A_1707 : i32 to vector<16xi32>
      %shift_left3A_1709 = arith.shli %get3A_1701, %shift_left3A_1708 : vector<16xi32>
      %bitcast_convert_type3A_1710 = tpu.bitcast %shift_left3A_1709 : vector<16xi32> -> vector<16xf32>
      %shift_left3A_1711 = arith.constant 16 : i32
      %shift_left3A_1712 = vector.broadcast %shift_left3A_1711 : i32 to vector<16xi32>
      %shift_left3A_1713 = arith.shli %get3A_1706, %shift_left3A_1712 : vector<16xi32>
      %bitcast_convert_type3A_1714 = tpu.bitcast %shift_left3A_1713 : vector<16xi32> -> vector<16xf32>
      %mul3A_1715 = arith.mulf %bitcast_convert_type3A_1710, %bitcast_convert_type3A_1714 : vector<16xf32>
      %and3A_1716 = arith.constant -65536 : i32
      %and3A_1717 = vector.broadcast %and3A_1716 : i32 to vector<16xi32>
      %and3A_1718 = arith.andi %get3A_1701, %and3A_1717 : vector<16xi32>
      %bitcast_convert_type3A_1719 = tpu.bitcast %and3A_1718 : vector<16xi32> -> vector<16xf32>
      %and3A_1720 = arith.constant -65536 : i32
      %and3A_1721 = vector.broadcast %and3A_1720 : i32 to vector<16xi32>
      %and3A_1722 = arith.andi %get3A_1706, %and3A_1721 : vector<16xi32>
      %bitcast_convert_type3A_1723 = tpu.bitcast %and3A_1722 : vector<16xi32> -> vector<16xf32>
      %mul3A_1724 = arith.mulf %bitcast_convert_type3A_1719, %bitcast_convert_type3A_1723 : vector<16xf32>
      %add3A_1725 = arith.addf %mul3A_1715, %mul3A_1724 : vector<16xf32>
      %eq3A_1726 = arith.constant 14 : i32
      %eq3A_1727 = vector.broadcast %eq3A_1726 : i32 to vector<16xi32>
      %eq3A_1728 = arith.cmpi eq, %iota3A, %eq3A_1727 : vector<16xi32>
      %xor3A_1729 = arith.constant 8 : i32
      %xor3A_1730 = vector.broadcast %xor3A_1729 : i32 to vector<16xi32>
      %xor3A_1731 = arith.xori %iota3A, %xor3A_1730 : vector<16xi32>
      %lt3A_1732 = arith.constant 0 : i32
      %lt3A_1733 = vector.broadcast %lt3A_1732 : i32 to vector<16xi32>
      %lt3A_1734 = arith.cmpi slt, %xor3A_1731, %lt3A_1733 : vector<16xi32>
      %add3A_1735 = arith.constant 16 : i32
      %add3A_1736 = vector.broadcast %add3A_1735 : i32 to vector<16xi32>
      %add3A_1737 = arith.addi %xor3A_1731, %add3A_1736 : vector<16xi32>
      %select_n3A_1738 = arith.select %lt3A_1734, %add3A_1737, %xor3A_1731 : vector<16xi1>, vector<16xi32>
      %reshape3A_1739 = vector.shape_cast %select_n3A_1738 : vector<16xi32> to vector<16x1xi32>
      %gather3A_1740 = vector.shape_cast %reshape3A_1739 : vector<16x1xi32> to vector<16xi32>
      %gather3A_1741 = tpu.dynamic_gather %add3A_1725[%gather3A_1740] in [0] : vector<16xf32>, vector<16xi32> -> vector<16xf32>
      %add3A_1742 = arith.addf %add3A_1725, %gather3A_1741 : vector<16xf32>
      %xor3A_1743 = arith.constant 4 : i32
      %xor3A_1744 = vector.broadcast %xor3A_1743 : i32 to vector<16xi32>
      %xor3A_1745 = arith.xori %iota3A, %xor3A_1744 : vector<16xi32>
      %lt3A_1746 = arith.constant 0 : i32
      %lt3A_1747 = vector.broadcast %lt3A_1746 : i32 to vector<16xi32>
      %lt3A_1748 = arith.cmpi slt, %xor3A_1745, %lt3A_1747 : vector<16xi32>
      %add3A_1749 = arith.constant 16 : i32
      %add3A_1750 = vector.broadcast %add3A_1749 : i32 to vector<16xi32>
      %add3A_1751 = arith.addi %xor3A_1745, %add3A_1750 : vector<16xi32>
      %select_n3A_1752 = arith.select %lt3A_1748, %add3A_1751, %xor3A_1745 : vector<16xi1>, vector<16xi32>
      %reshape3A_1753 = vector.shape_cast %select_n3A_1752 : vector<16xi32> to vector<16x1xi32>
      %gather3A_1754 = vector.shape_cast %reshape3A_1753 : vector<16x1xi32> to vector<16xi32>
      %gather3A_1755 = tpu.dynamic_gather %add3A_1742[%gather3A_1754] in [0] : vector<16xf32>, vector<16xi32> -> vector<16xf32>
      %add3A_1756 = arith.addf %add3A_1742, %gather3A_1755 : vector<16xf32>
      %xor3A_1757 = arith.constant 2 : i32
      %xor3A_1758 = vector.broadcast %xor3A_1757 : i32 to vector<16xi32>
      %xor3A_1759 = arith.xori %iota3A, %xor3A_1758 : vector<16xi32>
      %lt3A_1760 = arith.constant 0 : i32
      %lt3A_1761 = vector.broadcast %lt3A_1760 : i32 to vector<16xi32>
      %lt3A_1762 = arith.cmpi slt, %xor3A_1759, %lt3A_1761 : vector<16xi32>
      %add3A_1763 = arith.constant 16 : i32
      %add3A_1764 = vector.broadcast %add3A_1763 : i32 to vector<16xi32>
      %add3A_1765 = arith.addi %xor3A_1759, %add3A_1764 : vector<16xi32>
      %select_n3A_1766 = arith.select %lt3A_1762, %add3A_1765, %xor3A_1759 : vector<16xi1>, vector<16xi32>
      %reshape3A_1767 = vector.shape_cast %select_n3A_1766 : vector<16xi32> to vector<16x1xi32>
      %gather3A_1768 = vector.shape_cast %reshape3A_1767 : vector<16x1xi32> to vector<16xi32>
      %gather3A_1769 = tpu.dynamic_gather %add3A_1756[%gather3A_1768] in [0] : vector<16xf32>, vector<16xi32> -> vector<16xf32>
      %add3A_1770 = arith.addf %add3A_1756, %gather3A_1769 : vector<16xf32>
      %xor3A_1771 = arith.constant 1 : i32
      %xor3A_1772 = vector.broadcast %xor3A_1771 : i32 to vector<16xi32>
      %xor3A_1773 = arith.xori %iota3A, %xor3A_1772 : vector<16xi32>
      %lt3A_1774 = arith.constant 0 : i32
      %lt3A_1775 = vector.broadcast %lt3A_1774 : i32 to vector<16xi32>
      %lt3A_1776 = arith.cmpi slt, %xor3A_1773, %lt3A_1775 : vector<16xi32>
      %add3A_1777 = arith.constant 16 : i32
      %add3A_1778 = vector.broadcast %add3A_1777 : i32 to vector<16xi32>
      %add3A_1779 = arith.addi %xor3A_1773, %add3A_1778 : vector<16xi32>
      %select_n3A_1780 = arith.select %lt3A_1776, %add3A_1779, %xor3A_1773 : vector<16xi1>, vector<16xi32>
      %reshape3A_1781 = vector.shape_cast %select_n3A_1780 : vector<16xi32> to vector<16x1xi32>
      %gather3A_1782 = vector.shape_cast %reshape3A_1781 : vector<16x1xi32> to vector<16xi32>
      %gather3A_1783 = tpu.dynamic_gather %add3A_1770[%gather3A_1782] in [0] : vector<16xf32>, vector<16xi32> -> vector<16xf32>
      %add3A_1784 = arith.addf %add3A_1770, %gather3A_1783 : vector<16xf32>
      %select_n3A_1785 = arith.select %eq3A_1728, %add3A_1784, %select_n3A_1694 : vector<16xi1>, vector<16xf32>
      %add3A_1786 = arith.constant 15 : i32
      %add3A_1787 = arith.addi %mul3A_425, %add3A_1786 : i32
      %get3A_1788 = arith.index_cast %select_n3A : i32 to index
      %get3A_1789 = arith.index_cast %add3A_1787 : i32 to index
      %get3A_1790 = arith.constant 0 : index
      %get3A_1791 = tpu.vector_load %arg11[%get3A_1788, %get3A_1789, %get3A_1790] {strides = array<i32>} : memref<4x128x16xi32, #tpu.memory_space<vmem>>, vector<1x1x16xi32>,
      %get3A_1792 = vector.shape_cast %get3A_1791 : vector<1x1x16xi32> to vector<16xi32>
      %get3A_1793 = arith.index_cast %select_n3A : i32 to index
      %get3A_1794 = arith.index_cast %add3A_1787 : i32 to index
      %get3A_1795 = arith.constant 0 : index
      %get3A_1796 = tpu.vector_load %arg12[%get3A_1793, %get3A_1794, %get3A_1795] {strides = array<i32>} : memref<4x128x16xi32, #tpu.memory_space<vmem>>, vector<1x1x16xi32>,
      %get3A_1797 = vector.shape_cast %get3A_1796 : vector<1x1x16xi32> to vector<16xi32>
      %shift_left3A_1798 = arith.constant 16 : i32
      %shift_left3A_1799 = vector.broadcast %shift_left3A_1798 : i32 to vector<16xi32>
      %shift_left3A_1800 = arith.shli %get3A_1792, %shift_left3A_1799 : vector<16xi32>
      %bitcast_convert_type3A_1801 = tpu.bitcast %shift_left3A_1800 : vector<16xi32> -> vector<16xf32>
      %shift_left3A_1802 = arith.constant 16 : i32
      %shift_left3A_1803 = vector.broadcast %shift_left3A_1802 : i32 to vector<16xi32>
      %shift_left3A_1804 = arith.shli %get3A_1797, %shift_left3A_1803 : vector<16xi32>
      %bitcast_convert_type3A_1805 = tpu.bitcast %shift_left3A_1804 : vector<16xi32> -> vector<16xf32>
      %mul3A_1806 = arith.mulf %bitcast_convert_type3A_1801, %bitcast_convert_type3A_1805 : vector<16xf32>
      %and3A_1807 = arith.constant -65536 : i32
      %and3A_1808 = vector.broadcast %and3A_1807 : i32 to vector<16xi32>
      %and3A_1809 = arith.andi %get3A_1792, %and3A_1808 : vector<16xi32>
      %bitcast_convert_type3A_1810 = tpu.bitcast %and3A_1809 : vector<16xi32> -> vector<16xf32>
      %and3A_1811 = arith.constant -65536 : i32
      %and3A_1812 = vector.broadcast %and3A_1811 : i32 to vector<16xi32>
      %and3A_1813 = arith.andi %get3A_1797, %and3A_1812 : vector<16xi32>
      %bitcast_convert_type3A_1814 = tpu.bitcast %and3A_1813 : vector<16xi32> -> vector<16xf32>
      %mul3A_1815 = arith.mulf %bitcast_convert_type3A_1810, %bitcast_convert_type3A_1814 : vector<16xf32>
      %add3A_1816 = arith.addf %mul3A_1806, %mul3A_1815 : vector<16xf32>
      %eq3A_1817 = arith.constant 15 : i32
      %eq3A_1818 = vector.broadcast %eq3A_1817 : i32 to vector<16xi32>
      %eq3A_1819 = arith.cmpi eq, %iota3A, %eq3A_1818 : vector<16xi32>
      %xor3A_1820 = arith.constant 8 : i32
      %xor3A_1821 = vector.broadcast %xor3A_1820 : i32 to vector<16xi32>
      %xor3A_1822 = arith.xori %iota3A, %xor3A_1821 : vector<16xi32>
      %lt3A_1823 = arith.constant 0 : i32
      %lt3A_1824 = vector.broadcast %lt3A_1823 : i32 to vector<16xi32>
      %lt3A_1825 = arith.cmpi slt, %xor3A_1822, %lt3A_1824 : vector<16xi32>
      %add3A_1826 = arith.constant 16 : i32
      %add3A_1827 = vector.broadcast %add3A_1826 : i32 to vector<16xi32>
      %add3A_1828 = arith.addi %xor3A_1822, %add3A_1827 : vector<16xi32>
      %select_n3A_1829 = arith.select %lt3A_1825, %add3A_1828, %xor3A_1822 : vector<16xi1>, vector<16xi32>
      %reshape3A_1830 = vector.shape_cast %select_n3A_1829 : vector<16xi32> to vector<16x1xi32>
      %gather3A_1831 = vector.shape_cast %reshape3A_1830 : vector<16x1xi32> to vector<16xi32>
      %gather3A_1832 = tpu.dynamic_gather %add3A_1816[%gather3A_1831] in [0] : vector<16xf32>, vector<16xi32> -> vector<16xf32>
      %add3A_1833 = arith.addf %add3A_1816, %gather3A_1832 : vector<16xf32>
      %xor3A_1834 = arith.constant 4 : i32
      %xor3A_1835 = vector.broadcast %xor3A_1834 : i32 to vector<16xi32>
      %xor3A_1836 = arith.xori %iota3A, %xor3A_1835 : vector<16xi32>
      %lt3A_1837 = arith.constant 0 : i32
      %lt3A_1838 = vector.broadcast %lt3A_1837 : i32 to vector<16xi32>
      %lt3A_1839 = arith.cmpi slt, %xor3A_1836, %lt3A_1838 : vector<16xi32>
      %add3A_1840 = arith.constant 16 : i32
      %add3A_1841 = vector.broadcast %add3A_1840 : i32 to vector<16xi32>
      %add3A_1842 = arith.addi %xor3A_1836, %add3A_1841 : vector<16xi32>
      %select_n3A_1843 = arith.select %lt3A_1839, %add3A_1842, %xor3A_1836 : vector<16xi1>, vector<16xi32>
      %reshape3A_1844 = vector.shape_cast %select_n3A_1843 : vector<16xi32> to vector<16x1xi32>
      %gather3A_1845 = vector.shape_cast %reshape3A_1844 : vector<16x1xi32> to vector<16xi32>
      %gather3A_1846 = tpu.dynamic_gather %add3A_1833[%gather3A_1845] in [0] : vector<16xf32>, vector<16xi32> -> vector<16xf32>
      %add3A_1847 = arith.addf %add3A_1833, %gather3A_1846 : vector<16xf32>
      %xor3A_1848 = arith.constant 2 : i32
      %xor3A_1849 = vector.broadcast %xor3A_1848 : i32 to vector<16xi32>
      %xor3A_1850 = arith.xori %iota3A, %xor3A_1849 : vector<16xi32>
      %lt3A_1851 = arith.constant 0 : i32
      %lt3A_1852 = vector.broadcast %lt3A_1851 : i32 to vector<16xi32>
      %lt3A_1853 = arith.cmpi slt, %xor3A_1850, %lt3A_1852 : vector<16xi32>
      %add3A_1854 = arith.constant 16 : i32
      %add3A_1855 = vector.broadcast %add3A_1854 : i32 to vector<16xi32>
      %add3A_1856 = arith.addi %xor3A_1850, %add3A_1855 : vector<16xi32>
      %select_n3A_1857 = arith.select %lt3A_1853, %add3A_1856, %xor3A_1850 : vector<16xi1>, vector<16xi32>
      %reshape3A_1858 = vector.shape_cast %select_n3A_1857 : vector<16xi32> to vector<16x1xi32>
      %gather3A_1859 = vector.shape_cast %reshape3A_1858 : vector<16x1xi32> to vector<16xi32>
      %gather3A_1860 = tpu.dynamic_gather %add3A_1847[%gather3A_1859] in [0] : vector<16xf32>, vector<16xi32> -> vector<16xf32>
      %add3A_1861 = arith.addf %add3A_1847, %gather3A_1860 : vector<16xf32>
      %xor3A_1862 = arith.constant 1 : i32
      %xor3A_1863 = vector.broadcast %xor3A_1862 : i32 to vector<16xi32>
      %xor3A_1864 = arith.xori %iota3A, %xor3A_1863 : vector<16xi32>
      %lt3A_1865 = arith.constant 0 : i32
      %lt3A_1866 = vector.broadcast %lt3A_1865 : i32 to vector<16xi32>
      %lt3A_1867 = arith.cmpi slt, %xor3A_1864, %lt3A_1866 : vector<16xi32>
      %add3A_1868 = arith.constant 16 : i32
      %add3A_1869 = vector.broadcast %add3A_1868 : i32 to vector<16xi32>
      %add3A_1870 = arith.addi %xor3A_1864, %add3A_1869 : vector<16xi32>
      %select_n3A_1871 = arith.select %lt3A_1867, %add3A_1870, %xor3A_1864 : vector<16xi1>, vector<16xi32>
      %reshape3A_1872 = vector.shape_cast %select_n3A_1871 : vector<16xi32> to vector<16x1xi32>
      %gather3A_1873 = vector.shape_cast %reshape3A_1872 : vector<16x1xi32> to vector<16xi32>
      %gather3A_1874 = tpu.dynamic_gather %add3A_1861[%gather3A_1873] in [0] : vector<16xf32>, vector<16xi32> -> vector<16xf32>
      %add3A_1875 = arith.addf %add3A_1861, %gather3A_1874 : vector<16xf32>
      %select_n3A_1876 = arith.select %eq3A_1819, %add3A_1875, %select_n3A_1785 : vector<16xi1>, vector<16xf32>
      %get3A_1877 = arith.index_cast %select_n3A : i32 to index
      %get3A_1878 = arith.index_cast %mul3A_425 : i32 to index
      %get3A_1879 = tpu.vector_load %arg13[%get3A_1877, %get3A_1878] {strides = array<i32>} : memref<4x128xf32, #tpu.memory_space<vmem>>, vector<1x16xf32>,
      %get3A_1880 = vector.shape_cast %get3A_1879 : vector<1x16xf32> to vector<16xf32>
      %add3A_1881 = arith.addf %select_n3A_1876, %get3A_1880 : vector<16xf32>
      %get3A_1882 = arith.index_cast %select_n3A : i32 to index
      %get3A_1883 = arith.index_cast %mul3A_425 : i32 to index
      %get3A_1884 = tpu.vector_load %arg14[%get3A_1882, %get3A_1883] {strides = array<i32>} : memref<4x128xf32, #tpu.memory_space<vmem>>, vector<1x16xf32>,
      %get3A_1885 = vector.shape_cast %get3A_1884 : vector<1x16xf32> to vector<16xf32>
      %add3A_1886 = arith.addf %add3A_1881, %get3A_1885 : vector<16xf32>
      %swap3A = arith.index_cast %select_n3A : i32 to index
      %swap3A_1887 = arith.index_cast %mul3A_425 : i32 to index
      %swap3A_1888 = tpu.vector_load %arg15[%swap3A, %swap3A_1887] {strides = array<i32>} : memref<4x128xf32, #tpu.memory_space<vmem>>, vector<1x16xf32>,
      %swap3A_1889 = vector.shape_cast %swap3A_1888 : vector<1x16xf32> to vector<16xf32>
      %swap3A_1890 = vector.shape_cast %add3A_1886 : vector<16xf32> to vector<1x16xf32>
      tpu.vector_store %arg15[%swap3A, %swap3A_1887], %swap3A_1890 {strides = array<i32>} : memref<4x128xf32, #tpu.memory_space<vmem>>, vector<1x16xf32>,
    }
    %scan3A_380 = arith.constant 32 : i32
    %add3A_381 = arith.constant 0 : i32
    %add3A_382 = arith.addi %mul3A_2, %add3A_381 : i32
    %run_scoped3A_383 = arith.constant 0 : i32
    "tpu.region"() ({
      %run_scoped3A_393 = tpu.sem_alloc : memref<!tpu.dma_semaphore, #tpu.memory_space<semaphore_mem>>
      %dma_start3A_394 = arith.constant 0 : i32
      %dma_start3A_395 = tpu.memref_slice %arg15[%run_scoped3A_383, %dma_start3A_394] : memref<4x128xf32, #tpu.memory_space<vmem>> -> memref<1x128xf32, #tpu.memory_space<vmem>>
      %dma_start3A_396 = tpu.memref_squeeze %dma_start3A_395 : memref<1x128xf32, #tpu.memory_space<vmem>> -> memref<128xf32, #tpu.memory_space<vmem>>
      %dma_start3A_397 = tpu.memref_slice %arg8[%add3A_382] : memref<16384xf32, #tpu.memory_space<hbm>> -> memref<128xf32, #tpu.memory_space<hbm>>
      %dma_start3A_398 = tpu.memref_slice %arg8[%add3A_382] : memref<16384xf32, #tpu.memory_space<hbm>> -> memref<128xf32, #tpu.memory_space<hbm>>
      %dma_start3A_399 = arith.constant 0 : i32
      %dma_start3A_400 = tpu.memref_slice %arg15[%run_scoped3A_383, %dma_start3A_399] : memref<4x128xf32, #tpu.memory_space<vmem>> -> memref<1x128xf32, #tpu.memory_space<vmem>>
      %dma_start3A_401 = tpu.memref_squeeze %dma_start3A_400 : memref<1x128xf32, #tpu.memory_space<vmem>> -> memref<128xf32, #tpu.memory_space<vmem>>
      tpu.enqueue_dma source(%dma_start3A_401 : memref<128xf32, #tpu.memory_space<vmem>>) target(%dma_start3A_398 : memref<128xf32, #tpu.memory_space<hbm>>) target_semaphore(%run_scoped3A_393 : memref<!tpu.dma_semaphore, #tpu.memory_space<semaphore_mem>>)
      %dma_wait3A_402 = arith.constant 0 : i32
      %dma_wait3A_403 = tpu.memref_slice %arg15[%run_scoped3A_383, %dma_wait3A_402] : memref<4x128xf32, #tpu.memory_space<vmem>> -> memref<1x128xf32, #tpu.memory_space<vmem>>
      %dma_wait3A_404 = tpu.memref_squeeze %dma_wait3A_403 : memref<1x128xf32, #tpu.memory_space<vmem>> -> memref<128xf32, #tpu.memory_space<vmem>>
      %dma_wait3A_405 = tpu.memref_slice %arg8[%add3A_382] : memref<16384xf32, #tpu.memory_space<hbm>> -> memref<128xf32, #tpu.memory_space<hbm>>
      %dma_wait3A_406 = tpu.memref_slice %arg8[%add3A_382] : memref<16384xf32, #tpu.memory_space<hbm>> -> memref<128xf32, #tpu.memory_space<hbm>>
      %dma_wait3A_407 = arith.constant 0 : i32
      %dma_wait3A_408 = tpu.memref_slice %arg15[%run_scoped3A_383, %dma_wait3A_407] : memref<4x128xf32, #tpu.memory_space<vmem>> -> memref<1x128xf32, #tpu.memory_space<vmem>>
      %dma_wait3A_409 = tpu.memref_squeeze %dma_wait3A_408 : memref<1x128xf32, #tpu.memory_space<vmem>> -> memref<128xf32, #tpu.memory_space<vmem>>
      tpu.wait_dma2 semaphore(%run_scoped3A_393 : memref<!tpu.dma_semaphore, #tpu.memory_space<semaphore_mem>>) src(%dma_wait3A_409 : memref<128xf32, #tpu.memory_space<vmem>>) dst(%dma_wait3A_406 : memref<128xf32, #tpu.memory_space<hbm>>)
      tpu.yield
    }) : () -> ()
    %add3A_384 = arith.constant 128 : i32
    %add3A_385 = arith.addi %mul3A_2, %add3A_384 : i32
    %run_scoped3A_386 = arith.constant 1 : i32
    "tpu.region"() ({
      %run_scoped3A_393 = tpu.sem_alloc : memref<!tpu.dma_semaphore, #tpu.memory_space<semaphore_mem>>
      %dma_start3A_394 = arith.constant 0 : i32
      %dma_start3A_395 = tpu.memref_slice %arg15[%run_scoped3A_386, %dma_start3A_394] : memref<4x128xf32, #tpu.memory_space<vmem>> -> memref<1x128xf32, #tpu.memory_space<vmem>>
      %dma_start3A_396 = tpu.memref_squeeze %dma_start3A_395 : memref<1x128xf32, #tpu.memory_space<vmem>> -> memref<128xf32, #tpu.memory_space<vmem>>
      %dma_start3A_397 = tpu.memref_slice %arg8[%add3A_385] : memref<16384xf32, #tpu.memory_space<hbm>> -> memref<128xf32, #tpu.memory_space<hbm>>
      %dma_start3A_398 = tpu.memref_slice %arg8[%add3A_385] : memref<16384xf32, #tpu.memory_space<hbm>> -> memref<128xf32, #tpu.memory_space<hbm>>
      %dma_start3A_399 = arith.constant 0 : i32
      %dma_start3A_400 = tpu.memref_slice %arg15[%run_scoped3A_386, %dma_start3A_399] : memref<4x128xf32, #tpu.memory_space<vmem>> -> memref<1x128xf32, #tpu.memory_space<vmem>>
      %dma_start3A_401 = tpu.memref_squeeze %dma_start3A_400 : memref<1x128xf32, #tpu.memory_space<vmem>> -> memref<128xf32, #tpu.memory_space<vmem>>
      tpu.enqueue_dma source(%dma_start3A_401 : memref<128xf32, #tpu.memory_space<vmem>>) target(%dma_start3A_398 : memref<128xf32, #tpu.memory_space<hbm>>) target_semaphore(%run_scoped3A_393 : memref<!tpu.dma_semaphore, #tpu.memory_space<semaphore_mem>>)
      %dma_wait3A_402 = arith.constant 0 : i32
      %dma_wait3A_403 = tpu.memref_slice %arg15[%run_scoped3A_386, %dma_wait3A_402] : memref<4x128xf32, #tpu.memory_space<vmem>> -> memref<1x128xf32, #tpu.memory_space<vmem>>
      %dma_wait3A_404 = tpu.memref_squeeze %dma_wait3A_403 : memref<1x128xf32, #tpu.memory_space<vmem>> -> memref<128xf32, #tpu.memory_space<vmem>>
      %dma_wait3A_405 = tpu.memref_slice %arg8[%add3A_385] : memref<16384xf32, #tpu.memory_space<hbm>> -> memref<128xf32, #tpu.memory_space<hbm>>
      %dma_wait3A_406 = tpu.memref_slice %arg8[%add3A_385] : memref<16384xf32, #tpu.memory_space<hbm>> -> memref<128xf32, #tpu.memory_space<hbm>>
      %dma_wait3A_407 = arith.constant 0 : i32
      %dma_wait3A_408 = tpu.memref_slice %arg15[%run_scoped3A_386, %dma_wait3A_407] : memref<4x128xf32, #tpu.memory_space<vmem>> -> memref<1x128xf32, #tpu.memory_space<vmem>>
      %dma_wait3A_409 = tpu.memref_squeeze %dma_wait3A_408 : memref<1x128xf32, #tpu.memory_space<vmem>> -> memref<128xf32, #tpu.memory_space<vmem>>
      tpu.wait_dma2 semaphore(%run_scoped3A_393 : memref<!tpu.dma_semaphore, #tpu.memory_space<semaphore_mem>>) src(%dma_wait3A_409 : memref<128xf32, #tpu.memory_space<vmem>>) dst(%dma_wait3A_406 : memref<128xf32, #tpu.memory_space<hbm>>)
      tpu.yield
    }) : () -> ()
    %add3A_387 = arith.constant 256 : i32
    %add3A_388 = arith.addi %mul3A_2, %add3A_387 : i32
    %run_scoped3A_389 = arith.constant 2 : i32
    "tpu.region"() ({
      %run_scoped3A_393 = tpu.sem_alloc : memref<!tpu.dma_semaphore, #tpu.memory_space<semaphore_mem>>
      %dma_start3A_394 = arith.constant 0 : i32
      %dma_start3A_395 = tpu.memref_slice %arg15[%run_scoped3A_389, %dma_start3A_394] : memref<4x128xf32, #tpu.memory_space<vmem>> -> memref<1x128xf32, #tpu.memory_space<vmem>>
      %dma_start3A_396 = tpu.memref_squeeze %dma_start3A_395 : memref<1x128xf32, #tpu.memory_space<vmem>> -> memref<128xf32, #tpu.memory_space<vmem>>
      %dma_start3A_397 = tpu.memref_slice %arg8[%add3A_388] : memref<16384xf32, #tpu.memory_space<hbm>> -> memref<128xf32, #tpu.memory_space<hbm>>
      %dma_start3A_398 = tpu.memref_slice %arg8[%add3A_388] : memref<16384xf32, #tpu.memory_space<hbm>> -> memref<128xf32, #tpu.memory_space<hbm>>
      %dma_start3A_399 = arith.constant 0 : i32
      %dma_start3A_400 = tpu.memref_slice %arg15[%run_scoped3A_389, %dma_start3A_399] : memref<4x128xf32, #tpu.memory_space<vmem>> -> memref<1x128xf32, #tpu.memory_space<vmem>>
      %dma_start3A_401 = tpu.memref_squeeze %dma_start3A_400 : memref<1x128xf32, #tpu.memory_space<vmem>> -> memref<128xf32, #tpu.memory_space<vmem>>
      tpu.enqueue_dma source(%dma_start3A_401 : memref<128xf32, #tpu.memory_space<vmem>>) target(%dma_start3A_398 : memref<128xf32, #tpu.memory_space<hbm>>) target_semaphore(%run_scoped3A_393 : memref<!tpu.dma_semaphore, #tpu.memory_space<semaphore_mem>>)
      %dma_wait3A_402 = arith.constant 0 : i32
      %dma_wait3A_403 = tpu.memref_slice %arg15[%run_scoped3A_389, %dma_wait3A_402] : memref<4x128xf32, #tpu.memory_space<vmem>> -> memref<1x128xf32, #tpu.memory_space<vmem>>
      %dma_wait3A_404 = tpu.memref_squeeze %dma_wait3A_403 : memref<1x128xf32, #tpu.memory_space<vmem>> -> memref<128xf32, #tpu.memory_space<vmem>>
      %dma_wait3A_405 = tpu.memref_slice %arg8[%add3A_388] : memref<16384xf32, #tpu.memory_space<hbm>> -> memref<128xf32, #tpu.memory_space<hbm>>
      %dma_wait3A_406 = tpu.memref_slice %arg8[%add3A_388] : memref<16384xf32, #tpu.memory_space<hbm>> -> memref<128xf32, #tpu.memory_space<hbm>>
      %dma_wait3A_407 = arith.constant 0 : i32
      %dma_wait3A_408 = tpu.memref_slice %arg15[%run_scoped3A_389, %dma_wait3A_407] : memref<4x128xf32, #tpu.memory_space<vmem>> -> memref<1x128xf32, #tpu.memory_space<vmem>>
      %dma_wait3A_409 = tpu.memref_squeeze %dma_wait3A_408 : memref<1x128xf32, #tpu.memory_space<vmem>> -> memref<128xf32, #tpu.memory_space<vmem>>
      tpu.wait_dma2 semaphore(%run_scoped3A_393 : memref<!tpu.dma_semaphore, #tpu.memory_space<semaphore_mem>>) src(%dma_wait3A_409 : memref<128xf32, #tpu.memory_space<vmem>>) dst(%dma_wait3A_406 : memref<128xf32, #tpu.memory_space<hbm>>)
      tpu.yield
    }) : () -> ()
    %add3A_390 = arith.constant 384 : i32
    %add3A_391 = arith.addi %mul3A_2, %add3A_390 : i32
    %run_scoped3A_392 = arith.constant 3 : i32
    "tpu.region"() ({
      %run_scoped3A_393 = tpu.sem_alloc : memref<!tpu.dma_semaphore, #tpu.memory_space<semaphore_mem>>
      %dma_start3A_394 = arith.constant 0 : i32
      %dma_start3A_395 = tpu.memref_slice %arg15[%run_scoped3A_392, %dma_start3A_394] : memref<4x128xf32, #tpu.memory_space<vmem>> -> memref<1x128xf32, #tpu.memory_space<vmem>>
      %dma_start3A_396 = tpu.memref_squeeze %dma_start3A_395 : memref<1x128xf32, #tpu.memory_space<vmem>> -> memref<128xf32, #tpu.memory_space<vmem>>
      %dma_start3A_397 = tpu.memref_slice %arg8[%add3A_391] : memref<16384xf32, #tpu.memory_space<hbm>> -> memref<128xf32, #tpu.memory_space<hbm>>
      %dma_start3A_398 = tpu.memref_slice %arg8[%add3A_391] : memref<16384xf32, #tpu.memory_space<hbm>> -> memref<128xf32, #tpu.memory_space<hbm>>
      %dma_start3A_399 = arith.constant 0 : i32
      %dma_start3A_400 = tpu.memref_slice %arg15[%run_scoped3A_392, %dma_start3A_399] : memref<4x128xf32, #tpu.memory_space<vmem>> -> memref<1x128xf32, #tpu.memory_space<vmem>>
      %dma_start3A_401 = tpu.memref_squeeze %dma_start3A_400 : memref<1x128xf32, #tpu.memory_space<vmem>> -> memref<128xf32, #tpu.memory_space<vmem>>
      tpu.enqueue_dma source(%dma_start3A_401 : memref<128xf32, #tpu.memory_space<vmem>>) target(%dma_start3A_398 : memref<128xf32, #tpu.memory_space<hbm>>) target_semaphore(%run_scoped3A_393 : memref<!tpu.dma_semaphore, #tpu.memory_space<semaphore_mem>>)
      %dma_wait3A_402 = arith.constant 0 : i32
      %dma_wait3A_403 = tpu.memref_slice %arg15[%run_scoped3A_392, %dma_wait3A_402] : memref<4x128xf32, #tpu.memory_space<vmem>> -> memref<1x128xf32, #tpu.memory_space<vmem>>
      %dma_wait3A_404 = tpu.memref_squeeze %dma_wait3A_403 : memref<1x128xf32, #tpu.memory_space<vmem>> -> memref<128xf32, #tpu.memory_space<vmem>>
      %dma_wait3A_405 = tpu.memref_slice %arg8[%add3A_391] : memref<16384xf32, #tpu.memory_space<hbm>> -> memref<128xf32, #tpu.memory_space<hbm>>
      %dma_wait3A_406 = tpu.memref_slice %arg8[%add3A_391] : memref<16384xf32, #tpu.memory_space<hbm>> -> memref<128xf32, #tpu.memory_space<hbm>>
      %dma_wait3A_407 = arith.constant 0 : i32
      %dma_wait3A_408 = tpu.memref_slice %arg15[%run_scoped3A_392, %dma_wait3A_407] : memref<4x128xf32, #tpu.memory_space<vmem>> -> memref<1x128xf32, #tpu.memory_space<vmem>>
      %dma_wait3A_409 = tpu.memref_squeeze %dma_wait3A_408 : memref<1x128xf32, #tpu.memory_space<vmem>> -> memref<128xf32, #tpu.memory_space<vmem>>
      tpu.wait_dma2 semaphore(%run_scoped3A_393 : memref<!tpu.dma_semaphore, #tpu.memory_space<semaphore_mem>>) src(%dma_wait3A_409 : memref<128xf32, #tpu.memory_space<vmem>>) dst(%dma_wait3A_406 : memref<128xf32, #tpu.memory_space<hbm>>)
      tpu.yield
    }) : () -> ()
    return
  }
}

</mosaic_0001>

<sc_bundles>
// kernel: kernel.3.cloned.1.call-start
scs
__scs_entry_jumppad:
0x0: {  	(pc) =	sbr.rel $0x88, $3  }
0x1: {  	(tag) =	ssettag $0x0;
	lr =	simm.s32 $0x1  }
0x2: {  	[smem:$0x3F9B] =	sst lr;
	_ =	strace $0xD0000000  }
0x3: {  	_ = 	snop  }
0x4: {  	_ = 	snop  }
0x5: {  	_ = 	snop  }
0x6: {  	_ = 	snop  }
0x7: {  	_ = 	snop  }
__scs_overlays_trampoline_lowered:
0x8: {  	[smem:$0x3FAA] =	sst s0  }
0x9: {  	[smem:$0x3FAB] =	sst s1  }
0xa: {  	[smem:$0x3FAC] =	sst s2  }
0xb: {  	[smem:$0x3FAD] =	sst s3  }
0xc: {  	[smem:$0x3FAE] =	sst s4  }
0xd: {  	[smem:$0x3FAF] =	sst s5  }
0xe: {  	[smem:$0x3FB0] =	sst s6  }
0xf: {  	[smem:$0x3FB1] =	sst s7  }
0x10: {  	[smem:$0x3FB2] =	sst s8  }
0x11: {  	[smem:$0x3FB3] =	sst s9;
	s0 =	simm.s32 @!p0 $0x0  }
0x12: {  	s1 =	sld [smem:$0x3F99];
	s0 =	simm.s32 @p0 $0x1  }
0x13: {  	[smem:$0x3FB4] =	sst s0;
	s0 =	simm.s32 @!p1 $0x0  }
0x14: {  	s2 =	sld [smem:$0x3F98];
	s0 =	simm.s32 @p1 $0x1  }
0x15: {  	[smem:$0x3FB5] =	sst s0;
	s0 =	simm.s32 @!p2 $0x0  }
0x16: {  	s3 =	sld [smem:$0x3FDB];
	s0 =	simm.s32 @p2 $0x1  }
0x17: {  	s4 =	simm.s32 $0x1BF5;
	[smem:$0x3FB7] =	sst s0  }
0x18: {  	s0 =	sld [smem:$0x3F9A];
	_ =	swait.ge [sflag:s4], $0x0  }
0x19: {  	s7 =	sld [smem:$0x3F9B]  }
0x1a: {  	s8 =	sadd.s32 $0xFFFFE003, lr  }
0x1b: {  	s9 =	sadd.s32 $0xFFFFFEF7, lr;
	s5 =	simm.s32 $0xFFFFFFFF;
	p2 =	slt.u32 s8, $0xFFFFF086  }
0x1c: {  	p1 =	slt.u32 s9, $0xF7A;
	s5 =	simm.s32 @!p2 $0x0  }
0x1d: {  	s5 =	simm.s32 @p1 $0x1;
	p0 =	seq.s32 s7, s2  }
0x1e: {  	s7 =	smul.u32 @!p0 $0xF7A, s2;
	p2 =	seq.s32 @!p0 s5, $0x0  }
0x1f: {  	s9 =	smul.u32 $0xF7A, s1;
	s8 =	simm.s32 @!p0 $0x1BF5;
	p2 =	por !p2, p0  }
0x20: {  	[sflag:s8] =	ssyncset.s32 @!p0 $0xFFFFF086;
	s6 =	sadd.s32 @!p0 s3, s7;
	s7 =	simm.s32 @!p0 $0x108  }
0x21: {  	s3 =	sadd.s32 s3, s9;
	s6 =	sadd.s32 @!p0 $0x88, s6;
	s7 =	simm.s32 @p2 $0x1082  }
0x22: {  	[simem:s7], [sflag:s8] =	dma.local @!p0 [hbm:s6], $0xF7A  }
0x23: {  	s9 =	sor.u32 $0xD0000000, s2;
	s6 =	simm.s32 $0x108;
	_ =	swait.ge @!p0 [sflag:s8], $0x0  }
0x24: {  	s3 =	sadd.s32 $0x88, s3;
	s6 =	simm.s32 @!p1 $0x1082;
	[sflag:s4] =	ssyncset.s32 $0xFFFFF086  }
0x25: {  	[simem:s6], [sflag:s4] =	dma.local [hbm:s3], $0xF7A  }
0x26: {  	[smem:$0x3F9B] =	sst s1;
	(tag) =	ssettag s2;
	_ =	strace s9  }
0x27: {  	s1 =	sld [smem:$0x3FAB]  }
0x28: {  	s2 =	sld [smem:$0x3FAC]  }
0x29: {  	s4 =	sld [smem:$0x3FAE]  }
0x2a: {  	p0 =	seq.s32 s5, $0x0;
	s5 =	sld [smem:$0x3FAF]  }
0x2b: {  	s6 =	sld [smem:$0x3FB0]  }
0x2c: {  	s7 =	sld [smem:$0x3FB1]  }
0x2d: {  	s3 =	simm.s32 $0x108;
	s8 =	sld [smem:$0x3FB2]  }
0x2e: {  	s3 =	simm.s32 @!p0 $0x1082;
	s9 =	sld [smem:$0x3FB3]  }
0x2f: {  	lr =	sadd.s32 s0, s3;
	s0 =	sld [smem:$0x3FAA]  }
0x30: {  	s3 =	sld [smem:$0x3FAD]  }
0x31: {  	[smem:$0x3FB6] =	sst s10  }
0x32: {  	s10 =	sld [smem:$0x3FB4];
	_ =	sdelay $0x3  }
0x33: {  	p0 =	seq.s32 s10, $0x1;
	s10 =	sld [smem:$0x3FB6];
	_ =	sdelay $0x3  }
0x34: {  	[smem:$0x3FB6] =	sst s10  }
0x35: {  	s10 =	sld [smem:$0x3FB5];
	_ =	sdelay $0x3  }
0x36: {  	p1 =	seq.s32 s10, $0x1;
	s10 =	sld [smem:$0x3FB6];
	_ =	sdelay $0x3  }
0x37: {  	[smem:$0x3FB6] =	sst s10  }
0x38: {  	s10 =	sld [smem:$0x3FB7]  }
0x39: {  	_ = 	snop;
	(pc) =	sbr.ind lr, $3  }
0x3a: {  	_ = 	snop  }
0x3b: {  	_ = 	snop  }
0x3c: {  	p2 =	seq.s32 s10, $0x1;
	s10 =	sld [smem:$0x3FB6]  }
0x3d: {  	_ =	shalt  }
0x3e: {  	_ =	shalt  }
0x3f: {  	_ =	shalt  }
0x40: {  	_ =	shalt  }
0x41: {  	_ =	shalt  }
0x42: {  	_ =	shalt  }
0x43: {  	_ =	shalt  }
0x44: {  	_ =	shalt  }
0x45: {  	_ =	shalt  }
0x46: {  	_ =	shalt  }
0x47: {  	_ =	shalt  }
0x48: {  	_ =	shalt  }
0x49: {  	_ =	shalt  }
0x4a: {  	_ =	shalt  }
0x4b: {  	_ =	shalt  }
0x4c: {  	_ =	shalt  }
0x4d: {  	_ =	shalt  }
0x4e: {  	_ =	shalt  }
0x4f: {  	_ =	shalt  }
0x50: {  	_ =	shalt  }
0x51: {  	_ =	shalt  }
0x52: {  	_ =	shalt  }
0x53: {  	_ =	shalt  }
0x54: {  	_ =	shalt  }
0x55: {  	_ =	shalt  }
0x56: {  	_ =	shalt  }
0x57: {  	_ =	shalt  }
0x58: {  	_ =	shalt  }
0x59: {  	_ =	shalt  }
0x5a: {  	_ =	shalt  }
0x5b: {  	_ =	shalt  }
0x5c: {  	_ =	shalt  }
0x5d: {  	_ =	shalt  }
0x5e: {  	_ =	shalt  }
0x5f: {  	_ =	shalt  }
0x60: {  	_ =	shalt  }
0x61: {  	_ =	shalt  }
0x62: {  	_ =	shalt  }
0x63: {  	_ =	shalt  }
0x64: {  	_ =	shalt  }
0x65: {  	_ =	shalt  }
0x66: {  	_ =	shalt  }
0x67: {  	_ =	shalt  }
0x68: {  	_ =	shalt  }
0x69: {  	_ =	shalt  }
0x6a: {  	_ =	shalt  }
0x6b: {  	_ =	shalt  }
0x6c: {  	_ =	shalt  }
0x6d: {  	_ =	shalt  }
0x6e: {  	_ =	shalt  }
0x6f: {  	_ =	shalt  }
0x70: {  	_ =	shalt  }
0x71: {  	_ =	shalt  }
0x72: {  	_ =	shalt  }
0x73: {  	_ =	shalt  }
0x74: {  	_ =	shalt  }
0x75: {  	_ =	shalt  }
0x76: {  	_ =	shalt  }
0x77: {  	_ =	shalt  }
0x78: {  	_ =	shalt  }
0x79: {  	_ =	shalt  }
0x7a: {  	_ =	shalt  }
0x7b: {  	_ =	shalt  }
0x7c: {  	_ =	shalt  }
0x7d: {  	_ =	shalt  }
0x7e: {  	_ =	shalt  }
0x7f: {  	_ =	shalt  }
0x80: {  	_ =	shalt  }
0x81: {  	_ =	shalt  }
0x82: {  	_ =	shalt  }
0x83: {  	_ =	shalt  }
0x84: {  	_ =	shalt  }
0x85: {  	_ =	shalt  }
0x86: {  	_ =	shalt  }
0x87: {  	_ =	shalt  }
.Lfunc_end0:
.L_simem_size_0:
called_computation.2_lowered:
.L_overlay_start_0:
0x88: {  	s2 =	sld [smem:$0x3FD9]  }
0x89: {  	s3 =	sld [smem:$0x3FFE];
	_ =	sdelay $0x1  }
0x8a: {  	s1 =	srdreg.scid  }
0x8b: {  	s0 =	sand.u32 $0x1, s1  }
0x8c: {  	s17 =	sshll.u32 s0, $0xA;
	s2 =	sadd.s32 s3, s2  }
0x8d: {  	s2 =	sadd.s32 s2, s17  }
0x8e: {  	[smem:$0x3FC2] =	sst s2  }
0x8f: {  	_ = 	snop  }
0x90: {  	s2 =	sld [smem:$0x3FC9]  }
0x91: {  	s18 =	sld [smem:$0x3FC8]  }
0x92: {  	s4 =	sld [smem:$0x3FD0];
	(tm) =	ssettm $0x1  }
0x93: {  	s5 =	sld [smem:$0x3FFB];
	_ =	sdelay $0x3  }
0x94: {  	_ =	strace s5  }
0x95: {  	s5 =	sld [smem:$0x3FFC];
	_ =	sdelay $0x3  }
0x96: {  	_ =	strace s5  }
0x97: {  	s5 =	sld [smem:$0x3FFD];
	_ =	sdelay $0x3  }
0x98: {  	_ =	strace s5  }
0x99: {  	_ =	strace $0x8FFFFFFF  }
0x9a: {  	s19 =	sld [smem:$0x3FDB];
	_ =	sdelay $0x1  }
0x9b: {  	s6 =	simm.s32 $_scs_section_size  }
0x9c: {  	s7 =	simm.s32 $_size__tile_overlayer_lowered;
	s8 =	simm.s32 $_tile_overlayer_lowered  }
0x9d: {  	s22 =	simm.s32 $0x1BFF;
	s21 =	sshll.u32 s8, $0x1;
	s5 =	sadd.s32 s6, s19  }
0x9e: {  	s9 =	simm.s32 $0x0;
	s20 =	sshll.u32 s7, $0x1;
	s7 =	sadd.s32 s21, s5  }
0x9f: {  	[timem:s9], [sflag:s22] =	dma.local [hbm:s7], s20  }
0xa0: {  	_ =	swait.ge [sflag:s22], s20  }
0xa1: {  	s6 =	ssub.s32 $0x0, s20;
	[sflag:s22] =	ssyncset.done $0x0  }
0xa2: {  	[sflag:s22] =	ssyncadd.s32 s6;
	_ =	sdelay $0x1  }
0xa3: {  	s23 =	simm.s32 $0x1B8B  }
0xa4: {  	_ =	swait.ge [sflag:s23], $0x1  }
0xa5: {  	[sflag:s23] =	ssyncset.done $0x0  }
0xa6: {  	s25 =	simm.s32 $0x1B8E;
	s24 =	sld [smem:$0x3FFE];
	[sflag:s23] =	ssyncadd.s32 $0xFFFFFFFF  }
0xa7: {  	s26 =	simm.s32 $execute0_lowered;
	[smem:$0x3FD2] =	sst s25  }
0xa8: {  	s7 =	sshll.u32 s26, $0x1;
	_ =	strace $0x8000004C;
	[dreg:$0x1] =	wrdreg $0xFFFFFFFF  }
0xa9: {  	s28 =	simm.s32 $_size_execute0_lowered;
	s5 =	sadd.s32 s5, s7;
	[dreg:$0x0] =	wrdreg $0x0  }
0xaa: {  	s7 =	sshll.u32 s28, $0x1;
	[dreg:$0x2] =	wrdreg s5  }
0xab: {  	[dreg:$0x3] =	wrdreg s7  }
0xac: {  	[dreg:$0x4] =	wrdreg $0xC0  }
0xad: {  	_ =	task [dreg:s9], $0x5FFFF  }
0xae: {  	[dreg:$0x1] =	wrdreg $0xFFFFFFFF  }
0xaf: {  	[dreg:$0x0] =	wrdreg $0x60  }
0xb0: {  	[dreg:$0x2] =	wrdreg s2  }
0xb1: {  	[dreg:$0x3] =	wrdreg s18  }
0xb2: {  	[dreg:$0x4] =	wrdreg s24  }
0xb3: {  	[dreg:$0x5] =	wrdreg s4  }
0xb4: {  	[dreg:$0x6] =	wrdreg $0x9  }
0xb5: {  	_ =	task.clear_ibuf [dreg:s9], $0x7FFFF;
	_ =	strace $0x9000004C  }
0xb6: {  	s29 =	simm.s32 $0x9;
	_ =	strace $0x8000004E  }
0xb7: {  	_ =	swait.ge [sflag:s29], $0x1  }
0xb8: {  	[sflag:s29] =	ssyncadd.s32 $0xFFFFFFFF  }
0xb9: {  	_ =	strace $0x9000004E  }
0xba: {  	_ =	sfence  }
0xbb: {  	s30 =	sld [smem:$0x0];
	_ =	sdelay $0x2  }
0xbc: {  	s31 =	sshll.u32 s1, $0xD;
	s1 =	sshrl.u32 s1, $0x2  }
0xbd: {  	s3 =	sand.u32 $0x4000, s31;
	s1 =	sadd.s32 s1, s30  }
0xbe: {  	s0 =	sor.u32 s3, s0;
	s1 =	sshll.u32 s1, $0x11  }
0xbf: {  	s0 =	sor.u32 s1, s0  }
0xc0: {  	s0 =	sadd.s32 $0x8F2B, s0  }
0xc1: {  	[sflag:s0] =	ssyncadd.remote.s32 $0x1  }
0xc2: {  	_ =	sfence.sel $0xFFFF  }
0xc3: {  	[dreg:$0x0] =	wrdreg $0xFFFFFFFF;
	(pc) =	sbr.abs _section_cstart, $3  }
0xc4: {  	[dreg:$0x1] =	wrdreg $0xFFFFFFFF  }
0xc5: {  	_ =	task.clear_ibuf [dreg:s9], $0x2FFFF;
	_ =	strace $0x9FFFFFFF  }
0xc6: {  	(tm) =	ssettm $0x7FFFFFFF  }
0xc7: {  	_ =	shalt  }
tec
execute0_lowered:
.L_overlay_start_1:
0x0: {  	(tag) =	ssettag $0x1  }
0x1: {  	s0 =	rddreg [dreg:$0x0]  }
0x2: {  	s3 =	rddreg [dreg:$0x1]  }
0x3: {  	s1 =	rddreg [dreg:$0x2]  }
0x4: {  	s7 =	rddreg [dreg:$0x3];
	v0 =	vimm.s32 $0xFEDCBA98;
	v1 =	vimm.s32 $0x76543210;
	v2 =	vimm.s32 $0xBA98FEDC  }
0x5: {  	s2 =	simm.s32 $0x0;
	s5 =	srdreg.scid;
	s6 =	stileid.u32;
	v3 =	vimm.s32 $0x32107654;
	v4 =	vimm.s32 $0xDCFE98BA;
	v5 =	vimm.s32 $0x54761032  }
0x6: {  	v6 =	vimm.s32 $0xEFCDAB89;
	v7 =	vimm.s32 $0x67452301;
	s20 =	simm.s32 $0x2;
	s21 =	simm.s32 $0x200;
	s22 =	simm.s32 $0x80  }
0x7: {  	s23 =	simm.s32 $0x280;
	s24 =	simm.s32 $0x100;
	s28 =	simm.s32 $0x380;
	vm0 =	vmmov $0x1;
	vm1 =	vmmov $0x3;
	vm2 =	vmmov $0x7  }
0x8: {  	vm3 =	vmmov $0xf;
	vm4 =	vmmov $0x1f;
	vm5 =	vmmov $0x3f;
	s30 =	simm.s32 $0x1;
	s31 =	simm.s32 $0x0;
	[smem:$0x7FF] =	sst s2  }
0x9: {  	vm6 =	vmmov $0x7f;
	vm7 =	vmmov $0xff;
	vm8 =	vmmov $0x1ff;
	s4 =	sadd.s32 $0x225A00, s1;
	s5 =	sand.u32 $0x1, s5;
	s6 =	sshll.u32 s6, $0x7  }
0xa: {  	vm9 =	vmmov $0x3ff;
	vm10 =	vmmov $0x7ff;
	vm11 =	vmmov $0xfff;
	_ =	strace $0x8000004D;
	s8 =	ssub.s32 $0x2, s5;
	s9 =	sshll.u32 s5, $0x6  }
0xb: {  	v0 =	vunpack.c.l.s4.s8 v0;
	v1 =	vunpack.c.l.s4.s8 v1;
	v2 =	vunpack.c.l.s4.s8 v2;
	s5 =	sadd.s32 $0x3D400, s1;
	s10 =	sshrl.u32 s8, $0x1;
	s15 =	sor.u32 s9, s6  }
0xc: {  	v3 =	vunpack.c.l.s4.s8 v3;
	v4 =	vunpack.c.l.s4.s8 v4;
	v5 =	vunpack.c.l.s4.s8 v5;
	s6 =	sadd.s32 $0x1EA00, s1;
	s8 =	ssub.s32 s8, s10;
	s16 =	sor.u32 $0x10, s15  }
0xd: {  	v6 =	vunpack.c.l.s4.s8 v6;
	v7 =	vunpack.c.l.s4.s8 v7;
	v0 =	vunpack.c.0.s8.s32 v0;
	s9 =	sadd.s32 s0, s15;
	s25 =	sadd.s32 s3, s15;
	s17 =	sor.u32 $0x20, s15  }
0xe: {  	v2 =	vunpack.c.0.s8.s32 v2;
	v3 =	vunpack.c.0.s8.s32 v3;
	v4 =	vunpack.c.0.s8.s32 v4;
	s18 =	sor.u32 $0x30, s15;
	s15 =	sadd.s32 s7, s15;
	[dreg:$0x5] =	wrdreg s9  }
0xf: {  	v5 =	vunpack.c.0.s8.s32 v5;
	v6 =	vunpack.c.0.s8.s32 v6;
	v7 =	vunpack.c.0.s8.s32 v7;
	[dreg:$0x6] =	wrdreg s25;
	s26 =	sadd.s32 s0, s16;
	s29 =	sadd.s32 s3, s16  }
0x10: {  	vm12 =	vmmov $0x1fff;
	v1 =	vunpack.c.0.s8.s32 v1;
	s11 =	sadd.s32 s0, s17;
	s12 =	sadd.s32 s3, s17;
	s13 =	sadd.s32 s0, s18;
	v2 =	vcombine.low v3, v2  }
0x11: {  	s14 =	sadd.s32 s3, s18;
	s16 =	sadd.s32 s7, s16;
	s17 =	sadd.s32 s7, s17;
	v3 =	vcombine.low v5, v4;
	v4 =	vcombine.low v7, v6;
	v0 =	vand.u32 $0xF, v0  }
0x12: {  	vm13 =	vmmov $0x3fff;
	vm14 =	vmmov $0x7fff;
	s18 =	sadd.s32 s7, s18;
	s19 =	smax.u32 s8, $0x1;
	[dreg:$0x7] =	wrdreg s26;
	v0 =	vcombine.low v0, v1  }
0x13: {  	s25 =	simm.s32 $0x300;
	[dreg:$0x8] =	wrdreg s29;
	s26 =	simm.s32 $0x180;
	v1 =	vand.u32 $0xF, v2;
	v2 =	vand.u32 $0xF, v3;
	v3 =	vand.u32 $0xF, v4  }
.LBB2_1:
0x14: {  	s0 =	rddreg [dreg:$0x5]  }
0x15: {  	[tilespmem:s2], [sflag:$0x2] =	stream.linear.gather [hbm4b:s0+s2], $0x80, $0x38;
	[tilespmem:$0x4A00] =	vst v63  }
0x16: {  	_ =	swait.ge [sflag:s20], $0x80  }
0x17: {  	[sflag:s20] =	ssyncset.done $0x0  }
0x18: {  	s7 =	rddreg [dreg:$0x6];
	[sflag:s20] =	ssyncadd.s32 $0xFFFFFF80  }
0x19: {  	[tilespmem:s21], [sflag:$0x2] =	stream.linear.gather [hbm4b:s7+s2], $0x80, $0x38;
	[tilespmem:$0x4A00] =	vst v63  }
0x1a: {  	_ =	swait.ge [sflag:s20], $0x80  }
0x1b: {  	[sflag:s20] =	ssyncset.done $0x0  }
0x1c: {  	s8 =	rddreg [dreg:$0x7];
	[sflag:s20] =	ssyncadd.s32 $0xFFFFFF80  }
0x1d: {  	[tilespmem:s22], [sflag:$0x2] =	stream.linear.gather [hbm4b:s8+s2], $0x80, $0x38;
	[tilespmem:$0x4A00] =	vst v63  }
0x1e: {  	_ =	swait.ge [sflag:s20], $0x80  }
0x1f: {  	[sflag:s20] =	ssyncset.done $0x0  }
0x20: {  	s9 =	rddreg [dreg:$0x8];
	[sflag:s20] =	ssyncadd.s32 $0xFFFFFF80  }
0x21: {  	[tilespmem:s23], [sflag:$0x2] =	stream.linear.gather [hbm4b:s9+s2], $0x80, $0x38;
	[tilespmem:$0x4A00] =	vst v63  }
0x22: {  	_ =	swait.ge [sflag:s20], $0x80  }
0x23: {  	[sflag:s20] =	ssyncset.done $0x0  }
0x24: {  	[sflag:s20] =	ssyncadd.s32 $0xFFFFFF80  }
0x25: {  	[tilespmem:s24], [sflag:$0x2] =	stream.linear.gather [hbm4b:s11+s2], $0x80, $0x38;
	[tilespmem:$0x4A00] =	vst v63  }
0x26: {  	_ =	swait.ge [sflag:s20], $0x80  }
0x27: {  	[sflag:s20] =	ssyncset.done $0x0  }
0x28: {  	[sflag:s20] =	ssyncadd.s32 $0xFFFFFF80  }
0x29: {  	[tilespmem:s25], [sflag:$0x2] =	stream.linear.gather [hbm4b:s12+s2], $0x80, $0x38;
	[tilespmem:$0x4A00] =	vst v63  }
0x2a: {  	_ =	swait.ge [sflag:s20], $0x80  }
0x2b: {  	[sflag:s20] =	ssyncset.done $0x0  }
0x2c: {  	[sflag:s20] =	ssyncadd.s32 $0xFFFFFF80  }
0x2d: {  	[tilespmem:s26], [sflag:$0x2] =	stream.linear.gather [hbm4b:s13+s2], $0x80, $0x38;
	[tilespmem:$0x4A00] =	vst v63  }
0x2e: {  	_ =	swait.ge [sflag:s20], $0x80  }
0x2f: {  	[sflag:s20] =	ssyncset.done $0x0  }
0x30: {  	[sflag:s20] =	ssyncadd.s32 $0xFFFFFF80  }
0x31: {  	[tilespmem:s28], [sflag:$0x2] =	stream.linear.gather [hbm4b:s14+s2], $0x80, $0x38;
	[tilespmem:$0x4A00] =	vst v63  }
0x32: {  	_ =	swait.ge [sflag:s20], $0x80  }
0x33: {  	[sflag:s20] =	ssyncset.done $0x0  }
0x34: {  	s10 =	simm.s32 $0x400;
	[sflag:s20] =	ssyncadd.s32 $0xFFFFFF80  }
0x35: {  	[tilespmem:s10], [sflag:$0x1] =	stream.indirect.gather [hbm4b:s4+s22], $0x10, s2, s22, $0xb8;
	[tilespmem:$0x4A00] =	vst v63  }
0x36: {  	s3 =	simm.s32 $0x2400  }
0x37: {  	[tilespmem:s3], [sflag:$0x1] =	stream.indirect.gather [hbm4b:s5+s22], $0x10, s21, s22, $0xb8;
	[tilespmem:$0x4A00] =	vst v63  }
0x38: {  	s7 =	simm.s32 $0x4400  }
0x39: {  	[tilespmem:s7], [sflag:$0x1] =	stream.indirect.gather [hbm4b:s6+s22], $0x1, s2, s22, $0xb8;
	[tilespmem:$0x4A00] =	vst v63  }
0x3a: {  	s8 =	simm.s32 $0x4600  }
0x3b: {  	[tilespmem:s8], [sflag:$0x1] =	stream.indirect.gather [hbm4b:s1+s22], $0x1, s21, s22, $0xb8;
	[tilespmem:$0x4A00] =	vst v63  }
0x3c: {  	s9 =	simm.s32 $0xC00  }
0x3d: {  	[tilespmem:s9], [sflag:$0x1] =	stream.indirect.gather [hbm4b:s4+s22], $0x10, s22, s22, $0xb8;
	[tilespmem:$0x4A00] =	vst v63  }
0x3e: {  	s10 =	simm.s32 $0x2C00  }
0x3f: {  	[tilespmem:s10], [sflag:$0x1] =	stream.indirect.gather [hbm4b:s5+s22], $0x10, s23, s22, $0xb8;
	[tilespmem:$0x4A00] =	vst v63  }
0x40: {  	s3 =	simm.s32 $0x4480  }
0x41: {  	[tilespmem:s3], [sflag:$0x1] =	stream.indirect.gather [hbm4b:s6+s22], $0x1, s22, s22, $0xb8;
	[tilespmem:$0x4A00] =	vst v63  }
0x42: {  	s7 =	simm.s32 $0x4680  }
0x43: {  	[tilespmem:s7], [sflag:$0x1] =	stream.indirect.gather [hbm4b:s1+s22], $0x1, s23, s22, $0xb8;
	[tilespmem:$0x4A00] =	vst v63  }
0x44: {  	s8 =	simm.s32 $0x1400  }
0x45: {  	[tilespmem:s8], [sflag:$0x1] =	stream.indirect.gather [hbm4b:s4+s22], $0x10, s24, s22, $0xb8;
	[tilespmem:$0x4A00] =	vst v63  }
0x46: {  	s9 =	simm.s32 $0x3400  }
0x47: {  	[tilespmem:s9], [sflag:$0x1] =	stream.indirect.gather [hbm4b:s5+s22], $0x10, s25, s22, $0xb8;
	[tilespmem:$0x4A00] =	vst v63  }
0x48: {  	s10 =	simm.s32 $0x4500  }
0x49: {  	[tilespmem:s10], [sflag:$0x1] =	stream.indirect.gather [hbm4b:s6+s22], $0x1, s24, s22, $0xb8;
	[tilespmem:$0x4A00] =	vst v63  }
0x4a: {  	s3 =	simm.s32 $0x4700  }
0x4b: {  	[tilespmem:s3], [sflag:$0x1] =	stream.indirect.gather [hbm4b:s1+s22], $0x1, s25, s22, $0xb8;
	[tilespmem:$0x4A00] =	vst v63  }
0x4c: {  	s7 =	simm.s32 $0x1C00  }
0x4d: {  	[tilespmem:s7], [sflag:$0x1] =	stream.indirect.gather [hbm4b:s4+s22], $0x10, s26, s22, $0xb8;
	[tilespmem:$0x4A00] =	vst v63  }
0x4e: {  	s8 =	simm.s32 $0x3C00  }
0x4f: {  	[tilespmem:s8], [sflag:$0x1] =	stream.indirect.gather [hbm4b:s5+s22], $0x10, s28, s22, $0xb8;
	[tilespmem:$0x4A00] =	vst v63  }
0x50: {  	s9 =	simm.s32 $0x4580  }
0x51: {  	[tilespmem:s9], [sflag:$0x1] =	stream.indirect.gather [hbm4b:s6+s22], $0x1, s26, s22, $0xb8;
	[tilespmem:$0x4A00] =	vst v63  }
0x52: {  	s10 =	simm.s32 $0x4780  }
0x53: {  	[tilespmem:s10], [sflag:$0x1] =	stream.indirect.gather [hbm4b:s1+s22], $0x1, s28, s22, $0xb8;
	[tilespmem:$0x4A00] =	vst v63  }
0x54: {  	_ =	swait.ge [sflag:s30], $0x800  }
0x55: {  	[sflag:s30] =	ssyncset.done $0x0  }
0x56: {  	[sflag:s30] =	ssyncadd.s32 $0xFFFFF800  }
0x57: {  	_ =	swait.ge [sflag:s30], $0x800  }
0x58: {  	[sflag:s30] =	ssyncset.done $0x0  }
0x59: {  	[sflag:s30] =	ssyncadd.s32 $0xFFFFF800  }
0x5a: {  	_ =	swait.ge [sflag:s30], $0x80  }
0x5b: {  	[sflag:s30] =	ssyncset.done $0x0  }
0x5c: {  	[sflag:s30] =	ssyncadd.s32 $0xFFFFFF80  }
0x5d: {  	_ =	swait.ge [sflag:s30], $0x80  }
0x5e: {  	[sflag:s30] =	ssyncset.done $0x0  }
0x5f: {  	[sflag:s30] =	ssyncadd.s32 $0xFFFFFF80  }
0x60: {  	_ =	swait.ge [sflag:s30], $0x800  }
0x61: {  	[sflag:s30] =	ssyncset.done $0x0  }
0x62: {  	[sflag:s30] =	ssyncadd.s32 $0xFFFFF800  }
0x63: {  	_ =	swait.ge [sflag:s30], $0x800  }
0x64: {  	[sflag:s30] =	ssyncset.done $0x0  }
0x65: {  	[sflag:s30] =	ssyncadd.s32 $0xFFFFF800  }
0x66: {  	_ =	swait.ge [sflag:s30], $0x80  }
0x67: {  	[sflag:s30] =	ssyncset.done $0x0  }
0x68: {  	[sflag:s30] =	ssyncadd.s32 $0xFFFFFF80  }
0x69: {  	_ =	swait.ge [sflag:s30], $0x80  }
0x6a: {  	[sflag:s30] =	ssyncset.done $0x0  }
0x6b: {  	[sflag:s30] =	ssyncadd.s32 $0xFFFFFF80  }
0x6c: {  	_ =	swait.ge [sflag:s30], $0x800  }
0x6d: {  	[sflag:s30] =	ssyncset.done $0x0  }
0x6e: {  	[sflag:s30] =	ssyncadd.s32 $0xFFFFF800  }
0x6f: {  	_ =	swait.ge [sflag:s30], $0x800  }
0x70: {  	[sflag:s30] =	ssyncset.done $0x0  }
0x71: {  	[sflag:s30] =	ssyncadd.s32 $0xFFFFF800  }
0x72: {  	_ =	swait.ge [sflag:s30], $0x80  }
0x73: {  	[sflag:s30] =	ssyncset.done $0x0  }
0x74: {  	[sflag:s30] =	ssyncadd.s32 $0xFFFFFF80  }
0x75: {  	_ =	swait.ge [sflag:s30], $0x80  }
0x76: {  	[sflag:s30] =	ssyncset.done $0x0  }
0x77: {  	[sflag:s30] =	ssyncadd.s32 $0xFFFFFF80  }
0x78: {  	_ =	swait.ge [sflag:s30], $0x800  }
0x79: {  	[sflag:s30] =	ssyncset.done $0x0  }
0x7a: {  	[sflag:s30] =	ssyncadd.s32 $0xFFFFF800  }
0x7b: {  	_ =	swait.ge [sflag:s30], $0x800  }
0x7c: {  	[sflag:s30] =	ssyncset.done $0x0  }
0x7d: {  	[sflag:s30] =	ssyncadd.s32 $0xFFFFF800  }
0x7e: {  	_ =	swait.ge [sflag:s30], $0x80  }
0x7f: {  	[sflag:s30] =	ssyncset.done $0x0  }
0x80: {  	[sflag:s30] =	ssyncadd.s32 $0xFFFFFF80  }
0x81: {  	s0 =	sand.u32 $0x70, s2;
	_ =	swait.ge [sflag:s30], $0x80  }
0x82: {  	s3 =	simm.s32 $0x0;
	s7 =	sshll.u32 s0, $0x4;
	[sflag:s30] =	ssyncset.done $0x0  }
0x83: {  	s8 =	sor.u32 s3, s7;
	[sflag:s30] =	ssyncadd.s32 $0xFFFFFF80  }
0x84: {  	v4 =	vld [tilespmem:s8+$0x4F0]  }
0x85: {  	v5 =	vld [tilespmem:s8+$0x24F0]  }
0x86: {  	v6 =	vld [tilespmem:s8+$0x4E0]  }
0x87: {  	v7 =	vld [tilespmem:s8+$0x24E0];
	_ =	sdelay $0x1  }
0x88: {  	v9 =	vld [tilespmem:s8+$0x4D0];
	v8 =	vshll.u32 v4, $0x10  }
0x89: {  	v11 =	vld [tilespmem:s8+$0x24D0];
	v10 =	vshll.u32 v5, $0x10;
	v4 =	vand.u32 $0xFFFF0000, v4;
	v5 =	vand.u32 $0xFFFF0000, v5  }
0x8a: {  	v13 =	vld [tilespmem:s8+$0x24C0];
	v12 =	vshll.u32 v6, $0x10;
	v6 =	vand.u32 $0xFFFF0000, v6;
	v8 =	vmul.f32 v10, v8  }
0x8b: {  	v4 =	vmul.f32 v5, v4;
	v5 =	vld [tilespmem:s8+$0x4C0];
	v10 =	vshll.u32 v7, $0x10;
	v7 =	vand.u32 $0xFFFF0000, v7  }
0x8c: {  	v10 =	vmul.f32 v10, v12;
	v6 =	vmul.f32 v7, v6  }
0x8d: {  	v7 =	vshll.u32 v9, $0x10;
	v9 =	vand.u32 $0xFFFF0000, v9;
	v4 =	vadd.f32 v4, v8  }
0x8e: {  	v8 =	vshll.u32 v11, $0x10;
	v6 =	vadd.f32 v6, v10;
	v10 =	vand.u32 $0xFFFF0000, v11  }
0x8f: {  	v7 =	vmul.f32 v8, v7;
	v8 =	vmul.f32 v10, v9;
	v9 =	vshll.u32 v13, $0x10  }
0x90: {  	v10 =	vand.u32 $0xFFFF0000, v13;
	v11 =	vshll.u32 v5, $0x10;
	v5 =	vand.u32 $0xFFFF0000, v5  }
0x91: {  	v9 =	vmul.f32 v9, v11;
	v5 =	vmul.f32 v10, v5  }
0x92: {  	v10 =	vperm.xlane v6, v0;
	v11 =	vperm.xlane v4, v0;
	v7 =	vadd.f32 v8, v7  }
0x93: {  	v5 =	vadd.f32 v5, v9  }
0x94: {  	v6 =	vadd.f32 v6, v10;
	v4 =	vadd.f32 v4, v11;
	v9 =	vperm.xlane v7, v0;
	v10 =	vld [tilespmem:s8+$0x4B0]  }
0x95: {  	v8 =	vperm.xlane v5, v0  }
0x96: {  	v13 =	vld [tilespmem:s8+$0x24B0];
	v11 =	vperm.xlane v6, v1;
	v12 =	vperm.xlane v4, v1;
	v7 =	vadd.f32 v7, v9  }
0x97: {  	v5 =	vadd.f32 v5, v8;
	v8 =	vld [tilespmem:s8+$0x4A0]  }
0x98: {  	v9 =	vld [tilespmem:s8+$0x24A0];
	v6 =	vadd.f32 v6, v11;
	v4 =	vadd.f32 v4, v12;
	v12 =	vperm.xlane v7, v1  }
0x99: {  	v16 =	vshll.u32 v10, $0x10;
	v10 =	vand.u32 $0xFFFF0000, v10;
	v11 =	vperm.xlane v5, v1  }
0x9a: {  	v17 =	vld [tilespmem:s8+$0x2490];
	v14 =	vperm.xlane v6, v2;
	v15 =	vperm.xlane v4, v2;
	v7 =	vadd.f32 v7, v12  }
0x9b: {  	v12 =	vld [tilespmem:s8+$0x490];
	v11 =	vadd.f32 v5, v11;
	v5 =	vshll.u32 v13, $0x10;
	v13 =	vand.u32 $0xFFFF0000, v13  }
0x9c: {  	v4 =	vadd.f32 v4, v15;
	v15 =	vperm.xlane v7, v2;
	v18 =	vshll.u32 v8, $0x10  }
0x9d: {  	v19 =	vld [tilespmem:s8+$0x2480];
	v16 =	vmul.f32 v5, v16;
	v10 =	vmul.f32 v13, v10;
	v5 =	vshll.u32 v9, $0x10  }
0x9e: {  	v13 =	vld [tilespmem:s8+$0x480];
	v8 =	vand.u32 $0xFFFF0000, v8;
	v9 =	vand.u32 $0xFFFF0000, v9;
	v18 =	vmul.f32 v5, v18  }
0x9f: {  	v8 =	vmul.f32 v9, v8;
	v9 =	vperm.xlane v11, v2;
	v5 =	vadd.f32 v6, v14  }
0xa0: {  	v6 =	vshll.u32 v12, $0x10;
	v10 =	vadd.f32 v10, v16;
	v16 =	vshll.u32 v17, $0x10  }
0xa1: {  	v14 =	vld [tilespmem:s8+$0x470];
	v12 =	vand.u32 $0xFFFF0000, v12;
	v17 =	vand.u32 $0xFFFF0000, v17;
	v8 =	vadd.f32 v8, v18  }
0xa2: {  	v18 =	vld [tilespmem:s8+$0x2470];
	v16 =	vmul.f32 v16, v6;
	v12 =	vmul.f32 v17, v12;
	v6 =	vshll.u32 v19, $0x10  }
0xa3: {  	v17 =	vld [tilespmem:s8+$0x460];
	v19 =	vand.u32 $0xFFFF0000, v19;
	v20 =	vshll.u32 v13, $0x10;
	v13 =	vand.u32 $0xFFFF0000, v13  }
0xa4: {  	v21 =	vld [tilespmem:s8+$0x2460];
	v12 =	vadd.f32 v12, v16;
	v20 =	vmul.f32 v6, v20;
	v13 =	vmul.f32 v19, v13  }
0xa5: {  	v6 =	vadd.f32 v7, v15;
	v15 =	vperm.xlane v8, v0;
	v19 =	vperm.xlane v10, v0  }
0xa6: {  	v7 =	vadd.f32 v11, v9;
	v9 =	vshll.u32 v14, $0x10;
	v14 =	vand.u32 $0xFFFF0000, v14  }
0xa7: {  	v11 =	vadd.f32 v13, v20;
	v13 =	vshll.u32 v18, $0x10;
	v16 =	vand.u32 $0xFFFF0000, v18  }
0xa8: {  	v18 =	vshll.u32 v17, $0x10;
	v9 =	vmul.f32 v13, v9;
	v13 =	vmul.f32 v16, v14  }
0xa9: {  	v14 =	vshll.u32 v21, $0x10;
	v16 =	vand.u32 $0xFFFF0000, v17;
	v17 =	vand.u32 $0xFFFF0000, v21  }
0xaa: {  	v14 =	vmul.f32 v14, v18;
	v16 =	vmul.f32 v17, v16  }
0xab: {  	v10 =	vadd.f32 v10, v19;
	v8 =	vadd.f32 v8, v15;
	v17 =	vperm.xlane v11, v0  }
0xac: {  	v18 =	vperm.xlane v12, v0;
	v9 =	vadd.f32 v13, v9;
	v14 =	vadd.f32 v16, v14  }
0xad: {  	v15 =	vperm.xlane v8, v1;
	v13 =	vperm.xlane v10, v1;
	v11 =	vadd.f32 v11, v17  }
0xae: {  	v25 =	vld [tilespmem:s8+$0x450];
	v12 =	vadd.f32 v12, v18;
	v17 =	vperm.xlane v9, v0;
	v16 =	vperm.xlane v14, v0  }
0xaf: {  	v26 =	vld [tilespmem:s8+$0x2450];
	v15 =	vadd.f32 v8, v15;
	v10 =	vadd.f32 v10, v13;
	v13 =	vperm.xlane v11, v1  }
0xb0: {  	v18 =	vperm.xlane v12, v1;
	v14 =	vadd.f32 v14, v16;
	v16 =	vadd.f32 v9, v17  }
0xb1: {  	v19 =	vld [tilespmem:s8+$0x430];
	v11 =	vadd.f32 v11, v13;
	v9 =	vperm.xlane v15, v2  }
0xb2: {  	v17 =	vld [tilespmem:s8+$0x440];
	v13 =	vadd.f32 v12, v18;
	v12 =	vperm.xlane v14, v1;
	v20 =	vperm.xlane v16, v1  }
0xb3: {  	v22 =	vshll.u32 v25, $0x10;
	v8 =	vperm.xlane v10, v2;
	v18 =	vld [tilespmem:s8+$0x2440];
	v9 =	vadd.f32 v15, v9  }
0xb4: {  	v24 =	vshll.u32 v26, $0x10;
	v15 =	vld [tilespmem:s8+$0x2430];
	v12 =	vadd.f32 v14, v12;
	v14 =	vadd.f32 v16, v20  }
0xb5: {  	v8 =	vadd.f32 v10, v8;
	v10 =	vperm.xlane v11, v2;
	v21 =	vperm.xlane v13, v2;
	v20 =	vld [tilespmem:s8+$0x420]  }
0xb6: {  	v25 =	vand.u32 $0xFFFF0000, v25;
	v26 =	vand.u32 $0xFFFF0000, v26;
	v16 =	vld [tilespmem:s8+$0x2420];
	v23 =	vperm.xlane v14, v2  }
0xb7: {  	s29 =	simm.s32 $0x1;
	s3 =	simm.s32 $0x0;
	s7 =	simm.s32 $0x0;
	v11 =	vadd.f32 v11, v10;
	v10 =	vadd.f32 v13, v21;
	v21 =	vld [tilespmem:s8+$0x400];
	v13 =	vperm.xlane v12, v2  }
.LBB2_2:
0xb8: {  	p0 =	sne.s32 s29, $0x1F;
	v27 =	vld [tilespmem:s8+$0x2400];
	v22 =	vmul.f32 v24, v22;
	v24 =	vmul.f32 v26, v25;
	v14 =	vadd.f32 v14, v23  }
0xb9: {  	v25 =	vshll.u32 v17, $0x10;
	v26 =	vshll.u32 v18, $0x10;
	v17 =	vand.u32 $0xFFFF0000, v17;
	v23 =	vld [tilespmem:s8+$0x410]  }
0xba: {  	v29 =	vshll.u32 v19, $0x10;
	v18 =	vand.u32 $0xFFFF0000, v18;
	v30 =	vshll.u32 v15, $0x10;
	v28 =	vld [tilespmem:s8+$0x2410]  }
0xbb: {  	v19 =	vand.u32 $0xFFFF0000, v19;
	v31 =	vshll.u32 v20, $0x10;
	v29 =	vmul.f32 v30, v29  }
0xbc: {  	v20 =	vand.u32 $0xFFFF0000, v20;
	v32 =	vshll.u32 v16, $0x10;
	v30 =	vshll.u32 v21, $0x10  }
0xbd: {  	v21 =	vand.u32 $0xFFFF0000, v21;
	v33 =	vshll.u32 v27, $0x10;
	v27 =	vand.u32 $0xFFFF0000, v27  }
0xbe: {  	v30 =	vmul.f32 v33, v30;
	v21 =	vmul.f32 v27, v21;
	v27 =	vshll.u32 v23, $0x10  }
0xbf: {  	v23 =	vand.u32 $0xFFFF0000, v23;
	v33 =	vshll.u32 v28, $0x10;
	v28 =	vand.u32 $0xFFFF0000, v28  }
0xc0: {  	v16 =	vand.u32 $0xFFFF0000, v16;
	v27 =	vmul.f32 v33, v27;
	v23 =	vmul.f32 v28, v23  }
0xc1: {  	v15 =	vand.u32 $0xFFFF0000, v15;
	v16 =	vmul.f32 v16, v20;
	v28 =	vmul.f32 v32, v31  }
0xc2: {  	v15 =	vmul.f32 v15, v19;
	v20 =	vadd.f32 v21, v30;
	v21 =	vadd.f32 v23, v27  }
0xc3: {  	v17 =	vmul.f32 v18, v17;
	v19 =	vmul.f32 v26, v25;
	v16 =	vadd.f32 v16, v28  }
0xc4: {  	v15 =	vadd.f32 v15, v29;
	v18 =	vperm.xlane v20, v0;
	v23 =	vperm.xlane v21, v0  }
0xc5: {  	v17 =	vadd.f32 v17, v19;
	v19 =	vadd.f32 v24, v22;
	v25 =	vperm.xlane v16, v0  }
0xc6: {  	v18 =	vadd.f32 v20, v18;
	v20 =	vadd.f32 v21, v23;
	v21 =	vperm.xlane v15, v0  }
0xc7: {  	v22 =	vperm.xlane v17, v0;
	v16 =	vadd.f32 v16, v25;
	v23 =	vperm.xlane v19, v0  }
0xc8: {  	v24 =	vperm.xlane v18, v1;
	v25 =	vperm.xlane v20, v1;
	v15 =	vadd.f32 v15, v21  }
0xc9: {  	v17 =	vadd.f32 v17, v22;
	v21 =	vperm.xlane v16, v1;
	v19 =	vadd.f32 v19, v23  }
0xca: {  	v18 =	vadd.f32 v18, v24;
	v20 =	vadd.f32 v20, v25;
	v22 =	vperm.xlane v15, v1  }
0xcb: {  	v16 =	vadd.f32 v16, v21;
	v21 =	vperm.xlane v17, v1;
	v23 =	vperm.xlane v19, v1  }
0xcc: {  	v24 =	vperm.xlane v18, v2;
	v25 =	vperm.xlane v20, v2;
	v15 =	vadd.f32 v15, v22  }
0xcd: {  	v22 =	vperm.xlane v16, v2;
	v17 =	vadd.f32 v17, v21;
	v19 =	vadd.f32 v19, v23  }
0xce: {  	v18 =	vadd.f32 v18, v24;
	v20 =	vadd.f32 v20, v25;
	v21 =	vperm.xlane v15, v2  }
0xcf: {  	v16 =	vadd.f32 v16, v22;
	v22 =	vperm.xlane v17, v2;
	v23 =	vperm.xlane v19, v2  }
0xd0: {  	v24 =	vperm.xlane v18, v3;
	v25 =	vperm.xlane v20, v3;
	v15 =	vadd.f32 v15, v21  }
0xd1: {  	v21 =	vperm.xlane v16, v3;
	v17 =	vadd.f32 v17, v22;
	v19 =	vadd.f32 v19, v23  }
0xd2: {  	v18 =	vadd.f32 v18, v24;
	v20 =	vadd.f32 v20, v25;
	v22 =	vperm.xlane v15, v3  }
0xd3: {  	v12 =	vadd.f32 v12, v13;
	v16 =	vadd.f32 v16, v21;
	v21 =	vperm.xlane v17, v3  }
0xd4: {  	v13 =	vsel vm0, v18, v20;
	v15 =	vadd.f32 v15, v22;
	v18 =	vperm.xlane v19, v3  }
0xd5: {  	v13 =	vsel vm1, v13, v16;
	v16 =	vadd.f32 v17, v21;
	v17 =	vperm.xlane v12, v3  }
0xd6: {  	v13 =	vsel vm2, v13, v15;
	v15 =	vadd.f32 v19, v18;
	v18 =	vperm.xlane v14, v3  }
0xd7: {  	v13 =	vsel vm3, v13, v16;
	v12 =	vadd.f32 v12, v17;
	v16 =	vperm.xlane v11, v3  }
0xd8: {  	v13 =	vsel vm4, v13, v15;
	v14 =	vadd.f32 v14, v18;
	v15 =	vperm.xlane v10, v3  }
0xd9: {  	v12 =	vsel vm5, v13, v12;
	v11 =	vadd.f32 v11, v16;
	v13 =	vperm.xlane v9, v3  }
0xda: {  	v12 =	vsel vm6, v12, v14;
	v10 =	vadd.f32 v10, v15;
	v14 =	vperm.xlane v8, v3  }
0xdb: {  	v11 =	vsel vm7, v12, v11;
	v9 =	vadd.f32 v9, v13;
	v12 =	vperm.xlane v7, v3  }
0xdc: {  	s3 =	sshll.u32 s3, $0x7;
	v10 =	vsel vm8, v11, v10;
	v8 =	vadd.f32 v8, v14;
	v11 =	vperm.xlane v6, v3  }
0xdd: {  	s9 =	sor.u32 s0, s3;
	v9 =	vsel vm9, v10, v9;
	v7 =	vadd.f32 v7, v12;
	v10 =	vperm.xlane v5, v3  }
0xde: {  	v8 =	vsel vm10, v9, v8;
	v6 =	vadd.f32 v6, v11;
	v9 =	vperm.xlane v4, v3;
	v11 =	vld [tilespmem:s9+$0x4400]  }
0xdf: {  	v7 =	vsel vm11, v8, v7;
	v5 =	vadd.f32 v5, v10  }
0xe0: {  	v6 =	vsel vm12, v7, v6;
	v4 =	vadd.f32 v4, v9;
	v7 =	vld [tilespmem:s9+$0x4600]  }
0xe1: {  	v5 =	vsel vm13, v6, v5  }
0xe2: {  	v4 =	vsel vm14, v5, v4  }
0xe3: {  	v4 =	vadd.f32 v4, v11  }
0xe4: {  	s7 =	sadd.s32 $0x10, s7  }
0xe5: {  	s3 =	sshrl.u32 s29, $0x3;
	s0 =	sand.u32 $0x70, s7;
	v4 =	vadd.f32 v4, v7  }
0xe6: {  	s8 =	sshll.u32 s3, $0xB;
	s10 =	sshll.u32 s0, $0x4  }
0xe7: {  	s8 =	sor.u32 s8, s10;
	[tilespmem:s9+$0x4800] =	vst v4  }
0xe8: {  	v4 =	vld [tilespmem:s8+$0x4F0]  }
0xe9: {  	v5 =	vld [tilespmem:s8+$0x24F0]  }
0xea: {  	v6 =	vld [tilespmem:s8+$0x4E0]  }
0xeb: {  	v7 =	vld [tilespmem:s8+$0x24E0];
	_ =	sdelay $0x1  }
0xec: {  	v8 =	vshll.u32 v4, $0x10  }
0xed: {  	v4 =	vand.u32 $0xFFFF0000, v4;
	v9 =	vld [tilespmem:s8+$0x4D0];
	v10 =	vshll.u32 v5, $0x10;
	v5 =	vand.u32 $0xFFFF0000, v5  }
0xee: {  	v11 =	vld [tilespmem:s8+$0x24D0];
	v12 =	vshll.u32 v6, $0x10;
	v8 =	vmul.f32 v10, v8;
	v4 =	vmul.f32 v5, v4  }
0xef: {  	v6 =	vand.u32 $0xFFFF0000, v6;
	v5 =	vld [tilespmem:s8+$0x4C0];
	v10 =	vshll.u32 v7, $0x10;
	v7 =	vand.u32 $0xFFFF0000, v7  }
0xf0: {  	v13 =	vld [tilespmem:s8+$0x24C0];
	v10 =	vmul.f32 v10, v12;
	v6 =	vmul.f32 v7, v6;
	_ =	sdelay $0x1  }
0xf1: {  	v4 =	vadd.f32 v4, v8;
	v7 =	vshll.u32 v9, $0x10;
	v6 =	vadd.f32 v6, v10  }
0xf2: {  	v9 =	vand.u32 $0xFFFF0000, v9;
	v8 =	vshll.u32 v11, $0x10;
	v10 =	vand.u32 $0xFFFF0000, v11  }
0xf3: {  	v11 =	vshll.u32 v5, $0x10;
	v7 =	vmul.f32 v8, v7;
	v8 =	vmul.f32 v10, v9  }
0xf4: {  	v5 =	vand.u32 $0xFFFF0000, v5;
	v9 =	vshll.u32 v13, $0x10;
	v10 =	vand.u32 $0xFFFF0000, v13  }
0xf5: {  	v9 =	vmul.f32 v9, v11;
	v5 =	vmul.f32 v10, v5  }
0xf6: {  	v10 =	vperm.xlane v6, v0;
	v11 =	vperm.xlane v4, v0  }
0xf7: {  	v7 =	vadd.f32 v8, v7;
	v5 =	vadd.f32 v5, v9  }
0xf8: {  	v6 =	vadd.f32 v6, v10;
	v4 =	vadd.f32 v4, v11  }
0xf9: {  	v9 =	vperm.xlane v7, v0;
	v8 =	vperm.xlane v5, v0  }
0xfa: {  	v11 =	vperm.xlane v6, v1;
	v12 =	vperm.xlane v4, v1;
	v10 =	vld [tilespmem:s8+$0x4B0]  }
0xfb: {  	v7 =	vadd.f32 v7, v9;
	v13 =	vld [tilespmem:s8+$0x24B0];
	v5 =	vadd.f32 v5, v8  }
0xfc: {  	v6 =	vadd.f32 v6, v11;
	v4 =	vadd.f32 v4, v12;
	v8 =	vld [tilespmem:s8+$0x4A0]  }
0xfd: {  	v12 =	vperm.xlane v7, v1;
	v9 =	vld [tilespmem:s8+$0x24A0];
	v11 =	vperm.xlane v5, v1  }
0xfe: {  	v14 =	vperm.xlane v6, v2;
	v15 =	vperm.xlane v4, v2  }
0xff: {  	v7 =	vadd.f32 v7, v12;
	v16 =	vshll.u32 v10, $0x10;
	v11 =	vadd.f32 v5, v11  }
0x100: {  	v10 =	vand.u32 $0xFFFF0000, v10;
	v12 =	vld [tilespmem:s8+$0x490];
	v5 =	vshll.u32 v13, $0x10;
	v13 =	vand.u32 $0xFFFF0000, v13  }
0x101: {  	v17 =	vld [tilespmem:s8+$0x2490];
	v18 =	vshll.u32 v8, $0x10;
	v16 =	vmul.f32 v5, v16;
	v10 =	vmul.f32 v13, v10  }
0x102: {  	v8 =	vand.u32 $0xFFFF0000, v8;
	v13 =	vld [tilespmem:s8+$0x480];
	v5 =	vshll.u32 v9, $0x10;
	v9 =	vand.u32 $0xFFFF0000, v9  }
0x103: {  	v4 =	vadd.f32 v4, v15;
	v19 =	vld [tilespmem:s8+$0x2480];
	v18 =	vmul.f32 v5, v18;
	v8 =	vmul.f32 v9, v8  }
0x104: {  	v15 =	vperm.xlane v7, v2;
	v9 =	vperm.xlane v11, v2;
	v5 =	vadd.f32 v6, v14  }
0x105: {  	v10 =	vadd.f32 v10, v16;
	v6 =	vshll.u32 v12, $0x10;
	v8 =	vadd.f32 v8, v18  }
0x106: {  	v12 =	vand.u32 $0xFFFF0000, v12;
	v14 =	vld [tilespmem:s8+$0x470];
	v16 =	vshll.u32 v17, $0x10;
	v17 =	vand.u32 $0xFFFF0000, v17  }
0x107: {  	v18 =	vld [tilespmem:s8+$0x2470];
	v20 =	vshll.u32 v13, $0x10;
	v16 =	vmul.f32 v16, v6;
	v12 =	vmul.f32 v17, v12  }
0x108: {  	v13 =	vand.u32 $0xFFFF0000, v13;
	v17 =	vld [tilespmem:s8+$0x460];
	v6 =	vshll.u32 v19, $0x10;
	v19 =	vand.u32 $0xFFFF0000, v19  }
0x109: {  	v21 =	vld [tilespmem:s8+$0x2460];
	v20 =	vmul.f32 v6, v20;
	v13 =	vmul.f32 v19, v13;
	v6 =	vadd.f32 v7, v15  }
0x10a: {  	v15 =	vperm.xlane v8, v0;
	v19 =	vperm.xlane v10, v0;
	v7 =	vadd.f32 v11, v9  }
0x10b: {  	v12 =	vadd.f32 v12, v16;
	v9 =	vshll.u32 v14, $0x10;
	v11 =	vadd.f32 v13, v20  }
0x10c: {  	v14 =	vand.u32 $0xFFFF0000, v14;
	v13 =	vshll.u32 v18, $0x10;
	v16 =	vand.u32 $0xFFFF0000, v18  }
0x10d: {  	v18 =	vshll.u32 v17, $0x10;
	v9 =	vmul.f32 v13, v9;
	v13 =	vmul.f32 v16, v14  }
0x10e: {  	v16 =	vand.u32 $0xFFFF0000, v17;
	v14 =	vshll.u32 v21, $0x10;
	v17 =	vand.u32 $0xFFFF0000, v21  }
0x10f: {  	v10 =	vadd.f32 v10, v19;
	v14 =	vmul.f32 v14, v18;
	v16 =	vmul.f32 v17, v16  }
0x110: {  	v8 =	vadd.f32 v8, v15;
	v17 =	vperm.xlane v11, v0;
	v18 =	vperm.xlane v12, v0  }
0x111: {  	v9 =	vadd.f32 v13, v9;
	v13 =	vperm.xlane v10, v1;
	v14 =	vadd.f32 v16, v14  }
0x112: {  	v15 =	vperm.xlane v8, v1;
	v11 =	vadd.f32 v11, v17;
	v12 =	vadd.f32 v12, v18  }
0x113: {  	v17 =	vperm.xlane v9, v0;
	v10 =	vadd.f32 v10, v13;
	v16 =	vperm.xlane v14, v0  }
0x114: {  	v15 =	vadd.f32 v8, v15;
	v13 =	vperm.xlane v11, v1;
	v18 =	vperm.xlane v12, v1;
	v25 =	vld [tilespmem:s8+$0x450]  }
0x115: {  	v8 =	vperm.xlane v10, v2;
	v26 =	vld [tilespmem:s8+$0x2450];
	v14 =	vadd.f32 v14, v16;
	v16 =	vadd.f32 v9, v17  }
0x116: {  	v11 =	vadd.f32 v11, v13;
	v13 =	vadd.f32 v12, v18;
	v9 =	vperm.xlane v15, v2;
	v17 =	vld [tilespmem:s8+$0x440]  }
0x117: {  	v8 =	vadd.f32 v10, v8;
	v18 =	vld [tilespmem:s8+$0x2440];
	v12 =	vperm.xlane v14, v1;
	v20 =	vperm.xlane v16, v1  }
.Ltmp0:
0x118: {  	v10 =	vperm.xlane v11, v2;
	v21 =	vperm.xlane v13, v2;
	v9 =	vadd.f32 v15, v9;
	v19 =	vld [tilespmem:s8+$0x430];
	(pc) =	sbr.rel @p0 .LBB2_2-.Ltmp0, $4  }
0x119: {  	v15 =	vld [tilespmem:s8+$0x2430];
	v12 =	vadd.f32 v14, v12;
	v14 =	vadd.f32 v16, v20  }
0x11a: {  	v11 =	vadd.f32 v11, v10;
	v10 =	vadd.f32 v13, v21;
	v20 =	vld [tilespmem:s8+$0x420]  }
0x11b: {  	v22 =	vshll.u32 v25, $0x10;
	v16 =	vld [tilespmem:s8+$0x2420];
	v13 =	vperm.xlane v12, v2;
	v23 =	vperm.xlane v14, v2  }
0x11c: {  	s29 =	sadd.s32 $0x1, s29;
	v25 =	vand.u32 $0xFFFF0000, v25;
	v24 =	vshll.u32 v26, $0x10;
	v26 =	vand.u32 $0xFFFF0000, v26;
	v21 =	vld [tilespmem:s8+$0x400]  }
0x11d: {  	v27 =	vld [tilespmem:s8+$0x2400]  }
0x11e: {  	v22 =	vmul.f32 v24, v22;
	v47 =	vmul.f32 v26, v25;
	v14 =	vadd.f32 v14, v23;
	v48 =	vld [tilespmem:s8+$0x410]  }
0x11f: {  	v49 =	vshll.u32 v17, $0x10;
	v50 =	vshll.u32 v18, $0x10;
	v51 =	vand.u32 $0xFFFF0000, v17;
	v28 =	vld [tilespmem:s8+$0x2410]  }
0x120: {  	v29 =	vshll.u32 v19, $0x10;
	v52 =	vand.u32 $0xFFFF0000, v18;
	v30 =	vshll.u32 v15, $0x10  }
0x121: {  	v53 =	vand.u32 $0xFFFF0000, v19;
	v31 =	vshll.u32 v20, $0x10;
	v29 =	vmul.f32 v30, v29  }
0x122: {  	v55 =	vand.u32 $0xFFFF0000, v20;
	v32 =	vshll.u32 v16, $0x10;
	v54 =	vshll.u32 v21, $0x10  }
0x123: {  	v56 =	vand.u32 $0xFFFF0000, v21;
	v33 =	vshll.u32 v27, $0x10;
	v27 =	vand.u32 $0xFFFF0000, v27  }
0x124: {  	v57 =	vshll.u32 v48, $0x10;
	v58 =	vshll.u32 v28, $0x10;
	v23 =	vand.u32 $0xFFFF0000, v48  }
0x125: {  	v28 =	vand.u32 $0xFFFF0000, v28;
	v30 =	vmul.f32 v33, v54;
	v21 =	vmul.f32 v27, v56  }
0x126: {  	v59 =	vand.u32 $0xFFFF0000, v16;
	v27 =	vmul.f32 v58, v57;
	v23 =	vmul.f32 v28, v23  }
0x127: {  	v61 =	vand.u32 $0xFFFF0000, v15;
	v60 =	vmul.f32 v32, v31;
	v16 =	vmul.f32 v59, v55  }
0x128: {  	v15 =	vmul.f32 v61, v53;
	v62 =	vadd.f32 v21, v30;
	v63 =	vadd.f32 v23, v27  }
0x129: {  	v17 =	vmul.f32 v52, v51;
	v16 =	vadd.f32 v16, v60;
	v28 =	vmul.f32 v50, v49  }
0x12a: {  	v15 =	vadd.f32 v15, v29;
	v30 =	vperm.xlane v62, v0;
	v23 =	vperm.xlane v63, v0  }
0x12b: {  	v32 =	vadd.f32 v47, v22;
	v31 =	vperm.xlane v16, v0;
	v17 =	vadd.f32 v17, v28  }
0x12c: {  	v34 =	vperm.xlane v15, v0;
	v18 =	vadd.f32 v62, v30;
	v33 =	vadd.f32 v63, v23  }
0x12d: {  	v36 =	vperm.xlane v32, v0;
	v16 =	vadd.f32 v16, v31;
	v35 =	vperm.xlane v17, v0  }
0x12e: {  	v15 =	vadd.f32 v15, v34;
	v37 =	vperm.xlane v18, v1;
	v38 =	vperm.xlane v33, v1  }
0x12f: {  	v19 =	vadd.f32 v32, v36;
	v39 =	vperm.xlane v16, v1;
	v17 =	vadd.f32 v17, v35  }
0x130: {  	v40 =	vperm.xlane v15, v1;
	v18 =	vadd.f32 v18, v37;
	v20 =	vadd.f32 v33, v38  }
0x131: {  	v23 =	vperm.xlane v19, v1;
	v16 =	vadd.f32 v16, v39;
	v41 =	vperm.xlane v17, v1  }
0x132: {  	v15 =	vadd.f32 v15, v40;
	v24 =	vperm.xlane v18, v2;
	v25 =	vperm.xlane v20, v2  }
0x133: {  	v19 =	vadd.f32 v19, v23;
	v42 =	vperm.xlane v16, v2;
	v17 =	vadd.f32 v17, v41  }
0x134: {  	v43 =	vperm.xlane v15, v2;
	v18 =	vadd.f32 v18, v24;
	v20 =	vadd.f32 v20, v25  }
0x135: {  	v23 =	vperm.xlane v19, v2;
	v16 =	vadd.f32 v16, v42;
	v44 =	vperm.xlane v17, v2  }
0x136: {  	v15 =	vadd.f32 v15, v43;
	v24 =	vperm.xlane v18, v3;
	v25 =	vperm.xlane v20, v3  }
0x137: {  	v19 =	vadd.f32 v19, v23;
	v45 =	vperm.xlane v16, v3;
	v17 =	vadd.f32 v17, v44  }
0x138: {  	v46 =	vperm.xlane v15, v3;
	v18 =	vadd.f32 v18, v24;
	v20 =	vadd.f32 v20, v25  }
0x139: {  	v12 =	vadd.f32 v12, v13;
	v16 =	vadd.f32 v16, v45;
	v47 =	vperm.xlane v17, v3  }
0x13a: {  	v15 =	vadd.f32 v15, v46;
	v49 =	vperm.xlane v19, v3;
	v48 =	vsel vm0, v18, v20  }
0x13b: {  	v51 =	vperm.xlane v12, v3;
	v50 =	vadd.f32 v17, v47;
	v13 =	vsel vm1, v48, v16  }
0x13c: {  	v53 =	vperm.xlane v14, v3;
	v52 =	vadd.f32 v19, v49;
	v13 =	vsel vm2, v13, v15  }
0x13d: {  	v12 =	vadd.f32 v12, v51;
	v54 =	vperm.xlane v11, v3;
	v13 =	vsel vm3, v13, v50  }
0x13e: {  	v14 =	vadd.f32 v14, v53;
	v55 =	vperm.xlane v10, v3;
	v13 =	vsel vm4, v13, v52  }
0x13f: {  	v56 =	vperm.xlane v9, v3;
	v11 =	vadd.f32 v11, v54;
	v12 =	vsel vm5, v13, v12  }
0x140: {  	v10 =	vadd.f32 v10, v55;
	v57 =	vperm.xlane v8, v3;
	v12 =	vsel vm6, v12, v14  }
0x141: {  	v58 =	vperm.xlane v7, v3;
	v9 =	vadd.f32 v9, v56;
	v11 =	vsel vm7, v12, v11  }
0x142: {  	s3 =	sshll.u32 s3, $0x7;
	v59 =	vperm.xlane v6, v3;
	v8 =	vadd.f32 v8, v57;
	v10 =	vsel vm8, v11, v10  }
0x143: {  	s0 =	sor.u32 s0, s3;
	v60 =	vperm.xlane v5, v3;
	v7 =	vadd.f32 v7, v58;
	v9 =	vsel vm9, v10, v9  }
0x144: {  	v61 =	vperm.xlane v4, v3;
	v6 =	vadd.f32 v6, v59;
	v62 =	vld [tilespmem:s0+$0x4400];
	v8 =	vsel vm10, v9, v8  }
0x145: {  	v5 =	vadd.f32 v5, v60;
	v7 =	vsel vm11, v8, v7  }
0x146: {  	v4 =	vadd.f32 v4, v61;
	v63 =	vld [tilespmem:s0+$0x4600];
	v6 =	vsel vm12, v7, v6  }
0x147: {  	v5 =	vsel vm13, v6, v5  }
0x148: {  	v4 =	vsel vm14, v5, v4  }
0x149: {  	v4 =	vadd.f32 v4, v62;
	_ =	sdelay $0x1  }
0x14a: {  	v4 =	vadd.f32 v4, v63;
	_ =	sdelay $0x1  }
0x14b: {  	s8 =	simm.s32 $0x4800;
	[tilespmem:s0+$0x4800] =	vst v4  }
0x14c: {  	[hbm4b:s15+s2] =	stream.linear.scatter [tilespmem:s8], [sflag:$0x2], $0x80, $0x38;
	[tilespmem:$0x4A00] =	vst v63  }
0x14d: {  	_ =	swait.ge [sflag:s20], $0x80  }
0x14e: {  	[sflag:s20] =	ssyncset.done $0x0  }
0x14f: {  	s9 =	simm.s32 $0x4880;
	[sflag:s20] =	ssyncadd.s32 $0xFFFFFF80  }
0x150: {  	[hbm4b:s16+s2] =	stream.linear.scatter [tilespmem:s9], [sflag:$0x2], $0x80, $0x38;
	[tilespmem:$0x4A00] =	vst v63  }
0x151: {  	_ =	swait.ge [sflag:s20], $0x80  }
0x152: {  	[sflag:s20] =	ssyncset.done $0x0  }
0x153: {  	s10 =	simm.s32 $0x4900;
	[sflag:s20] =	ssyncadd.s32 $0xFFFFFF80  }
0x154: {  	[hbm4b:s17+s2] =	stream.linear.scatter [tilespmem:s10], [sflag:$0x2], $0x80, $0x38;
	[tilespmem:$0x4A00] =	vst v63  }
0x155: {  	s31 =	sadd.s32 $0x1, s31;
	_ =	swait.ge [sflag:s20], $0x80  }
0x156: {  	p0 =	sne.s32 s31, s19;
	[sflag:s20] =	ssyncset.done $0x0  }
.Ltmp1:
0x157: {  	s29 =	simm.s32 $0x4980;
	[sflag:s20] =	ssyncadd.s32 $0xFFFFFF80;
	(pc) =	sbr.rel @p0 .LBB2_1-.Ltmp1, $4  }
0x158: {  	[hbm4b:s18+s2] =	stream.linear.scatter [tilespmem:s29], [sflag:$0x2], $0x80, $0x38;
	[tilespmem:$0x4A00] =	vst v63  }
0x159: {  	_ =	swait.ge [sflag:s20], $0x80  }
0x15a: {  	[sflag:s20] =	ssyncset.done $0x0  }
0x15b: {  	[sflag:s20] =	ssyncadd.s32 $0xFFFFFF80  }
0x15c: {  	_ =	sfence.sel $0x180000  }
0x15d: {  	[bflag:$0x0] =	sbarrier.arrive $0xFFFF  }
0x15e: {  	_ =	strace $0x9000004D  }
0x15f: {  	s0 =	stileid.u32;
	[bflag:$0x2] =	sbarrier.arrive $0xFFFF  }
0x160: {  	p0 =	sne.s32 s0, $0x0;
	s0 =	rddreg [dreg:$0x4]  }
0x161: {  	s0 =	sadd.s32 @!p0 $0x100000, s0  }
0x162: {  	[sflag:s0] =	ssyncadd.tile.s32 @!p0 $0x1;
	_ =	shalt  }
.Lfunc_end2:
_tile_overlayer_lowered:
.L_overlay_start_2:
0x163: {  	(tag) =	ssettag $0x2  }
0x164: {  	s0 =	rddreg [dreg:$0x0];
	s2 =	stileid.u32  }
0x165: {  	s1 =	rddreg [dreg:$0x1];
	p0 =	sne.s32 s2, $0x0  }
0x166: {  	s3 =	rddreg [dreg:$0x2];
	[bflag:$0x3] =	sbarrier.arrive $0xFFFF;
	s2 =	simm.s32 @!p0 $0x1C02  }
0x167: {  	[timem:s3], [sflag:s2] =	dma.local @!p0 [hbm:s0], s1  }
0x168: {  	s0 =	simm.s32 @!p0 $0x2  }
0x169: {  	_ =	swait.ge @!p0 [sflag:s0], s1  }
0x16a: {  	s1 =	ssub.s32 @!p0 $0x0, s1;
	[sflag:s0] =	ssyncset.done @!p0 $0x0  }
0x16b: {  	[sflag:s0] =	ssyncadd.s32 @!p0 s1  }
0x16c: {  	[bflag:$0x3] =	sbarrier.arrive $0xFFFF  }
0x16d: {  	_ =	shalt  }

// kernel: sparse-core-data-format-call.1.cloned.1.call-start
scs
called_computation.1_lowered:
.L_overlay_start_0:
0x0: {  	s2 =	sld [smem:$0x3FD9]  }
0x1: {  	s3 =	sld [smem:$0x3FFE];
	_ =	sdelay $0x1  }
0x2: {  	s1 =	srdreg.scid  }
0x3: {  	s0 =	sand.u32 $0x1, s1  }
0x4: {  	s18 =	sshll.u32 s0, $0xA;
	s2 =	sadd.s32 s3, s2  }
0x5: {  	s2 =	sadd.s32 s2, s18  }
0x6: {  	[smem:$0x3FC2] =	sst s2  }
0x7: {  	_ = 	snop  }
0x8: {  	(tm) =	ssettm $0x1  }
0x9: {  	s19 =	sld [smem:$0x3FFB];
	_ =	sdelay $0x3  }
0xa: {  	_ =	strace s19  }
0xb: {  	s2 =	sld [smem:$0x3FFC];
	_ =	sdelay $0x3  }
0xc: {  	_ =	strace s2  }
0xd: {  	s2 =	sld [smem:$0x3FFD];
	_ =	sdelay $0x3  }
0xe: {  	_ =	strace s2  }
0xf: {  	_ =	strace $0x8FFFFFFF  }
0x10: {  	s20 =	sld [smem:$0x3FDB];
	_ =	sdelay $0x1  }
0x11: {  	s21 =	simm.s32 $_scs_section_size  }
0x12: {  	s4 =	simm.s32 $_size__tile_overlayer_lowered;
	s5 =	simm.s32 $_tile_overlayer_lowered  }
0x13: {  	s6 =	simm.s32 $0x1BFF;
	s22 =	sshll.u32 s5, $0x1;
	s3 =	sadd.s32 s21, s20  }
0x14: {  	s23 =	simm.s32 $0x0;
	s4 =	sshll.u32 s4, $0x1;
	s5 =	sadd.s32 s22, s3  }
0x15: {  	[timem:s23], [sflag:s6] =	dma.local [hbm:s5], s4  }
0x16: {  	_ =	swait.ge [sflag:s6], s4  }
0x17: {  	s4 =	ssub.s32 $0x0, s4;
	[sflag:s6] =	ssyncset.done $0x0  }
0x18: {  	[sflag:s6] =	ssyncadd.s32 s4;
	_ =	sdelay $0x1  }
0x19: {  	s24 =	simm.s32 $0x1B8B  }
0x1a: {  	_ =	swait.ge [sflag:s24], $0x1  }
0x1b: {  	[sflag:s24] =	ssyncset.done $0x0  }
0x1c: {  	[sflag:s24] =	ssyncadd.s32 $0xFFFFFFFF  }
0x1d: {  	s4 =	sld [smem:$0x0]  }
0x1e: {  	s5 =	sand.u32 $0xFFFFFFFE, s1  }
0x1f: {  	p0 =	sne.s32 s1, s5  }
0x20: {  	s5 =	sshll.u32 @p0 s5, $0xE  }
0x21: {  	s5 =	sadd.s32 @p0 $0x11B8D, s5;
	s6 =	sshll.u32 @p0 s4, $0x11  }
0x22: {  	s5 =	sor.u32 @p0 s6, s5  }
0x23: {  	[sflag:s5] =	ssyncadd.remote.s32 @p0 $0x1;
	_ =	sdelay $0x1  }
0x24: {  	s5 =	simm.s32 @p0 $0x1B8D  }
0x25: {  	_ =	swait.eq @p0 [sflag:s5], $0x1  }
0x26: {  	[sflag:s5] =	ssyncadd.s32 @p0 $0xFFFFFFFF  }
0x27: {  	s6 =	sshll.u32 @!p0 s1, $0xE  }
0x28: {  	s6 =	sor.u32 @!p0 $0x4000, s6;
	s5 =	simm.s32 @!p0 $0x1B8D  }
0x29: {  	s4 =	sshll.u32 @!p0 s4, $0x11;
	s6 =	sadd.s32 @!p0 $0x11B8D, s6;
	_ =	swait.eq @!p0 [sflag:s5], $0x1  }
0x2a: {  	s4 =	sor.u32 @!p0 s4, s6;
	[sflag:s5] =	ssyncadd.s32 @!p0 $0xFFFFFFFF  }
0x2b: {  	s26 =	simm.s32 $0x1B8E;
	s25 =	sld [smem:$0x3FFE];
	[sflag:s4] =	ssyncadd.remote.s32 @!p0 $0x1  }
0x2c: {  	s27 =	simm.s32 $execute0_lowered;
	[smem:$0x3FD2] =	sst s26  }
0x2d: {  	s5 =	sshll.u32 s27, $0x1;
	_ =	strace $0x80000049;
	[dreg:$0x1] =	wrdreg $0xFFFFFFFF  }
0x2e: {  	s28 =	simm.s32 $_size_execute0_lowered;
	s3 =	sadd.s32 s3, s5;
	[dreg:$0x0] =	wrdreg $0x0  }
0x2f: {  	s5 =	sshll.u32 s28, $0x1;
	[dreg:$0x2] =	wrdreg s3  }
0x30: {  	[dreg:$0x3] =	wrdreg s5  }
0x31: {  	[dreg:$0x4] =	wrdreg $0xC0  }
0x32: {  	_ =	task [dreg:s23], $0x5FFFF  }
0x33: {  	[dreg:$0x1] =	wrdreg $0xFFFFFFFF  }
0x34: {  	[dreg:$0x0] =	wrdreg $0x60  }
0x35: {  	[dreg:$0x2] =	wrdreg s25  }
0x36: {  	[dreg:$0x3] =	wrdreg $0xA  }
0x37: {  	_ =	task.clear_ibuf [dreg:s23], $0x4FFFF;
	_ =	strace $0x90000049  }
0x38: {  	s29 =	simm.s32 $0xA;
	_ =	strace $0x8000004B  }
0x39: {  	_ =	swait.ge [sflag:s29], $0x1  }
0x3a: {  	[sflag:s29] =	ssyncadd.s32 $0xFFFFFFFF  }
0x3b: {  	_ =	strace $0x9000004B  }
0x3c: {  	_ =	sfence  }
0x3d: {  	s30 =	sld [smem:$0x0];
	_ =	sdelay $0x2  }
0x3e: {  	s31 =	sshll.u32 s1, $0xD;
	s1 =	sshrl.u32 s1, $0x2  }
0x3f: {  	s4 =	sand.u32 $0x4000, s31;
	s1 =	sadd.s32 s1, s30  }
0x40: {  	s0 =	sor.u32 s4, s0;
	s1 =	sshll.u32 s1, $0x11  }
0x41: {  	s0 =	sor.u32 s1, s0  }
0x42: {  	s0 =	sadd.s32 $0x8F2B, s0  }
0x43: {  	[sflag:s0] =	ssyncadd.remote.s32 $0x1  }
0x44: {  	_ =	sfence.sel $0xFFFF  }
0x45: {  	[dreg:$0x0] =	wrdreg $0xFFFFFFFF;
	(pc) =	sbr.abs _section_cstart, $3  }
0x46: {  	[dreg:$0x1] =	wrdreg $0xFFFFFFFF  }
0x47: {  	_ =	task.clear_ibuf [dreg:s23], $0x2FFFF;
	_ =	strace $0x9FFFFFFF  }
0x48: {  	(tm) =	ssettm $0x7FFFFFFF  }
0x49: {  	_ =	shalt  }
tec
execute0_lowered:
.L_overlay_start_1:
0x0: {  	(tag) =	ssettag $0x1  }
0x1: {  	s0 =	srdreg.scid  }
0x2: {  	s5 =	rddreg [dreg:$0x0];
	s1 =	stileid.u32;
	s4 =	simm.s32 $0x1  }
0x3: {  	s6 =	simm.s32 $0x2;
	s15 =	simm.s32 $0x0;
	p0 =	por $0x0, $0x0  }
0x4: {  	s8 =	simm.s32 $0x80;
	s14 =	simm.s32 $0x0;
	s2 =	sshll.u32 s0, $0x4  }
0x5: {  	s9 =	simm.s32 $0x0;
	s10 =	simm.s32 $0x0;
	s2 =	sand.u32 $0x10, s2  }
.Ltmp0:
0x6: {  	s12 =	simm.s32 $0x0;
	s3 =	sor.u32 s1, s2;
	(pc) =	sbr.rel .LBB1_1-.Ltmp0, $4  }
0x7: {  	s0 =	rddreg [dreg:$0x1];
	_ =	strace $0x8000004A;
	s3 =	sshll.u32 s3, $0x7  }
0x8: {  	s13 =	simm.s32 $0x0;
	[sflag:s4] =	ssyncpa.u1 $0x0;
	s7 =	ssub.s32 $0xF4200, s3  }
0x9: {  	s2 =	sadd.s32 $0x1313000, s5;
	[sflag:s6] =	ssyncpa.u1 $0x0;
	s6 =	sshrl.u32 s7, $0xC  }
0xa: {  	s5 =	sadd.s32 $0x14FB600, s5;
	s11 =	smov.u32 s3;
	s7 =	sadd.s32 $0x2, s6  }
.LBB1_5:
0xb: {  	p1 =	slt.u32 s13, $0x2  }
0xc: {  	s17 =	smov.u32 s15;
	p2 =	sgt.s32 @!p1 s15, $0xF41C0;
	s16 =	sshra.s32 @!p1 s15, $0x1F  }
0xd: {  	p3 =	sgt.s32 @!p1 s14, $0x70;
	s18 =	sshra.s32 @!p1 s14, $0x1F;
	p2 =	por !p2, p1  }
0xe: {  	s15 =	sand.u32 @!p1 s16, s15;
	p3 =	por !p3, p1;
	s16 =	smov.u32 s14  }
0xf: {  	s14 =	sand.u32 @!p1 s18, s14;
	s17 =	simm.s32 @p2 $0xF41C0;
	s16 =	simm.s32 @p3 $0x70  }
0x10: {  	s15 =	ssub.s32 @!p1 s17, s15;
	s14 =	ssub.s32 @!p1 s16, s14  }
0x11: {  	s18 =	smov.u32 s12;
	s16 =	sadd.s32 @!p1 $0xFFF0BE40, s15;
	s17 =	sadd.s32 @!p1 $0xFFFFFF90, s14  }
0x12: {  	s15 =	ssub.s32 @!p1 $0xF4240, s15;
	p2 =	sgt.s32 @!p1 s16, $0x7F;
	p3 =	sgt.s32 @!p1 s17, $0xF  }
0x13: {  	s14 =	ssub.s32 @!p1 $0x80, s14;
	p2 =	por !p2, p1;
	p3 =	por !p3, p1  }
0x14: {  	s16 =	sadd.s32 $0x1000, s11;
	s15 =	simm.s32 @!p2 $0x0;
	s14 =	simm.s32 @!p3 $0x0  }
0x15: {  	p2 =	sgt.s32 s16, $0xF423F;
	s14 =	smul.u32 @!p1 s14, s15;
	s15 =	sadd.s32 $0x10, s12  }
0x16: {  	s18 =	smov.u32 @p2 s15  }
0x17: {  	s16 =	smov.u32 @p2 s3;
	p2 =	sgt.s32 s18, $0xF  }
0x18: {  	s18 =	simm.s32 @p2 $0x0;
	p2 =	sne.s32 s13, s7  }
.Ltmp1:
0x19: {  	p0 =	por !p0, !p0;
	s17 =	simm.s32 @!p1 $0x2;
	(pc) =	sbr.rel @!p2 .LBB1_6-.Ltmp1, $4  }
0x1a: {  	s15 =	smov.u32 s9;
	s9 =	smov.u32 s11;
	s14 =	sand.u32 @!p1 $0x3FFFFFFF, s14  }
0x1b: {  	s11 =	smov.u32 s16;
	_ =	swait.ge @!p1 [sflag:s17], s14;
	s19 =	ssub.s32 @!p1 $0x0, s14  }
0x1c: {  	s14 =	smov.u32 s10;
	s13 =	sadd.s32 $0x1, s13;
	[sflag:s17] =	ssyncset.done @!p1 $0x0  }
0x1d: {  	s10 =	smov.u32 s12;
	s12 =	smov.u32 s18;
	[sflag:s17] =	ssyncadd.s32 @!p1 s19  }
.LBB1_1:
0x1e: {  	p1 =	sgt.u32 s13, s6  }
0x1f: {  	s16 =	sshrl.u32 @!p1 s12, $0x3  }
0x20: {  	s17 =	sshll.u32 @!p1 s11, $0x3;
	s16 =	smul.u32 @!p1 $0x7A1400, s16  }
0x21: {  	s18 =	sshll.u32 @!p1 s12, $0x7;
	s17 =	sand.u32 @!p1 $0xFFFFFC00, s17  }
0x22: {  	s16 =	sadd.s32 @!p1 s16, s17;
	s17 =	sand.u32 @!p1 $0x380, s18  }
0x23: {  	s18 =	sand.u32 @!p1 $0x7F, s11;
	s16 =	sor.u32 @!p1 s17, s16  }
0x24: {  	s17 =	sor.u32 @!p1 s18, s16  }
0x25: {  	s18 =	smulhi.u32 @!p1 $0x218D6287, s17;
	_ =	sdelay $0x1  }
0x26: {  	s16 =	smulhi.u32 @!p1 $0x218D6287, s16;
	s18 =	sshrl.u32 @!p1 s18, $0x11  }
0x27: {  	s18 =	smul.u32 @!p1 $0xF4280, s18  }
0x28: {  	s19 =	sxor.u32 @!p1 $0xFFFFFFFF, s13;
	s16 =	sshrl.u32 @!p1 s16, $0x11  }
0x29: {  	s19 =	sshll.u32 @!p1 s19, $0xB;
	s16 =	sand.u32 @!p1 $0xF, s16;
	s17 =	ssub.s32 @!p1 s17, s18  }
0x2a: {  	s16 =	smul.u32 @!p1 $0x1E850, s16;
	s18 =	sshrl.u32 @!p1 s17, $0x3;
	s17 =	sand.u32 @!p1 $0x7, s17  }
0x2b: {  	s19 =	sand.u32 @!p1 $0x800, s19;
	s18 =	sadd.s32 @!p1 s2, s18;
	s17 =	sshll.u32 @!p1 s17, $0x12  }
0x2c: {  	s16 =	sadd.s32 @!p1 s16, s18;
	s17 =	sor.u32 @!p1 $0x400, s17;
	s18 =	simm.s32 @!p1 $0x7A1400  }
0x2d: {  	[tilespmem:s19], [sflag:$0x1] =	stream.strided.gather @!p1 [hbm4b:s16+s17], $0x800, s18, s17, $0x38;
	[tilespmem:$0x2100] =	vst v63  }
0x2e: {  	p1 =	seq.s32 s13, $0x0  }
0x2f: {  	p2 =	sge.u32 @!p1 s13, s7  }
0x30: {  	p1 =	por p1, p2  }
.Ltmp2:
0x31: {  	_ = 	snop;
	(pc) =	sbr.rel @p1 .LBB1_5-.Ltmp2, $1  }
0x32: {  	_ =	sdelay $0x3  }
0x33: {  	s16 =	simm.s32 $0x1  }
0x34: {  	_ =	swait.ge [sflag:s4], $0x800;
	s16 =	simm.s32 @!p0 $0x0  }
0x35: {  	[sflag:s4] =	ssyncset.done $0x0;
	s17 =	sshll.u32 s16, $0xB  }
0x36: {  	[sflag:s4] =	ssyncadd.s32 $0xFFFFF800;
	s17 =	sor.u32 $0x40, s17  }
0x37: {  	s16 =	smul.u32 $0x2200, s16;
	v0 =	vld [tilespmem:s17+$0x30]  }
0x38: {  	v1 =	vld [tilespmem:s17+$0xFFFFFFD0]  }
0x39: {  	s16 =	sshrl.u32 s16, $0x2;
	v5 =	vld [tilespmem:s17+$0xFFFFFFE0]  }
0x3a: {  	v6 =	vld [tilespmem:s17+$0xFFFFFFF0];
	s19 =	sor.u32 $0x1000, s16  }
0x3b: {  	s31 =	sand.u32 $0x1, s13;
	v4 =	vld [tilespmem:s17+$0x0];
	s18 =	sadd.s32 $0x0, s19  }
0x3c: {  	v3 =	vld [tilespmem:s17+$0x10];
	s16 =	smul.u32 $0x2200, s31;
	[tilespmem:s18+$0x770 ss:$0x11] =	vst.msk $0xffff, v0  }
0x3d: {  	v2 =	vld [tilespmem:s17+$0x20];
	[tilespmem:s18+$0x110 ss:$0x11] =	vst.msk $0xffff, v1  }
0x3e: {  	s16 =	sshrl.u32 s16, $0x2;
	v1 =	vld [tilespmem:s17+$0xFFFFFFC0];
	[tilespmem:s18+$0x220 ss:$0x11] =	vst.msk $0xffff, v5;
	s17 =	sadd.s32 $0x80, s17  }
0x3f: {  	s20 =	simm.s32 $0x4;
	s21 =	simm.s32 $0x8;
	s16 =	sor.u32 $0x1000, s16;
	[tilespmem:s18+$0x330 ss:$0x11] =	vst.msk $0xffff, v6;
	v0 =	vld [tilespmem:s17+$0x30]  }
.LBB1_3:
0x40: {  	p1 =	sne.s32 s21, $0x3C;
	v5 =	vld [tilespmem:s17+$0xFFFFFFD0];
	[tilespmem:s18+$0x440 ss:$0x11] =	vst.msk $0xffff, v4  }
0x41: {  	v6 =	vld [tilespmem:s17+$0xFFFFFFE0];
	[tilespmem:s18+$0x550 ss:$0x11] =	vst.msk $0xffff, v3  }
0x42: {  	s22 =	sshra.s32 s20, $0x2;
	s20 =	smov.u32 s21;
	v7 =	vld [tilespmem:s17+$0xFFFFFFF0];
	[tilespmem:s18+$0x660 ss:$0x11] =	vst.msk $0xffff, v2  }
.Ltmp3:
0x43: {  	v4 =	vld [tilespmem:s17+$0x0];
	[tilespmem:s18+$0x0 ss:$0x11] =	vst.msk $0xffff, v1;
	s18 =	sadd.s32 s22, s19;
	(pc) =	sbr.rel @p1 .LBB1_3-.Ltmp3, $4  }
0x44: {  	v3 =	vld [tilespmem:s17+$0x10];
	[tilespmem:s18+$0x770 ss:$0x11] =	vst.msk $0xffff, v0  }
0x45: {  	[tilespmem:s18+$0x110 ss:$0x11] =	vst.msk $0xffff, v5;
	v2 =	vld [tilespmem:s17+$0x20]  }
0x46: {  	v1 =	vld [tilespmem:s17+$0xFFFFFFC0];
	[tilespmem:s18+$0x220 ss:$0x11] =	vst.msk $0xffff, v6;
	s17 =	sadd.s32 $0x80, s17  }
0x47: {  	s21 =	sadd.s32 $0x4, s21;
	v0 =	vld [tilespmem:s17+$0x30];
	[tilespmem:s18+$0x330 ss:$0x11] =	vst.msk $0xffff, v7  }
0x48: {  	s21 =	sshll.u32 s9, $0x7;
	s22 =	sshll.u32 s10, $0x3;
	s20 =	sshra.s32 s20, $0x2  }
0x49: {  	p1 =	sgt.s32 s9, $0xF41C0;
	s30 =	sshra.s32 s9, $0x1F;
	s25 =	sshra.s32 s10, $0x1F  }
0x4a: {  	v5 =	vld [tilespmem:s17+$0xFFFFFFD0];
	s28 =	sshrl.u32 s10, $0x3;
	s23 =	sand.u32 $0xFFFFFC00, s21;
	s22 =	sand.u32 $0xFFFFFC00, s22  }
0x4b: {  	[tilespmem:s18+$0x440 ss:$0x11] =	vst.msk $0xffff, v4;
	v58 =	vld [tilespmem:s17+$0xFFFFFFE0];
	s21 =	sand.u32 $0x380, s21;
	s19 =	sadd.s32 s20, s19;
	s22 =	sadd.s32 s22, s23  }
0x4c: {  	v59 =	vld [tilespmem:s17+$0xFFFFFFF0];
	[tilespmem:s18+$0x550 ss:$0x11] =	vst.msk $0xffff, v3;
	s29 =	sor.u32 s21, s22;
	s21 =	smov.u32 s9;
	s22 =	sand.u32 s30, s9  }
0x4d: {  	v60 =	vld [tilespmem:s17+$0x0];
	[tilespmem:s18+$0x660 ss:$0x11] =	vst.msk $0xffff, v2;
	s30 =	sand.u32 $0x7, s10;
	s20 =	sshrl.u32 s29, $0x7;
	s21 =	simm.s32 @!p1 $0xF41C0  }
0x4e: {  	v61 =	vld [tilespmem:s17+$0x10];
	[tilespmem:s18+$0x0 ss:$0x11] =	vst.msk $0xffff, v1;
	p1 =	sgt.s32 s10, $0x70;
	s24 =	ssub.s32 s21, s22;
	s21 =	smov.u32 s10  }
0x4f: {  	v62 =	vld [tilespmem:s17+$0x20];
	[tilespmem:s19+$0x770 ss:$0x11] =	vst.msk $0xffff, v0;
	s31 =	smulhi.u32 $0x218DEF5, s20;
	s22 =	sand.u32 s25, s10;
	s21 =	simm.s32 @!p1 $0x70  }
0x50: {  	v63 =	vld [tilespmem:s17+$0xFFFFFFC0];
	[tilespmem:s19+$0x110 ss:$0x11] =	vst.msk $0xffff, v5;
	s26 =	sadd.s32 $0xFFF0BE40, s24;
	s17 =	ssub.s32 $0xF4240, s24;
	s21 =	ssub.s32 s21, s22  }
0x51: {  	[tilespmem:s19+$0x220 ss:$0x11] =	vst.msk $0xffff, v58;
	s23 =	sshrl.u32 s31, $0xD;
	p1 =	sgt.s32 s26, $0x7F;
	s27 =	sadd.s32 $0xFFFFFF90, s21  }
0x52: {  	[tilespmem:s19+$0x330 ss:$0x11] =	vst.msk $0xffff, v59;
	s23 =	smul.u32 $0xF4240, s23;
	s18 =	ssub.s32 $0x80, s21;
	p2 =	sgt.s32 s27, $0xF  }
.Ltmp4:
0x53: {  	[tilespmem:s19+$0x440 ss:$0x11] =	vst.msk $0xffff, v60;
	s17 =	simm.s32 @p1 $0x0;
	s18 =	simm.s32 @p2 $0x0;
	(pc) =	sbr.rel .LBB1_5-.Ltmp4, $4  }
0x54: {  	s29 =	sand.u32 $0xF, s28;
	[tilespmem:s19+$0x550 ss:$0x11] =	vst.msk $0xffff, v61;
	s20 =	ssub.s32 s20, s23;
	s17 =	smul.u32 s18, s17  }
0x55: {  	[tilespmem:s19+$0x660 ss:$0x11] =	vst.msk $0xffff, v62;
	s21 =	sshll.u32 s30, $0x12;
	s20 =	sshll.u32 s20, $0x4;
	s18 =	sadd.s32 s5, s29  }
0x56: {  	[tilespmem:s19+$0x0 ss:$0x11] =	vst.msk $0xffff, v63;
	s31 =	sor.u32 $0x10, s21;
	s18 =	sadd.s32 s20, s18;
	s17 =	sand.u32 $0x3FFFFFFF, s17  }
0x57: {  	[hbm4b:s18+s31] =	stream.strided.scatter [tilespmem:s16], [sflag:$0x2], s17, s8, s31, $0x8;
	[tilespmem:$0x2100] =	vst v63  }
.LBB1_6:
0x58: {  	_ =	sfence.sel $0x180000  }
0x59: {  	s2 =	simm.s32 $0x1;
	[bflag:$0x0] =	sbarrier.arrive $0xFFFF  }
0x5a: {  	s31 =	simm.s32 $0x2;
	[sflag:s2] =	ssyncpa.u1 $0x1  }
0x5b: {  	[sflag:s31] =	ssyncpa.u1 $0x1  }
0x5c: {  	p0 =	sne.s32 s1, $0x0;
	_ =	strace $0x9000004A  }
0x5d: {  	s0 =	sadd.s32 @!p0 $0x100000, s0;
	[bflag:$0x2] =	sbarrier.arrive $0xFFFF  }
0x5e: {  	[sflag:s0] =	ssyncadd.tile.s32 @!p0 $0x1;
	_ =	shalt  }
.Lfunc_end1:
_tile_overlayer_lowered:
.L_overlay_start_2:
0x5f: {  	(tag) =	ssettag $0x2  }
0x60: {  	s0 =	rddreg [dreg:$0x0];
	s2 =	stileid.u32  }
0x61: {  	s1 =	rddreg [dreg:$0x1];
	p0 =	sne.s32 s2, $0x0  }
0x62: {  	s3 =	rddreg [dreg:$0x2];
	[bflag:$0x3] =	sbarrier.arrive $0xFFFF;
	s2 =	simm.s32 @!p0 $0x1C01  }
0x63: {  	[timem:s3], [sflag:s2] =	dma.local @!p0 [hbm:s0], s1  }
0x64: {  	s0 =	simm.s32 @!p0 $0x1  }
0x65: {  	_ =	swait.ge @!p0 [sflag:s0], s1  }
0x66: {  	s1 =	ssub.s32 @!p0 $0x0, s1;
	[sflag:s0] =	ssyncset.done @!p0 $0x0  }
0x67: {  	[sflag:s0] =	ssyncadd.s32 @!p0 s1  }
0x68: {  	[bflag:$0x3] =	sbarrier.arrive $0xFFFF  }
0x69: {  	_ =	shalt  }

// kernel: sparse-core-data-format-call.cloned.1.call-start
scs
called_computation_lowered:
.L_overlay_start_0:
0x0: {  	s1 =	sld [smem:$0x3FD9]  }
0x1: {  	s2 =	sld [smem:$0x3FFE];
	_ =	sdelay $0x1  }
0x2: {  	s3 =	srdreg.scid  }
0x3: {  	s0 =	sand.u32 $0x1, s3  }
0x4: {  	s17 =	sshll.u32 s0, $0xA;
	s1 =	sadd.s32 s2, s1  }
0x5: {  	s1 =	sadd.s32 s1, s17  }
0x6: {  	[smem:$0x3FC2] =	sst s1  }
0x7: {  	_ = 	snop  }
0x8: {  	(tm) =	ssettm $0x1  }
0x9: {  	s18 =	sld [smem:$0x3FFB];
	_ =	sdelay $0x3  }
0xa: {  	_ =	strace s18  }
0xb: {  	s1 =	sld [smem:$0x3FFC];
	_ =	sdelay $0x3  }
0xc: {  	_ =	strace s1  }
0xd: {  	s1 =	sld [smem:$0x3FFD];
	_ =	sdelay $0x3  }
0xe: {  	_ =	strace s1  }
0xf: {  	_ =	strace $0x8FFFFFFF  }
0x10: {  	s19 =	sld [smem:$0x3FDB];
	_ =	sdelay $0x1  }
0x11: {  	s20 =	simm.s32 $_scs_section_size  }
0x12: {  	s4 =	simm.s32 $_size__tile_overlayer_lowered;
	s5 =	simm.s32 $_tile_overlayer_lowered  }
0x13: {  	s23 =	simm.s32 $0x1BFF;
	s22 =	sshll.u32 s5, $0x1;
	s1 =	sadd.s32 s20, s19  }
0x14: {  	s6 =	simm.s32 $0x0;
	s21 =	sshll.u32 s4, $0x1;
	s4 =	sadd.s32 s22, s1  }
0x15: {  	[timem:s6], [sflag:s23] =	dma.local [hbm:s4], s21  }
0x16: {  	_ =	swait.ge [sflag:s23], s21  }
0x17: {  	s2 =	ssub.s32 $0x0, s21;
	[sflag:s23] =	ssyncset.done $0x0  }
0x18: {  	[sflag:s23] =	ssyncadd.s32 s2;
	_ =	sdelay $0x1  }
0x19: {  	s24 =	simm.s32 $0x1B8B  }
0x1a: {  	_ =	swait.ge [sflag:s24], $0x1  }
0x1b: {  	[sflag:s24] =	ssyncset.done $0x0  }
0x1c: {  	s26 =	simm.s32 $0x1B8E;
	s25 =	sld [smem:$0x3FFE];
	[sflag:s24] =	ssyncadd.s32 $0xFFFFFFFF  }
0x1d: {  	s27 =	simm.s32 $execute0_lowered;
	[smem:$0x3FD2] =	sst s26  }
0x1e: {  	s4 =	sshll.u32 s27, $0x1;
	_ =	strace $0x80000046;
	[dreg:$0x1] =	wrdreg $0xFFFFFFFF  }
0x1f: {  	s28 =	simm.s32 $_size_execute0_lowered;
	s1 =	sadd.s32 s1, s4;
	[dreg:$0x0] =	wrdreg $0x0  }
0x20: {  	s4 =	sshll.u32 s28, $0x1;
	[dreg:$0x2] =	wrdreg s1  }
0x21: {  	[dreg:$0x3] =	wrdreg s4  }
0x22: {  	[dreg:$0x4] =	wrdreg $0xC0  }
0x23: {  	_ =	task [dreg:s6], $0x5FFFF  }
0x24: {  	[dreg:$0x1] =	wrdreg $0xFFFFFFFF  }
0x25: {  	[dreg:$0x0] =	wrdreg $0x60  }
0x26: {  	[dreg:$0x2] =	wrdreg s25  }
0x27: {  	[dreg:$0x3] =	wrdreg $0x9  }
0x28: {  	_ =	task.clear_ibuf [dreg:s6], $0x4FFFF;
	_ =	strace $0x90000046  }
0x29: {  	s29 =	simm.s32 $0x9;
	_ =	strace $0x80000048  }
0x2a: {  	_ =	swait.ge [sflag:s29], $0x1  }
0x2b: {  	[sflag:s29] =	ssyncadd.s32 $0xFFFFFFFF  }
0x2c: {  	_ =	strace $0x90000048  }
0x2d: {  	_ =	sfence  }
0x2e: {  	s30 =	sld [smem:$0x0];
	_ =	sdelay $0x2  }
0x2f: {  	s31 =	sshll.u32 s3, $0xD;
	s3 =	sshrl.u32 s3, $0x2  }
0x30: {  	s2 =	sand.u32 $0x4000, s31;
	s1 =	sadd.s32 s3, s30  }
0x31: {  	s0 =	sor.u32 s2, s0;
	s1 =	sshll.u32 s1, $0x11  }
0x32: {  	s0 =	sor.u32 s1, s0  }
0x33: {  	s0 =	sadd.s32 $0x8F2B, s0  }
0x34: {  	[sflag:s0] =	ssyncadd.remote.s32 $0x1  }
0x35: {  	_ =	sfence.sel $0xFFFF  }
0x36: {  	[dreg:$0x0] =	wrdreg $0xFFFFFFFF;
	(pc) =	sbr.abs _section_cstart, $3  }
0x37: {  	[dreg:$0x1] =	wrdreg $0xFFFFFFFF  }
0x38: {  	_ =	task.clear_ibuf [dreg:s6], $0x2FFFF;
	_ =	strace $0x9FFFFFFF  }
0x39: {  	(tm) =	ssettm $0x7FFFFFFF  }
tec
execute0_lowered:
.L_overlay_start_1:
0x0: {  	(tag) =	ssettag $0x1  }
0x1: {  	s0 =	srdreg.scid  }
0x2: {  	s5 =	rddreg [dreg:$0x0];
	s1 =	stileid.u32;
	s4 =	simm.s32 $0x1  }
0x3: {  	s6 =	simm.s32 $0x2;
	s15 =	simm.s32 $0x0;
	p0 =	por $0x0, $0x0  }
0x4: {  	s8 =	simm.s32 $0x80;
	s14 =	simm.s32 $0x0;
	s2 =	sshll.u32 s0, $0x4  }
0x5: {  	s9 =	simm.s32 $0x0;
	s10 =	simm.s32 $0x0;
	s2 =	sand.u32 $0x10, s2  }
.Ltmp0:
0x6: {  	s12 =	simm.s32 $0x0;
	s3 =	sor.u32 s1, s2;
	(pc) =	sbr.rel .LBB1_1-.Ltmp0, $4  }
0x7: {  	s0 =	rddreg [dreg:$0x1];
	_ =	strace $0x80000047;
	s3 =	sshll.u32 s3, $0x7  }
0x8: {  	s13 =	simm.s32 $0x0;
	[sflag:s4] =	ssyncpa.u1 $0x0;
	s7 =	ssub.s32 $0xF4200, s3  }
0x9: {  	s2 =	sadd.s32 $0x1E8600, s5;
	[sflag:s6] =	ssyncpa.u1 $0x0;
	s6 =	sshrl.u32 s7, $0xC  }
0xa: {  	s5 =	sadd.s32 $0x3D0C00, s5;
	s11 =	smov.u32 s3;
	s7 =	sadd.s32 $0x2, s6  }
.LBB1_5:
0xb: {  	p1 =	slt.u32 s13, $0x2  }
0xc: {  	s17 =	smov.u32 s15;
	p2 =	sgt.s32 @!p1 s15, $0xF41C0;
	s16 =	sshra.s32 @!p1 s15, $0x1F  }
0xd: {  	p3 =	sgt.s32 @!p1 s14, $0x70;
	s18 =	sshra.s32 @!p1 s14, $0x1F;
	p2 =	por !p2, p1  }
0xe: {  	s15 =	sand.u32 @!p1 s16, s15;
	p3 =	por !p3, p1;
	s16 =	smov.u32 s14  }
0xf: {  	s14 =	sand.u32 @!p1 s18, s14;
	s17 =	simm.s32 @p2 $0xF41C0;
	s16 =	simm.s32 @p3 $0x70  }
0x10: {  	s15 =	ssub.s32 @!p1 s17, s15;
	s14 =	ssub.s32 @!p1 s16, s14  }
0x11: {  	s18 =	smov.u32 s12;
	s16 =	sadd.s32 @!p1 $0xFFF0BE40, s15;
	s17 =	sadd.s32 @!p1 $0xFFFFFF90, s14  }
0x12: {  	s15 =	ssub.s32 @!p1 $0xF4240, s15;
	p2 =	sgt.s32 @!p1 s16, $0x7F;
	p3 =	sgt.s32 @!p1 s17, $0xF  }
0x13: {  	s14 =	ssub.s32 @!p1 $0x80, s14;
	p2 =	por !p2, p1;
	p3 =	por !p3, p1  }
0x14: {  	s16 =	sadd.s32 $0x1000, s11;
	s15 =	simm.s32 @!p2 $0x0;
	s14 =	simm.s32 @!p3 $0x0  }
0x15: {  	p2 =	sgt.s32 s16, $0xF423F;
	s14 =	smul.u32 @!p1 s14, s15;
	s15 =	sadd.s32 $0x10, s12  }
0x16: {  	s18 =	smov.u32 @p2 s15  }
0x17: {  	s16 =	smov.u32 @p2 s3;
	p2 =	sgt.s32 s18, $0xF  }
0x18: {  	s18 =	simm.s32 @p2 $0x0;
	p2 =	sne.s32 s13, s7  }
.Ltmp1:
0x19: {  	p0 =	por !p0, !p0;
	s17 =	simm.s32 @!p1 $0x2;
	(pc) =	sbr.rel @!p2 .LBB1_6-.Ltmp1, $4  }
0x1a: {  	s15 =	smov.u32 s9;
	s9 =	smov.u32 s11;
	s14 =	sand.u32 @!p1 $0x3FFFFFFF, s14  }
0x1b: {  	s11 =	smov.u32 s16;
	_ =	swait.ge @!p1 [sflag:s17], s14;
	s19 =	ssub.s32 @!p1 $0x0, s14  }
0x1c: {  	s14 =	smov.u32 s10;
	s13 =	sadd.s32 $0x1, s13;
	[sflag:s17] =	ssyncset.done @!p1 $0x0  }
0x1d: {  	s10 =	smov.u32 s12;
	s12 =	smov.u32 s18;
	[sflag:s17] =	ssyncadd.s32 @!p1 s19  }
.LBB1_1:
0x1e: {  	p1 =	sgt.u32 s13, s6  }
0x1f: {  	s16 =	sshrl.u32 @!p1 s12, $0x3  }
0x20: {  	s17 =	sshll.u32 @!p1 s11, $0x3;
	s16 =	smul.u32 @!p1 $0x7A1400, s16  }
0x21: {  	s18 =	sshll.u32 @!p1 s12, $0x7;
	s17 =	sand.u32 @!p1 $0xFFFFFC00, s17  }
0x22: {  	s16 =	sadd.s32 @!p1 s16, s17;
	s17 =	sand.u32 @!p1 $0x380, s18  }
0x23: {  	s18 =	sand.u32 @!p1 $0x7F, s11;
	s16 =	sor.u32 @!p1 s17, s16  }
0x24: {  	s17 =	sor.u32 @!p1 s18, s16  }
0x25: {  	s18 =	smulhi.u32 @!p1 $0x218D6287, s17;
	_ =	sdelay $0x1  }
0x26: {  	s16 =	smulhi.u32 @!p1 $0x218D6287, s16;
	s18 =	sshrl.u32 @!p1 s18, $0x11  }
0x27: {  	s18 =	smul.u32 @!p1 $0xF4280, s18  }
0x28: {  	s19 =	sxor.u32 @!p1 $0xFFFFFFFF, s13;
	s16 =	sshrl.u32 @!p1 s16, $0x11  }
0x29: {  	s19 =	sshll.u32 @!p1 s19, $0xB;
	s16 =	sand.u32 @!p1 $0xF, s16;
	s17 =	ssub.s32 @!p1 s17, s18  }
0x2a: {  	s16 =	smul.u32 @!p1 $0x1E850, s16;
	s18 =	sshrl.u32 @!p1 s17, $0x3;
	s17 =	sand.u32 @!p1 $0x7, s17  }
0x2b: {  	s19 =	sand.u32 @!p1 $0x800, s19;
	s18 =	sadd.s32 @!p1 s2, s18;
	s17 =	sshll.u32 @!p1 s17, $0x12  }
0x2c: {  	s16 =	sadd.s32 @!p1 s16, s18;
	s17 =	sor.u32 @!p1 $0x400, s17;
	s18 =	simm.s32 @!p1 $0x7A1400  }
0x2d: {  	[tilespmem:s19], [sflag:$0x1] =	stream.strided.gather @!p1 [hbm4b:s16+s17], $0x800, s18, s17, $0x38;
	[tilespmem:$0x2100] =	vst v63  }
0x2e: {  	p1 =	seq.s32 s13, $0x0  }
0x2f: {  	p2 =	sge.u32 @!p1 s13, s7  }
0x30: {  	p1 =	por p1, p2  }
.Ltmp2:
0x31: {  	_ = 	snop;
	(pc) =	sbr.rel @p1 .LBB1_5-.Ltmp2, $1  }
0x32: {  	_ =	sdelay $0x3  }
0x33: {  	s16 =	simm.s32 $0x1  }
0x34: {  	_ =	swait.ge [sflag:s4], $0x800;
	s16 =	simm.s32 @!p0 $0x0  }
0x35: {  	[sflag:s4] =	ssyncset.done $0x0;
	s17 =	sshll.u32 s16, $0xB  }
0x36: {  	[sflag:s4] =	ssyncadd.s32 $0xFFFFF800;
	s17 =	sor.u32 $0x40, s17  }
0x37: {  	s16 =	smul.u32 $0x2200, s16;
	v0 =	vld [tilespmem:s17+$0x30]  }
0x38: {  	v1 =	vld [tilespmem:s17+$0xFFFFFFD0]  }
0x39: {  	s16 =	sshrl.u32 s16, $0x2;
	v5 =	vld [tilespmem:s17+$0xFFFFFFE0]  }
0x3a: {  	v6 =	vld [tilespmem:s17+$0xFFFFFFF0];
	s19 =	sor.u32 $0x1000, s16  }
0x3b: {  	s31 =	sand.u32 $0x1, s13;
	v4 =	vld [tilespmem:s17+$0x0];
	s18 =	sadd.s32 $0x0, s19  }
0x3c: {  	v3 =	vld [tilespmem:s17+$0x10];
	s16 =	smul.u32 $0x2200, s31;
	[tilespmem:s18+$0x770 ss:$0x11] =	vst.msk $0xffff, v0  }
0x3d: {  	v2 =	vld [tilespmem:s17+$0x20];
	[tilespmem:s18+$0x110 ss:$0x11] =	vst.msk $0xffff, v1  }
0x3e: {  	s16 =	sshrl.u32 s16, $0x2;
	v1 =	vld [tilespmem:s17+$0xFFFFFFC0];
	[tilespmem:s18+$0x220 ss:$0x11] =	vst.msk $0xffff, v5;
	s17 =	sadd.s32 $0x80, s17  }
0x3f: {  	s20 =	simm.s32 $0x4;
	s21 =	simm.s32 $0x8;
	s16 =	sor.u32 $0x1000, s16;
	[tilespmem:s18+$0x330 ss:$0x11] =	vst.msk $0xffff, v6;
	v0 =	vld [tilespmem:s17+$0x30]  }
.LBB1_3:
0x40: {  	p1 =	sne.s32 s21, $0x3C;
	v5 =	vld [tilespmem:s17+$0xFFFFFFD0];
	[tilespmem:s18+$0x440 ss:$0x11] =	vst.msk $0xffff, v4  }
0x41: {  	v6 =	vld [tilespmem:s17+$0xFFFFFFE0];
	[tilespmem:s18+$0x550 ss:$0x11] =	vst.msk $0xffff, v3  }
0x42: {  	s22 =	sshra.s32 s20, $0x2;
	s20 =	smov.u32 s21;
	v7 =	vld [tilespmem:s17+$0xFFFFFFF0];
	[tilespmem:s18+$0x660 ss:$0x11] =	vst.msk $0xffff, v2  }
.Ltmp3:
0x43: {  	v4 =	vld [tilespmem:s17+$0x0];
	[tilespmem:s18+$0x0 ss:$0x11] =	vst.msk $0xffff, v1;
	s18 =	sadd.s32 s22, s19;
	(pc) =	sbr.rel @p1 .LBB1_3-.Ltmp3, $4  }
0x44: {  	v3 =	vld [tilespmem:s17+$0x10];
	[tilespmem:s18+$0x770 ss:$0x11] =	vst.msk $0xffff, v0  }
0x45: {  	[tilespmem:s18+$0x110 ss:$0x11] =	vst.msk $0xffff, v5;
	v2 =	vld [tilespmem:s17+$0x20]  }
0x46: {  	v1 =	vld [tilespmem:s17+$0xFFFFFFC0];
	[tilespmem:s18+$0x220 ss:$0x11] =	vst.msk $0xffff, v6;
	s17 =	sadd.s32 $0x80, s17  }
0x47: {  	s21 =	sadd.s32 $0x4, s21;
	v0 =	vld [tilespmem:s17+$0x30];
	[tilespmem:s18+$0x330 ss:$0x11] =	vst.msk $0xffff, v7  }
0x48: {  	s21 =	sshll.u32 s9, $0x7;
	s22 =	sshll.u32 s10, $0x3;
	s20 =	sshra.s32 s20, $0x2  }
0x49: {  	p1 =	sgt.s32 s9, $0xF41C0;
	s30 =	sshra.s32 s9, $0x1F;
	s25 =	sshra.s32 s10, $0x1F  }
0x4a: {  	v5 =	vld [tilespmem:s17+$0xFFFFFFD0];
	s28 =	sshrl.u32 s10, $0x3;
	s23 =	sand.u32 $0xFFFFFC00, s21;
	s22 =	sand.u32 $0xFFFFFC00, s22  }
0x4b: {  	[tilespmem:s18+$0x440 ss:$0x11] =	vst.msk $0xffff, v4;
	v58 =	vld [tilespmem:s17+$0xFFFFFFE0];
	s21 =	sand.u32 $0x380, s21;
	s19 =	sadd.s32 s20, s19;
	s22 =	sadd.s32 s22, s23  }
0x4c: {  	v59 =	vld [tilespmem:s17+$0xFFFFFFF0];
	[tilespmem:s18+$0x550 ss:$0x11] =	vst.msk $0xffff, v3;
	s29 =	sor.u32 s21, s22;
	s21 =	smov.u32 s9;
	s22 =	sand.u32 s30, s9  }
0x4d: {  	v60 =	vld [tilespmem:s17+$0x0];
	[tilespmem:s18+$0x660 ss:$0x11] =	vst.msk $0xffff, v2;
	s30 =	sand.u32 $0x7, s10;
	s20 =	sshrl.u32 s29, $0x7;
	s21 =	simm.s32 @!p1 $0xF41C0  }
0x4e: {  	v61 =	vld [tilespmem:s17+$0x10];
	[tilespmem:s18+$0x0 ss:$0x11] =	vst.msk $0xffff, v1;
	p1 =	sgt.s32 s10, $0x70;
	s24 =	ssub.s32 s21, s22;
	s21 =	smov.u32 s10  }
0x4f: {  	v62 =	vld [tilespmem:s17+$0x20];
	[tilespmem:s19+$0x770 ss:$0x11] =	vst.msk $0xffff, v0;
	s31 =	smulhi.u32 $0x218DEF5, s20;
	s22 =	sand.u32 s25, s10;
	s21 =	simm.s32 @!p1 $0x70  }
0x50: {  	v63 =	vld [tilespmem:s17+$0xFFFFFFC0];
	[tilespmem:s19+$0x110 ss:$0x11] =	vst.msk $0xffff, v5;
	s26 =	sadd.s32 $0xFFF0BE40, s24;
	s17 =	ssub.s32 $0xF4240, s24;
	s21 =	ssub.s32 s21, s22  }
0x51: {  	[tilespmem:s19+$0x220 ss:$0x11] =	vst.msk $0xffff, v58;
	s23 =	sshrl.u32 s31, $0xD;
	p1 =	sgt.s32 s26, $0x7F;
	s27 =	sadd.s32 $0xFFFFFF90, s21  }
0x52: {  	[tilespmem:s19+$0x330 ss:$0x11] =	vst.msk $0xffff, v59;
	s23 =	smul.u32 $0xF4240, s23;
	s18 =	ssub.s32 $0x80, s21;
	p2 =	sgt.s32 s27, $0xF  }
.Ltmp4:
0x53: {  	[tilespmem:s19+$0x440 ss:$0x11] =	vst.msk $0xffff, v60;
	s17 =	simm.s32 @p1 $0x0;
	s18 =	simm.s32 @p2 $0x0;
	(pc) =	sbr.rel .LBB1_5-.Ltmp4, $4  }
0x54: {  	s29 =	sand.u32 $0xF, s28;
	[tilespmem:s19+$0x550 ss:$0x11] =	vst.msk $0xffff, v61;
	s20 =	ssub.s32 s20, s23;
	s17 =	smul.u32 s18, s17  }
0x55: {  	[tilespmem:s19+$0x660 ss:$0x11] =	vst.msk $0xffff, v62;
	s21 =	sshll.u32 s30, $0x12;
	s20 =	sshll.u32 s20, $0x4;
	s18 =	sadd.s32 s5, s29  }
0x56: {  	[tilespmem:s19+$0x0 ss:$0x11] =	vst.msk $0xffff, v63;
	s31 =	sor.u32 $0x10, s21;
	s18 =	sadd.s32 s20, s18;
	s17 =	sand.u32 $0x3FFFFFFF, s17  }
0x57: {  	[hbm4b:s18+s31] =	stream.strided.scatter [tilespmem:s16], [sflag:$0x2], s17, s8, s31, $0x8;
	[tilespmem:$0x2100] =	vst v63  }
.LBB1_6:
0x58: {  	_ =	sfence.sel $0x180000  }
0x59: {  	s2 =	simm.s32 $0x1;
	[bflag:$0x0] =	sbarrier.arrive $0xFFFF  }
0x5a: {  	s31 =	simm.s32 $0x2;
	[sflag:s2] =	ssyncpa.u1 $0x1  }
0x5b: {  	[sflag:s31] =	ssyncpa.u1 $0x1  }
0x5c: {  	p0 =	sne.s32 s1, $0x0;
	_ =	strace $0x90000047  }
0x5d: {  	s0 =	sadd.s32 @!p0 $0x100000, s0;
	[bflag:$0x2] =	sbarrier.arrive $0xFFFF  }
0x5e: {  	[sflag:s0] =	ssyncadd.tile.s32 @!p0 $0x1;
	_ =	shalt  }
.Lfunc_end1:
_tile_overlayer_lowered:
.L_overlay_start_2:
0x5f: {  	(tag) =	ssettag $0x2  }
0x60: {  	s0 =	rddreg [dreg:$0x0];
	s2 =	stileid.u32  }
0x61: {  	s1 =	rddreg [dreg:$0x1];
	p0 =	sne.s32 s2, $0x0  }
0x62: {  	s3 =	rddreg [dreg:$0x2];
	[bflag:$0x3] =	sbarrier.arrive $0xFFFF;
	s2 =	simm.s32 @!p0 $0x1C01  }
0x63: {  	[timem:s3], [sflag:s2] =	dma.local @!p0 [hbm:s0], s1  }
0x64: {  	s0 =	simm.s32 @!p0 $0x1  }
0x65: {  	_ =	swait.ge @!p0 [sflag:s0], s1  }
0x66: {  	s1 =	ssub.s32 @!p0 $0x0, s1;
	[sflag:s0] =	ssyncset.done @!p0 $0x0  }
0x67: {  	[sflag:s0] =	ssyncadd.s32 @!p0 s1  }
0x68: {  	[bflag:$0x3] =	sbarrier.arrive $0xFFFF  }
0x69: {  	_ =	shalt  }

</sc_bundles>
